<compile_context>
chip_gen: v7x
topology: tpu7x:2x2x1
jax: 0.10.2.dev20260603
libtpu: 0.0.44.dev20260713+nightly
codegen_flags: <defaults>
</compile_context>

<pallas_src>
import functools

import jax
import jax.numpy as jnp
import numpy as np
from jax import lax
from jax.experimental import pallas as pl
from jax.experimental.pallas import tpu as pltpu
from jax.experimental.pallas import tpu_sc as plsc

N_POINTS = 8192
N1 = 1639
N2 = 410
NUM_FEATURES = 3
NUM_CLASSES = 40
MAX_NB = 64
BN_EPS = 1e-05



def _fps_body(n_samples, px_ref, py_ref, pz_ref, rows_ref, dinit_ref,
              iota_ref, idx_ref, coord_ref, dists_ref):
    iota = iota_ref[...]
    px = px_ref[...]
    py = py_ref[...]
    pz = pz_ref[...]
    dists_ref[...] = dinit_ref[...]
    idx_ref[...] = jnp.zeros(idx_ref.shape, jnp.int32)
    coord_ref[...] = jnp.zeros(coord_ref.shape, jnp.float32)

    def extract(i, sel_idx):
        idx_ref[pl.ds(i, 1), :] = jnp.full((1, 128), sel_idx, jnp.int32)
        row = rows_ref[pl.ds(sel_idx, 1), pl.ds(0, 128)]
        coord_ref[pl.ds(i, 1), :] = row
        return row[0:1, 0:1], row[0:1, 1:2], row[0:1, 2:3]

    sx0, sy0, sz0 = extract(0, 0)

    def body(i, carry):
        sx, sy, sz = carry
        dx = px - sx
        dy = py - sy
        dz = pz - sz
        d = dx * dx + dy * dy + dz * dz
        nd = jnp.minimum(dists_ref[...], d)
        dists_ref[...] = nd
        mval = jnp.max(nd)
        nxt = jnp.min(jnp.where(nd == mval, iota, jnp.int32(2**31 - 1)))
        return extract(i, nxt)

    jax.lax.fori_loop(1, n_samples, body, (sx0, sy0, sz0), unroll=False)


def _prep_planes(pos, npad):
    n = pos.shape[0]
    return jnp.pad(pos, ((0, npad - n), (0, 0))).T.reshape(3, npad // 128, 128)


def _run_fps(planes, pos_rows, n, n_samples, n_pad):
    r = planes.shape[1]
    npad = r * 128
    ar = jnp.arange(npad, dtype=jnp.int32).reshape(r, 128)
    dinit = jnp.where(ar < n, jnp.float32(1e30), jnp.float32(-1e30))
    idx_out, coord_out = pl.pallas_call(
        functools.partial(_fps_body, n_samples),
        out_shape=(jax.ShapeDtypeStruct((n_pad, 128), jnp.int32),
                   jax.ShapeDtypeStruct((n_pad, 128), jnp.float32)),
        scratch_shapes=[pltpu.VMEM((r, 128), jnp.float32)],
    )(planes[0], planes[1], planes[2], pos_rows, dinit, ar)
    return idx_out[:n_samples, 0], coord_out[:n_samples, :3], coord_out



_F32_INF_BITS = 0x7F800000


def _cumsum_lanes(x):
    p = x.shape[1]
    sh = 1
    while sh < p:
        x = x + jnp.concatenate(
            [jnp.zeros_like(x[:, :sh]), x[:, :-sh]], axis=1)
        sh *= 2
    return x


def _thresh_body(p_valid, rr, qc_ref, px_ref, py_ref, pz_ref, s_ref, n_ref):
    pdim = px_ref.shape[1]
    qx = qc_ref[:, 0:1]
    qy = qc_ref[:, 1:2]
    qz = qc_ref[:, 2:3]
    dx = qx - px_ref[...]
    dy = qy - py_ref[...]
    dz = qz - pz_ref[...]
    d2 = dx * dx + dy * dy + dz * dz
    jlane = jax.lax.broadcasted_iota(jnp.int32, (1, pdim), 1)
    inr = (d2 <= rr) & (jlane < p_valid)
    key = jnp.where(inr, jax.lax.bitcast_convert_type(d2, jnp.int32),
                    _F32_INF_BITS)
    v = jnp.zeros((qc_ref.shape[0], 1), jnp.int32)
    for b in range(30, -1, -1):
        cand = v | (1 << b)
        cnt = jnp.sum(jnp.where(key < cand, 1, 0), axis=1, keepdims=True)
        v = jnp.where(cnt >= MAX_NB, v, cand)
    cnt_less = jnp.sum(jnp.where(key < v, 1, 0), axis=1, keepdims=True)
    m = MAX_NB - cnt_less
    ties = (key == v) & (v < _F32_INF_BITS)
    tr = _cumsum_lanes(ties.astype(jnp.int32))
    sel = (key < v) | (ties & (tr <= m))
    rank = _cumsum_lanes(sel.astype(jnp.int32))
    s_ref[...] = jnp.where(sel, rank - 1, -1)
    n_ref[...] = jnp.broadcast_to(rank[:, pdim - 1:pdim], n_ref.shape)


def _run_thresh(q_rows, planes_flat, p_valid, rr, q_pad):
    pdim = planes_flat.shape[2]
    qb = 32
    grid = (q_pad // qb,)
    pt_spec = pl.BlockSpec((1, pdim), lambda i: (0, 0))
    s_out, n_out = pl.pallas_call(
        functools.partial(_thresh_body, p_valid, rr),
        grid=grid,
        in_specs=[pl.BlockSpec((qb, 128), lambda i: (i, 0)),
                  pt_spec, pt_spec, pt_spec],
        out_specs=[pl.BlockSpec((qb, pdim), lambda i: (i, 0)),
                   pl.BlockSpec((qb, 128), lambda i: (i, 0))],
        out_shape=(jax.ShapeDtypeStruct((q_pad, pdim), jnp.int32),
                   jax.ShapeDtypeStruct((q_pad, 128), jnp.int32)),
    )(q_rows, planes_flat[0], planes_flat[1], planes_flat[2])
    return s_out, n_out



def _gather_rows(s_map, a_rows, q_pad, p_dim, d_dim):
    mesh = plsc.VectorSubcoreMesh(core_axis_name="c", subcore_axis_name="s")
    info = plsc.get_sparse_core_info()
    nw = info.num_cores * info.num_subcores
    qpw = q_pad // nw
    nchunk = p_dim // 16

    @functools.partial(
        pl.kernel, mesh=mesh,
        compiler_params=pltpu.CompilerParams(needs_layout_passes=False),
        out_type=jax.ShapeDtypeStruct((q_pad * MAX_NB, d_dim), jnp.float32),
        scratch_types=[
            pltpu.VMEM((p_dim,), jnp.int32),
            pltpu.VMEM((128,), jnp.int32),
            pltpu.VMEM((MAX_NB, d_dim), jnp.float32),
            pltpu.SemaphoreType.DMA,
        ],
    )
    def k(s_hbm, a_hbm, out_hbm, srow_v, nb_v, rows_v, sem):
        wid = lax.axis_index("s") * info.num_cores + lax.axis_index("c")
        base_q = wid * qpw

        def per_q(qi, _):
            q = base_q + qi
            pltpu.sync_copy(s_hbm.at[q], srow_v)
            for i in range(128 // 16):
                nb_v[pl.ds(i * 16, 16)] = jnp.zeros((16,), jnp.int32)

            def chunk(c, _):
                slots = srow_v[pl.ds(c * 16, 16)]
                jv = lax.iota(jnp.int32, 16) + c * 16
                plsc.store_scatter(nb_v, [slots], jv, mask=slots >= 0)
                return 0

            lax.fori_loop(0, nchunk, chunk, 0, unroll=4)
            pltpu.async_copy(a_hbm.at[nb_v.at[pl.ds(0, MAX_NB)]], rows_v,
                             sem).wait()
            pltpu.sync_copy(rows_v, out_hbm.at[pl.ds(q * MAX_NB, MAX_NB)])
            return 0

        lax.fori_loop(0, qpw, per_q, 0)

    return k(s_map, a_rows)



def _a1_body(xp_ref, w_ref, b_ref, qc_ref, wp_ref, a_ref, c_ref):
    a_ref[...] = (jnp.dot(xp_ref[...], w_ref[...],
                          preferred_element_type=jnp.float32) + b_ref[...])
    c_ref[...] = (qc_ref[:, 0:1] * wp_ref[0:1, :]
                  + qc_ref[:, 1:2] * wp_ref[1:2, :]
                  + qc_ref[:, 2:3] * wp_ref[2:3, :])


def _run_a1(xp, w_pad, b_row, q_rows, wp):
    return pl.pallas_call(
        _a1_body,
        out_shape=(jax.ShapeDtypeStruct((xp.shape[0], w_pad.shape[1]), jnp.float32),
                   jax.ShapeDtypeStruct((q_rows.shape[0], w_pad.shape[1]), jnp.float32)),
    )(xp, w_pad, b_row, q_rows, wp)


def _a2_body(x1_ref, w_ref, b_ref, pc_ref, wp_ref, qc_ref, a_ref, c_ref):
    a_ref[...] = (jnp.dot(x1_ref[...], w_ref[...],
                          preferred_element_type=jnp.float32)
                  + pc_ref[:, 0:1] * wp_ref[0:1, :]
                  + pc_ref[:, 1:2] * wp_ref[1:2, :]
                  + pc_ref[:, 2:3] * wp_ref[2:3, :]
                  + b_ref[...])
    c_ref[...] = (qc_ref[:, 0:1] * wp_ref[0:1, :]
                  + qc_ref[:, 1:2] * wp_ref[1:2, :]
                  + qc_ref[:, 2:3] * wp_ref[2:3, :])


def _run_a2(x1p, w, b_row, pc_rows, wp, q_rows):
    return pl.pallas_call(
        _a2_body,
        out_shape=(jax.ShapeDtypeStruct((x1p.shape[0], w.shape[1]), jnp.float32),
                   jax.ShapeDtypeStruct((q_rows.shape[0], w.shape[1]), jnp.float32)),
    )(x1p, w, b_row, pc_rows, wp, q_rows)


def _pair_body(g_ref, c_ref, n_ref,
               g1_ref, t1_ref, w2_ref, b2_ref, g2_ref, t2_ref,
               w3_ref, b3_ref, out_ref):
    qb, d_in = c_ref.shape
    y = g_ref[...]
    crep = jnp.broadcast_to(c_ref[...][:, None, :],
                            (qb, MAX_NB, d_in)).reshape(qb * MAX_NB, d_in)
    y = y - crep
    y = jax.nn.relu(y * (g1_ref[...] * _BN_INV) + t1_ref[...])
    y = jnp.dot(y, w2_ref[...], preferred_element_type=jnp.float32) + b2_ref[...]
    y = jax.nn.relu(y * (g2_ref[...] * _BN_INV) + t2_ref[...])
    y = jnp.dot(y, w3_ref[...], preferred_element_type=jnp.float32) + b3_ref[...]
    d_out = y.shape[1]
    y = y.reshape(qb, MAX_NB, d_out)
    slot = jax.lax.broadcasted_iota(jnp.int32, (qb, MAX_NB, 1), 1)
    y = jnp.where(slot < n_ref[:, 0:1].reshape(qb, 1, 1), y, -jnp.inf)
    m = jnp.max(y, axis=1)
    out_ref[...] = jnp.where(m == -jnp.inf, 0.0, m)


def _run_pair(g_rows, c_q, n_cnt, layers):
    (w1, b1, g1, t1), (w2, b2, g2, t2), (w3, b3) = layers
    q_pad, d_in = c_q.shape
    d_out = w3.shape[1]
    row = lambda v: v.reshape(1, -1)
    const = lambda shape: pl.BlockSpec(shape, lambda i: (0, 0))
    return pl.pallas_call(
        _pair_body,
        grid=(q_pad // 8,),
        in_specs=[pl.BlockSpec((8 * MAX_NB, d_in), lambda i: (i, 0)),
                  pl.BlockSpec((8, d_in), lambda i: (i, 0)),
                  pl.BlockSpec((8, 128), lambda i: (i, 0)),
                  const((1, d_in)), const((1, d_in)),
                  const(w2.shape), const((1, w2.shape[1])),
                  const((1, w2.shape[1])), const((1, w2.shape[1])),
                  const(w3.shape), const((1, d_out))],
        out_specs=pl.BlockSpec((8, d_out), lambda i: (i, 0)),
        out_shape=jax.ShapeDtypeStruct((q_pad, d_out), jnp.float32),
    )(g_rows, c_q, n_cnt,
      row(g1), row(t1), w2, row(b2), row(g2), row(t2), w3, row(b3))



_BN_INV = float(1.0 / np.sqrt(1.0 + BN_EPS))


def _final_body(x2_ref, c2_ref,
                w0x_ref, w0p_ref, b0_ref, g0_ref, t0_ref,
                w1_ref, b1_ref, g1_ref, t1_ref,
                w2_ref, b2_ref,
                h0_ref, hb0_ref, hg0_ref, ht0_ref,
                h1_ref, hb1_ref, hg1_ref, ht1_ref,
                h2_ref, hb2_ref,
                out_ref):
    x2 = x2_ref[...]
    cx = c2_ref[:, 0:1]
    cy = c2_ref[:, 1:2]
    cz = c2_ref[:, 2:3]
    y = (jnp.dot(x2, w0x_ref[...], preferred_element_type=jnp.float32)
         + cx * w0p_ref[0:1, :] + cy * w0p_ref[1:2, :] + cz * w0p_ref[2:3, :]
         + b0_ref[...])
    y = jax.nn.relu(y * (g0_ref[...] * _BN_INV) + t0_ref[...])
    y = jnp.dot(y, w1_ref[...], preferred_element_type=jnp.float32) + b1_ref[...]
    y = jax.nn.relu(y * (g1_ref[...] * _BN_INV) + t1_ref[...])
    h = jnp.dot(y, w2_ref[...], preferred_element_type=jnp.float32) + b2_ref[...]
    rows = jax.lax.broadcasted_iota(jnp.int32, h.shape, 0)
    h = jnp.where(rows < N2, h, -jnp.inf)
    g = jnp.max(h, axis=0, keepdims=True)
    g = jax.nn.relu((jnp.dot(g, h0_ref[...], preferred_element_type=jnp.float32)
                     + hb0_ref[...]) * (hg0_ref[...] * _BN_INV) + ht0_ref[...])
    g = jax.nn.relu((jnp.dot(g, h1_ref[...], preferred_element_type=jnp.float32)
                     + hb1_ref[...]) * (hg1_ref[...] * _BN_INV) + ht1_ref[...])
    logits = jnp.dot(g, h2_ref[...], preferred_element_type=jnp.float32) + hb2_ref[...]
    m = jnp.max(logits, axis=1, keepdims=True)
    s = jnp.log(jnp.sum(jnp.exp(logits - m), axis=1, keepdims=True))
    o = logits - m - s
    o = jnp.concatenate([o, jnp.zeros((1, 128 - NUM_CLASSES), jnp.float32)], axis=1)
    out_ref[...] = jnp.broadcast_to(o, (8, 128))


def _run_final(x2p, ctr2_rows, p3, ph):
    (w0, b0, g0, t0), (w1, b1, g1, t1), (w2, b2) = p3
    (e0, f0, u0, v0), (e1, f1, u1, v1), (e2, f2) = ph
    row = lambda v: v.reshape(1, -1)
    res = pl.pallas_call(
        _final_body,
        out_shape=jax.ShapeDtypeStruct((8, 128), jnp.float32),
    )(x2p, ctr2_rows,
      w0[:512], w0[512:], row(b0), row(g0), row(t0),
      w1, row(b1), row(g1), row(t1),
      w2, row(b2),
      e0, row(f0), row(u0), row(v0),
      e1, row(f1), row(u1), row(v1),
      e2, row(f2))
    return jnp.broadcast_to(res[0:1, :NUM_CLASSES], (N_POINTS, NUM_CLASSES))



def _mlp_chain(layers, x):
    n = len(layers)
    for i, layer in enumerate(layers):
        x = x @ layer[0] + layer[1]
        if i < n - 1:
            x = x * (layer[2] / jnp.sqrt(1.0 + BN_EPS)) + layer[3]
            x = jax.nn.relu(x)
    return x


def _slotmap_to_nb(s_map, n_cnt):
    q, p = s_map.shape
    jr = jnp.broadcast_to(jnp.arange(p, dtype=jnp.int32)[None, :], (q, p))
    qi = jnp.broadcast_to(jnp.arange(q, dtype=jnp.int32)[:, None], (q, p))
    slot = jnp.where(s_map >= 0, s_map, MAX_NB)
    nb = jnp.zeros((q, MAX_NB + 1), jnp.int32).at[qi, slot].set(jr)[:, :MAX_NB]
    mask = jnp.arange(MAX_NB, dtype=jnp.int32)[None, :] < n_cnt[:, 0:1]
    return nb, mask


def kernel(x, batch, params):
    pos = x[:, :3]
    feat = x[:, 3:]

    planes1 = _prep_planes(pos, N_POINTS)
    pos_rows1 = jnp.pad(pos, ((0, 0), (0, 125)))
    idx1, ctr1, ctr1_rows = _run_fps(planes1, pos_rows1, N_POINTS, N1, 1664)
    s1, ncnt1 = _run_thresh(ctr1_rows, planes1.reshape(3, 1, N_POINTS),
                            N_POINTS, 4.0, 1664)

    planes2 = _prep_planes(ctr1, 2048)
    pos_rows2 = jnp.pad(ctr1_rows, ((0, 2048 - 1664), (0, 0)))
    idx2, ctr2, ctr2_rows = _run_fps(planes2, pos_rows2, N1, N2, 416)
    s2, ncnt2 = _run_thresh(ctr2_rows, planes2.reshape(3, 1, 2048),
                            N1, 16.0, 416)

    w1 = params['mlp1'][0][0]
    xp = jnp.concatenate([feat, pos, jnp.zeros((N_POINTS, 2), jnp.float32)],
                         axis=1)
    w1_pad = jnp.pad(w1, ((0, 2), (0, 0)))
    a1, c1 = _run_a1(xp, w1_pad, params['mlp1'][0][1].reshape(1, -1),
                     ctr1_rows, w1[3:6])
    g1_rows = _gather_rows(s1, a1, 1664, N_POINTS, 128)
    x1 = _run_pair(g1_rows, c1, ncnt1, params['mlp1'])

    w2 = params['mlp2'][0][0]
    x1p = jnp.pad(x1, ((0, 2048 - 1664), (0, 0)))
    pc_rows = jnp.pad(ctr1_rows, ((0, 2048 - 1664), (0, 0)))
    a2, c2 = _run_a2(x1p, w2[:256], params['mlp2'][0][1].reshape(1, -1),
                     pc_rows, w2[256:259], ctr2_rows)
    g2_rows = _gather_rows(s2, a2, 416, 2048, 256)
    x2 = _run_pair(g2_rows, c2, ncnt2, params['mlp2'])

    return _run_final(x2, ctr2_rows, params['mlp3'], params['head'])

# --- scband reference (transcript-rebuilt; emitter-appended) ---
"""Pipeline reference for scband-point-net-plus-plus-68719477565 (READ-ONLY COPY).

The authoritative reference and input builder live on the scoring server;
editing this copy changes nothing except your own understanding.
"""

import jax, jax.numpy as jnp
import numpy as np

N_POINTS = 8192
N1 = 1639
N2 = 410
NUM_FEATURES = 3
NUM_CLASSES = 40
MAX_NB = 64
BN_EPS = 1e-05

def _mlp_params(key, channels):
    layers = []
    n = len(channels) - 1
    for i in range(n):
        k = jax.random.fold_in(key, i)
        W = jax.random.normal(k, (channels[i], channels[i + 1]), jnp.float32) / np.sqrt(channels[i])
        b = jnp.zeros((channels[i + 1],), jnp.float32)
        if i < n - 1:
            layers.append((W, b, jnp.ones((channels[i + 1],), jnp.float32), jnp.zeros((channels[i + 1],), jnp.float32)))
        else:
            layers.append((W, b))
    return layers

def _mlp_apply(layers, x):
    n = len(layers)
    for i, layer in enumerate(layers):
        x = x @ layer[0] + layer[1]
        if i < n - 1:
            x = x * (layer[2] / jnp.sqrt(1.0 + BN_EPS)) + layer[3]
            x = jax.nn.relu(x)
    return x

def _fps(pos, n_samples):
    N = pos.shape[0]
    def body(i, state):
        idxs, dists, last = state
        d = jnp.sum((pos - pos[last]) ** 2, axis=1)
        dists = jnp.minimum(dists, d)
        nxt = jnp.argmax(dists).astype(jnp.int32)
        return (idxs.at[i].set(nxt), dists, nxt)
    state = (jnp.zeros((n_samples,), jnp.int32), jnp.full((N,), 1e+30, jnp.float32), jnp.int32(0))
    idxs, _, _ = jax.lax.fori_loop(1, n_samples, body, state)
    return idxs

def _radius(pos_all, pos_query, r, k):
    d2 = jnp.sum((pos_query[:, None, :] - pos_all[None, :, :]) ** 2, axis=-1)
    score = jnp.where(d2 <= r * r, -d2, -jnp.inf)
    vals, idx = jax.lax.top_k(score, k)
    mask = vals > -jnp.inf
    return jnp.where(mask, idx, 0), mask

def _structure(pos):
    idx1 = _fps(pos, N1)
    pos1 = pos[idx1]
    nb1_idx, nb1_mask = _radius(pos, pos1, 2.0, MAX_NB)
    idx2 = _fps(pos1, N2)
    pos2 = pos1[idx2]
    nb2_idx, nb2_mask = _radius(pos1, pos2, 4.0, MAX_NB)
    return (idx1, nb1_idx, nb1_mask, idx2, nb2_idx, nb2_mask)

def _pointnet_forward(feat, pos, batch, params, struct):
    idx1, nb1_idx, nb1_mask, idx2, nb2_idx, nb2_mask = struct
    ctr1 = pos[idx1]
    msg1 = _mlp_apply(params['mlp1'], jnp.concatenate([feat[nb1_idx], pos[nb1_idx] - ctr1[:, None, :]], axis=-1))
    msg1 = jnp.where(nb1_mask[:, :, None], msg1, -jnp.inf)
    x1 = jnp.max(msg1, axis=1)
    x1 = jnp.where(jnp.isfinite(x1), x1, 0.0)
    batch1 = batch[idx1]
    ctr2 = ctr1[idx2]
    msg2 = _mlp_apply(params['mlp2'], jnp.concatenate([x1[nb2_idx], ctr1[nb2_idx] - ctr2[:, None, :]], axis=-1))
    msg2 = jnp.where(nb2_mask[:, :, None], msg2, -jnp.inf)
    x2 = jnp.max(msg2, axis=1)
    x2 = jnp.where(jnp.isfinite(x2), x2, 0.0)
    batch2 = batch1[idx2]
    h = _mlp_apply(params['mlp3'], jnp.concatenate([x2, ctr2], axis=1))
    g = jax.ops.segment_max(h, batch2, num_segments=1)
    rep = jnp.repeat(g, N_POINTS, axis=0)
    logits = _mlp_apply(params['head'], rep)
    return jax.nn.log_softmax(logits, axis=-1)

def setup_inputs(seed: int = 0):
    key = jax.random.key(seed)
    x = jax.random.normal(jax.random.fold_in(key, 0), (N_POINTS, 3 + NUM_FEATURES), jnp.float32)
    batch = jnp.zeros((N_POINTS,), jnp.int32)
    params = {
        'mlp1': _mlp_params(jax.random.fold_in(key, 1), [3 + NUM_FEATURES, 128, 128, 256]),
        'mlp2': _mlp_params(jax.random.fold_in(key, 2), [256 + 3, 256, 256, 512]),
        'mlp3': _mlp_params(jax.random.fold_in(key, 3), [512 + 3, 512, 512, 1024]),
        'head': _mlp_params(jax.random.fold_in(key, 4), [1024, 512, 256, NUM_CLASSES]),
    }
    return {'x': x, 'batch': batch, 'params': params}

def reference(x, batch, params):
    pos = x[:, :3]
    feat = x[:, 3:]
    struct = _structure(pos)
    return _pointnet_forward(feat, pos, batch, params, struct)

if __name__ == "__main__":
    import jax
    _d = setup_inputs()
    print(jax.jit(kernel)(*tuple(_d.values())))

</pallas_src>

<mosaic_0001>
#map = affine_map<(d0, d1) -> (0, 0)>
module attributes {stable_mosaic.version = 14 : i64} {
  func.func @k(%arg0: i32, %arg1: i32, %arg2: memref<416x2048xi32, #tpu.memory_space<hbm>>, %arg3: memref<2048x256xf32, #tpu.memory_space<hbm>>, %arg4: memref<26624x256xf32, #tpu.memory_space<hbm>>, %arg5: memref<2048xi32, #tpu.memory_space<vmem>>, %arg6: memref<128xi32, #tpu.memory_space<vmem>>, %arg7: memref<64x256xf32, #tpu.memory_space<vmem>>, %arg8: memref<!tpu.dma_semaphore, #tpu.memory_space<semaphore_mem>>) attributes {dimension_semantics = [#tpu.dimension_semantics<core_parallel>, #tpu.dimension_semantics<subcore_parallel>], iteration_bounds = array<i64: 2, 16>, scalar_prefetch = 0 : i64, scratch_operands = 4 : i64, tpu.core_type = #tpu.core_type<sc_vector_subcore>, window_params = [{transform_indices = #map}, {transform_indices = #map}, {transform_indices = #map}]} {
    %mul3A = arith.constant 2 : i32
    %mul3A_0 = arith.muli %arg1, %mul3A : i32
    %add3A = arith.addi %mul3A_0, %arg0 : i32
    %mul3A_1 = arith.constant 13 : i32
    %mul3A_2 = arith.muli %add3A, %mul3A_1 : i32
    %scan3A = arith.constant 0 : i32
    %scan3A_3 = arith.constant 0 : i32
    %scan3A_4 = arith.constant 13 : i32
    %scan3A_5 = arith.addi %scan3A_3, %scan3A_4 : i32
    %scan3A_6 = arith.constant 1 : i32
    %scan3A_7 = scf.for %scan3A_9 = %scan3A_3 to %scan3A_5 step %scan3A_6 iter_args(%scan3A_10 = %scan3A) -> (i32)  : i32 {
      %add3A_11 = arith.addi %mul3A_2, %scan3A_9 : i32
      "tpu.region"() ({
        %run_scoped3A = tpu.sem_alloc : memref<!tpu.dma_semaphore, #tpu.memory_space<semaphore_mem>>
        %dma_start3A_60 = arith.constant 0 : i32
        %dma_start3A_61 = tpu.memref_slice %arg2[%add3A_11, %dma_start3A_60] : memref<416x2048xi32, #tpu.memory_space<hbm>> -> memref<1x2048xi32, #tpu.memory_space<hbm>>
        %dma_start3A_62 = tpu.memref_squeeze %dma_start3A_61 : memref<1x2048xi32, #tpu.memory_space<hbm>> -> memref<2048xi32, #tpu.memory_space<hbm>>
        %dma_start3A_63 = arith.constant 0 : i32
        %dma_start3A_64 = tpu.memref_slice %arg2[%add3A_11, %dma_start3A_63] : memref<416x2048xi32, #tpu.memory_space<hbm>> -> memref<1x2048xi32, #tpu.memory_space<hbm>>
        %dma_start3A_65 = tpu.memref_squeeze %dma_start3A_64 : memref<1x2048xi32, #tpu.memory_space<hbm>> -> memref<2048xi32, #tpu.memory_space<hbm>>
        tpu.enqueue_dma source(%dma_start3A_65 : memref<2048xi32, #tpu.memory_space<hbm>>) target(%arg5 : memref<2048xi32, #tpu.memory_space<vmem>>) target_semaphore(%run_scoped3A : memref<!tpu.dma_semaphore, #tpu.memory_space<semaphore_mem>>)
        %dma_wait3A_66 = arith.constant 0 : i32
        %dma_wait3A_67 = tpu.memref_slice %arg2[%add3A_11, %dma_wait3A_66] : memref<416x2048xi32, #tpu.memory_space<hbm>> -> memref<1x2048xi32, #tpu.memory_space<hbm>>
        %dma_wait3A_68 = tpu.memref_squeeze %dma_wait3A_67 : memref<1x2048xi32, #tpu.memory_space<hbm>> -> memref<2048xi32, #tpu.memory_space<hbm>>
        %dma_wait3A_69 = arith.constant 0 : i32
        %dma_wait3A_70 = tpu.memref_slice %arg2[%add3A_11, %dma_wait3A_69] : memref<416x2048xi32, #tpu.memory_space<hbm>> -> memref<1x2048xi32, #tpu.memory_space<hbm>>
        %dma_wait3A_71 = tpu.memref_squeeze %dma_wait3A_70 : memref<1x2048xi32, #tpu.memory_space<hbm>> -> memref<2048xi32, #tpu.memory_space<hbm>>
        tpu.wait_dma2 semaphore(%run_scoped3A : memref<!tpu.dma_semaphore, #tpu.memory_space<semaphore_mem>>) src(%dma_wait3A_71 : memref<2048xi32, #tpu.memory_space<hbm>>) dst(%arg5 : memref<2048xi32, #tpu.memory_space<vmem>>)
        tpu.yield
      }) : () -> ()
      %broadcast_in_dim3A = arith.constant 0 : i32
      %broadcast_in_dim3A_12 = vector.broadcast %broadcast_in_dim3A : i32 to vector<16xi32>
      %swap3A = arith.constant 0 : index
      %swap3A_13 = tpu.vector_load %arg6[%swap3A] {strides = array<i32>} : memref<128xi32, #tpu.memory_space<vmem>>, vector<16xi32>,
      tpu.vector_store %arg6[%swap3A], %broadcast_in_dim3A_12 {strides = array<i32>} : memref<128xi32, #tpu.memory_space<vmem>>, vector<16xi32>,
      %broadcast_in_dim3A_14 = arith.constant 0 : i32
      %broadcast_in_dim3A_15 = vector.broadcast %broadcast_in_dim3A_14 : i32 to vector<16xi32>
      %swap3A_16 = arith.constant 16 : index
      %swap3A_17 = tpu.vector_load %arg6[%swap3A_16] {strides = array<i32>} : memref<128xi32, #tpu.memory_space<vmem>>, vector<16xi32>,
      tpu.vector_store %arg6[%swap3A_16], %broadcast_in_dim3A_15 {strides = array<i32>} : memref<128xi32, #tpu.memory_space<vmem>>, vector<16xi32>,
      %broadcast_in_dim3A_18 = arith.constant 0 : i32
      %broadcast_in_dim3A_19 = vector.broadcast %broadcast_in_dim3A_18 : i32 to vector<16xi32>
      %swap3A_20 = arith.constant 32 : index
      %swap3A_21 = tpu.vector_load %arg6[%swap3A_20] {strides = array<i32>} : memref<128xi32, #tpu.memory_space<vmem>>, vector<16xi32>,
      tpu.vector_store %arg6[%swap3A_20], %broadcast_in_dim3A_19 {strides = array<i32>} : memref<128xi32, #tpu.memory_space<vmem>>, vector<16xi32>,
      %broadcast_in_dim3A_22 = arith.constant 0 : i32
      %broadcast_in_dim3A_23 = vector.broadcast %broadcast_in_dim3A_22 : i32 to vector<16xi32>
      %swap3A_24 = arith.constant 48 : index
      %swap3A_25 = tpu.vector_load %arg6[%swap3A_24] {strides = array<i32>} : memref<128xi32, #tpu.memory_space<vmem>>, vector<16xi32>,
      tpu.vector_store %arg6[%swap3A_24], %broadcast_in_dim3A_23 {strides = array<i32>} : memref<128xi32, #tpu.memory_space<vmem>>, vector<16xi32>,
      %broadcast_in_dim3A_26 = arith.constant 0 : i32
      %broadcast_in_dim3A_27 = vector.broadcast %broadcast_in_dim3A_26 : i32 to vector<16xi32>
      %swap3A_28 = arith.constant 64 : index
      %swap3A_29 = tpu.vector_load %arg6[%swap3A_28] {strides = array<i32>} : memref<128xi32, #tpu.memory_space<vmem>>, vector<16xi32>,
      tpu.vector_store %arg6[%swap3A_28], %broadcast_in_dim3A_27 {strides = array<i32>} : memref<128xi32, #tpu.memory_space<vmem>>, vector<16xi32>,
      %broadcast_in_dim3A_30 = arith.constant 0 : i32
      %broadcast_in_dim3A_31 = vector.broadcast %broadcast_in_dim3A_30 : i32 to vector<16xi32>
      %swap3A_32 = arith.constant 80 : index
      %swap3A_33 = tpu.vector_load %arg6[%swap3A_32] {strides = array<i32>} : memref<128xi32, #tpu.memory_space<vmem>>, vector<16xi32>,
      tpu.vector_store %arg6[%swap3A_32], %broadcast_in_dim3A_31 {strides = array<i32>} : memref<128xi32, #tpu.memory_space<vmem>>, vector<16xi32>,
      %broadcast_in_dim3A_34 = arith.constant 0 : i32
      %broadcast_in_dim3A_35 = vector.broadcast %broadcast_in_dim3A_34 : i32 to vector<16xi32>
      %swap3A_36 = arith.constant 96 : index
      %swap3A_37 = tpu.vector_load %arg6[%swap3A_36] {strides = array<i32>} : memref<128xi32, #tpu.memory_space<vmem>>, vector<16xi32>,
      tpu.vector_store %arg6[%swap3A_36], %broadcast_in_dim3A_35 {strides = array<i32>} : memref<128xi32, #tpu.memory_space<vmem>>, vector<16xi32>,
      %broadcast_in_dim3A_38 = arith.constant 0 : i32
      %broadcast_in_dim3A_39 = vector.broadcast %broadcast_in_dim3A_38 : i32 to vector<16xi32>
      %swap3A_40 = arith.constant 112 : index
      %swap3A_41 = tpu.vector_load %arg6[%swap3A_40] {strides = array<i32>} : memref<128xi32, #tpu.memory_space<vmem>>, vector<16xi32>,
      tpu.vector_store %arg6[%swap3A_40], %broadcast_in_dim3A_39 {strides = array<i32>} : memref<128xi32, #tpu.memory_space<vmem>>, vector<16xi32>,
      %scan3A_42 = arith.constant 0 : i32
      %scan3A_43 = arith.constant 0 : i32
      %scan3A_44 = arith.constant 128 : i32
      %scan3A_45 = arith.addi %scan3A_43, %scan3A_44 : i32
      %scan3A_46 = arith.constant 4 : i32
      %scan3A_47 = scf.for %scan3A_60 = %scan3A_43 to %scan3A_45 step %scan3A_46 iter_args(%scan3A_61 = %scan3A_42) -> (i32)  : i32 {
        %mul3A_62 = arith.constant 16 : i32
        %mul3A_63 = arith.muli %scan3A_60, %mul3A_62 : i32
        %get3A = arith.index_cast %mul3A_63 : i32 to index
        %get3A_64 = tpu.vector_load %arg5[%get3A] {strides = array<i32>} : memref<2048xi32, #tpu.memory_space<vmem>>, vector<16xi32>,
        %iota3A = tpu.iota {dimensions = array<i32: 0>} : vector<16xi32>
        %mul3A_65 = arith.constant 16 : i32
        %mul3A_66 = arith.muli %scan3A_60, %mul3A_65 : i32
        %add3A_67 = vector.broadcast %mul3A_66 : i32 to vector<16xi32>
        %add3A_68 = arith.addi %iota3A, %add3A_67 : vector<16xi32>
        %ge3A = arith.constant 0 : i32
        %ge3A_69 = vector.broadcast %ge3A : i32 to vector<16xi32>
        %ge3A_70 = arith.cmpi sge, %get3A_64, %ge3A_69 : vector<16xi32>
        tpu.vector_store_idx %arg6[%get3A_64], %add3A_68 masked %ge3A_70 : memref<128xi32, #tpu.memory_space<vmem>>[vector<16xi32>], vector<16xi32>, vector<16xi1>
        %scan3A_71 = arith.constant 0 : i32
        %scan3A_72 = arith.constant 1 : i32
        %scan3A_73 = arith.addi %scan3A_60, %scan3A_72 : i32
        %mul3A_74 = arith.constant 16 : i32
        %mul3A_75 = arith.muli %scan3A_73, %mul3A_74 : i32
        %get3A_76 = arith.index_cast %mul3A_75 : i32 to index
        %get3A_77 = tpu.vector_load %arg5[%get3A_76] {strides = array<i32>} : memref<2048xi32, #tpu.memory_space<vmem>>, vector<16xi32>,
        %iota3A_78 = tpu.iota {dimensions = array<i32: 0>} : vector<16xi32>
        %mul3A_79 = arith.constant 16 : i32
        %mul3A_80 = arith.muli %scan3A_73, %mul3A_79 : i32
        %add3A_81 = vector.broadcast %mul3A_80 : i32 to vector<16xi32>
        %add3A_82 = arith.addi %iota3A_78, %add3A_81 : vector<16xi32>
        %ge3A_83 = arith.constant 0 : i32
        %ge3A_84 = vector.broadcast %ge3A_83 : i32 to vector<16xi32>
        %ge3A_85 = arith.cmpi sge, %get3A_77, %ge3A_84 : vector<16xi32>
        tpu.vector_store_idx %arg6[%get3A_77], %add3A_82 masked %ge3A_85 : memref<128xi32, #tpu.memory_space<vmem>>[vector<16xi32>], vector<16xi32>, vector<16xi1>
        %scan3A_86 = arith.constant 0 : i32
        %scan3A_87 = arith.constant 2 : i32
        %scan3A_88 = arith.addi %scan3A_60, %scan3A_87 : i32
        %mul3A_89 = arith.constant 16 : i32
        %mul3A_90 = arith.muli %scan3A_88, %mul3A_89 : i32
        %get3A_91 = arith.index_cast %mul3A_90 : i32 to index
        %get3A_92 = tpu.vector_load %arg5[%get3A_91] {strides = array<i32>} : memref<2048xi32, #tpu.memory_space<vmem>>, vector<16xi32>,
        %iota3A_93 = tpu.iota {dimensions = array<i32: 0>} : vector<16xi32>
        %mul3A_94 = arith.constant 16 : i32
        %mul3A_95 = arith.muli %scan3A_88, %mul3A_94 : i32
        %add3A_96 = vector.broadcast %mul3A_95 : i32 to vector<16xi32>
        %add3A_97 = arith.addi %iota3A_93, %add3A_96 : vector<16xi32>
        %ge3A_98 = arith.constant 0 : i32
        %ge3A_99 = vector.broadcast %ge3A_98 : i32 to vector<16xi32>
        %ge3A_100 = arith.cmpi sge, %get3A_92, %ge3A_99 : vector<16xi32>
        tpu.vector_store_idx %arg6[%get3A_92], %add3A_97 masked %ge3A_100 : memref<128xi32, #tpu.memory_space<vmem>>[vector<16xi32>], vector<16xi32>, vector<16xi1>
        %scan3A_101 = arith.constant 0 : i32
        %scan3A_102 = arith.constant 3 : i32
        %scan3A_103 = arith.addi %scan3A_60, %scan3A_102 : i32
        %mul3A_104 = arith.constant 16 : i32
        %mul3A_105 = arith.muli %scan3A_103, %mul3A_104 : i32
        %get3A_106 = arith.index_cast %mul3A_105 : i32 to index
        %get3A_107 = tpu.vector_load %arg5[%get3A_106] {strides = array<i32>} : memref<2048xi32, #tpu.memory_space<vmem>>, vector<16xi32>,
        %iota3A_108 = tpu.iota {dimensions = array<i32: 0>} : vector<16xi32>
        %mul3A_109 = arith.constant 16 : i32
        %mul3A_110 = arith.muli %scan3A_103, %mul3A_109 : i32
        %add3A_111 = vector.broadcast %mul3A_110 : i32 to vector<16xi32>
        %add3A_112 = arith.addi %iota3A_108, %add3A_111 : vector<16xi32>
        %ge3A_113 = arith.constant 0 : i32
        %ge3A_114 = vector.broadcast %ge3A_113 : i32 to vector<16xi32>
        %ge3A_115 = arith.cmpi sge, %get3A_107, %ge3A_114 : vector<16xi32>
        tpu.vector_store_idx %arg6[%get3A_107], %add3A_112 masked %ge3A_115 : memref<128xi32, #tpu.memory_space<vmem>>[vector<16xi32>], vector<16xi32>, vector<16xi1>
        %scan3A_116 = arith.constant 0 : i32
        scf.yield %scan3A_116 : i32
      }
      %scan3A_48 = arith.constant 128 : i32
      %dma_start3A = arith.constant 0 : i32
      %dma_start3A_49 = tpu.memref_slice %arg6[%dma_start3A] : memref<128xi32, #tpu.memory_space<vmem>> -> memref<64xi32, #tpu.memory_space<vmem>>
      %dma_start3A_50 = arith.constant 0 : i32
      %dma_start3A_51 = arith.constant 0 : i32
      %dma_start3A_52 = tpu.memref_slice %arg3[%dma_start3A_50, %dma_start3A_51] : memref<2048x256xf32, #tpu.memory_space<hbm>> -> memref<2048x256xf32, #tpu.memory_space<hbm>>
      tpu.enqueue_indirect_dma source(%dma_start3A_52 : memref<2048x256xf32, #tpu.memory_space<hbm>>) target(%arg7 : memref<64x256xf32, #tpu.memory_space<vmem>>) offsets(%dma_start3A_49 : memref<64xi32, #tpu.memory_space<vmem>>) semaphore(%arg8 : memref<!tpu.dma_semaphore, #tpu.memory_space<semaphore_mem>>)
      %dma_wait3A = arith.constant 0 : i32
      %dma_wait3A_53 = tpu.memref_slice %arg6[%dma_wait3A] : memref<128xi32, #tpu.memory_space<vmem>> -> memref<64xi32, #tpu.memory_space<vmem>>
      %dma_wait3A_54 = arith.constant 0 : i32
      %dma_wait3A_55 = arith.constant 0 : i32
      %dma_wait3A_56 = tpu.memref_slice %arg3[%dma_wait3A_54, %dma_wait3A_55] : memref<2048x256xf32, #tpu.memory_space<hbm>> -> memref<2048x256xf32, #tpu.memory_space<hbm>>
      tpu.wait_indirect_dma semaphore(%arg8 : memref<!tpu.dma_semaphore, #tpu.memory_space<semaphore_mem>>) src(%dma_wait3A_56 : memref<2048x256xf32, #tpu.memory_space<hbm>>) dst(%arg7 : memref<64x256xf32, #tpu.memory_space<vmem>>)
      %mul3A_57 = arith.constant 64 : i32
      %mul3A_58 = arith.muli %add3A_11, %mul3A_57 : i32
      "tpu.region"() ({
        %run_scoped3A = tpu.sem_alloc : memref<!tpu.dma_semaphore, #tpu.memory_space<semaphore_mem>>
        %dma_start3A_60 = arith.constant 0 : i32
        %dma_start3A_61 = tpu.memref_slice %arg4[%mul3A_58, %dma_start3A_60] : memref<26624x256xf32, #tpu.memory_space<hbm>> -> memref<64x256xf32, #tpu.memory_space<hbm>>
        %dma_start3A_62 = arith.constant 0 : i32
        %dma_start3A_63 = tpu.memref_slice %arg4[%mul3A_58, %dma_start3A_62] : memref<26624x256xf32, #tpu.memory_space<hbm>> -> memref<64x256xf32, #tpu.memory_space<hbm>>
        tpu.enqueue_dma source(%arg7 : memref<64x256xf32, #tpu.memory_space<vmem>>) target(%dma_start3A_63 : memref<64x256xf32, #tpu.memory_space<hbm>>) target_semaphore(%run_scoped3A : memref<!tpu.dma_semaphore, #tpu.memory_space<semaphore_mem>>)
        %dma_wait3A_64 = arith.constant 0 : i32
        %dma_wait3A_65 = tpu.memref_slice %arg4[%mul3A_58, %dma_wait3A_64] : memref<26624x256xf32, #tpu.memory_space<hbm>> -> memref<64x256xf32, #tpu.memory_space<hbm>>
        %dma_wait3A_66 = arith.constant 0 : i32
        %dma_wait3A_67 = tpu.memref_slice %arg4[%mul3A_58, %dma_wait3A_66] : memref<26624x256xf32, #tpu.memory_space<hbm>> -> memref<64x256xf32, #tpu.memory_space<hbm>>
        tpu.wait_dma2 semaphore(%run_scoped3A : memref<!tpu.dma_semaphore, #tpu.memory_space<semaphore_mem>>) src(%arg7 : memref<64x256xf32, #tpu.memory_space<vmem>>) dst(%dma_wait3A_67 : memref<64x256xf32, #tpu.memory_space<hbm>>)
        tpu.yield
      }) : () -> ()
      %scan3A_59 = arith.constant 0 : i32
      scf.yield %scan3A_59 : i32
    }
    %scan3A_8 = arith.constant 13 : i32
    return
  }
}

#map = affine_map<(d0, d1) -> (0, 0)>
module attributes {stable_mosaic.version = 14 : i64} {
  func.func @k(%arg0: i32, %arg1: i32, %arg2: memref<1664x8192xi32, #tpu.memory_space<hbm>>, %arg3: memref<8192x128xf32, #tpu.memory_space<hbm>>, %arg4: memref<106496x128xf32, #tpu.memory_space<hbm>>, %arg5: memref<8192xi32, #tpu.memory_space<vmem>>, %arg6: memref<128xi32, #tpu.memory_space<vmem>>, %arg7: memref<64x128xf32, #tpu.memory_space<vmem>>, %arg8: memref<!tpu.dma_semaphore, #tpu.memory_space<semaphore_mem>>) attributes {dimension_semantics = [#tpu.dimension_semantics<core_parallel>, #tpu.dimension_semantics<subcore_parallel>], iteration_bounds = array<i64: 2, 16>, scalar_prefetch = 0 : i64, scratch_operands = 4 : i64, tpu.core_type = #tpu.core_type<sc_vector_subcore>, window_params = [{transform_indices = #map}, {transform_indices = #map}, {transform_indices = #map}]} {
    %mul3A = arith.constant 2 : i32
    %mul3A_0 = arith.muli %arg1, %mul3A : i32
    %add3A = arith.addi %mul3A_0, %arg0 : i32
    %mul3A_1 = arith.constant 52 : i32
    %mul3A_2 = arith.muli %add3A, %mul3A_1 : i32
    %scan3A = arith.constant 0 : i32
    %scan3A_3 = arith.constant 0 : i32
    %scan3A_4 = arith.constant 52 : i32
    %scan3A_5 = arith.addi %scan3A_3, %scan3A_4 : i32
    %scan3A_6 = arith.constant 1 : i32
    %scan3A_7 = scf.for %scan3A_9 = %scan3A_3 to %scan3A_5 step %scan3A_6 iter_args(%scan3A_10 = %scan3A) -> (i32)  : i32 {
      %add3A_11 = arith.addi %mul3A_2, %scan3A_9 : i32
      "tpu.region"() ({
        %run_scoped3A = tpu.sem_alloc : memref<!tpu.dma_semaphore, #tpu.memory_space<semaphore_mem>>
        %dma_start3A_60 = arith.constant 0 : i32
        %dma_start3A_61 = tpu.memref_slice %arg2[%add3A_11, %dma_start3A_60] : memref<1664x8192xi32, #tpu.memory_space<hbm>> -> memref<1x8192xi32, #tpu.memory_space<hbm>>
        %dma_start3A_62 = tpu.memref_squeeze %dma_start3A_61 : memref<1x8192xi32, #tpu.memory_space<hbm>> -> memref<8192xi32, #tpu.memory_space<hbm>>
        %dma_start3A_63 = arith.constant 0 : i32
        %dma_start3A_64 = tpu.memref_slice %arg2[%add3A_11, %dma_start3A_63] : memref<1664x8192xi32, #tpu.memory_space<hbm>> -> memref<1x8192xi32, #tpu.memory_space<hbm>>
        %dma_start3A_65 = tpu.memref_squeeze %dma_start3A_64 : memref<1x8192xi32, #tpu.memory_space<hbm>> -> memref<8192xi32, #tpu.memory_space<hbm>>
        tpu.enqueue_dma source(%dma_start3A_65 : memref<8192xi32, #tpu.memory_space<hbm>>) target(%arg5 : memref<8192xi32, #tpu.memory_space<vmem>>) target_semaphore(%run_scoped3A : memref<!tpu.dma_semaphore, #tpu.memory_space<semaphore_mem>>)
        %dma_wait3A_66 = arith.constant 0 : i32
        %dma_wait3A_67 = tpu.memref_slice %arg2[%add3A_11, %dma_wait3A_66] : memref<1664x8192xi32, #tpu.memory_space<hbm>> -> memref<1x8192xi32, #tpu.memory_space<hbm>>
        %dma_wait3A_68 = tpu.memref_squeeze %dma_wait3A_67 : memref<1x8192xi32, #tpu.memory_space<hbm>> -> memref<8192xi32, #tpu.memory_space<hbm>>
        %dma_wait3A_69 = arith.constant 0 : i32
        %dma_wait3A_70 = tpu.memref_slice %arg2[%add3A_11, %dma_wait3A_69] : memref<1664x8192xi32, #tpu.memory_space<hbm>> -> memref<1x8192xi32, #tpu.memory_space<hbm>>
        %dma_wait3A_71 = tpu.memref_squeeze %dma_wait3A_70 : memref<1x8192xi32, #tpu.memory_space<hbm>> -> memref<8192xi32, #tpu.memory_space<hbm>>
        tpu.wait_dma2 semaphore(%run_scoped3A : memref<!tpu.dma_semaphore, #tpu.memory_space<semaphore_mem>>) src(%dma_wait3A_71 : memref<8192xi32, #tpu.memory_space<hbm>>) dst(%arg5 : memref<8192xi32, #tpu.memory_space<vmem>>)
        tpu.yield
      }) : () -> ()
      %broadcast_in_dim3A = arith.constant 0 : i32
      %broadcast_in_dim3A_12 = vector.broadcast %broadcast_in_dim3A : i32 to vector<16xi32>
      %swap3A = arith.constant 0 : index
      %swap3A_13 = tpu.vector_load %arg6[%swap3A] {strides = array<i32>} : memref<128xi32, #tpu.memory_space<vmem>>, vector<16xi32>,
      tpu.vector_store %arg6[%swap3A], %broadcast_in_dim3A_12 {strides = array<i32>} : memref<128xi32, #tpu.memory_space<vmem>>, vector<16xi32>,
      %broadcast_in_dim3A_14 = arith.constant 0 : i32
      %broadcast_in_dim3A_15 = vector.broadcast %broadcast_in_dim3A_14 : i32 to vector<16xi32>
      %swap3A_16 = arith.constant 16 : index
      %swap3A_17 = tpu.vector_load %arg6[%swap3A_16] {strides = array<i32>} : memref<128xi32, #tpu.memory_space<vmem>>, vector<16xi32>,
      tpu.vector_store %arg6[%swap3A_16], %broadcast_in_dim3A_15 {strides = array<i32>} : memref<128xi32, #tpu.memory_space<vmem>>, vector<16xi32>,
      %broadcast_in_dim3A_18 = arith.constant 0 : i32
      %broadcast_in_dim3A_19 = vector.broadcast %broadcast_in_dim3A_18 : i32 to vector<16xi32>
      %swap3A_20 = arith.constant 32 : index
      %swap3A_21 = tpu.vector_load %arg6[%swap3A_20] {strides = array<i32>} : memref<128xi32, #tpu.memory_space<vmem>>, vector<16xi32>,
      tpu.vector_store %arg6[%swap3A_20], %broadcast_in_dim3A_19 {strides = array<i32>} : memref<128xi32, #tpu.memory_space<vmem>>, vector<16xi32>,
      %broadcast_in_dim3A_22 = arith.constant 0 : i32
      %broadcast_in_dim3A_23 = vector.broadcast %broadcast_in_dim3A_22 : i32 to vector<16xi32>
      %swap3A_24 = arith.constant 48 : index
      %swap3A_25 = tpu.vector_load %arg6[%swap3A_24] {strides = array<i32>} : memref<128xi32, #tpu.memory_space<vmem>>, vector<16xi32>,
      tpu.vector_store %arg6[%swap3A_24], %broadcast_in_dim3A_23 {strides = array<i32>} : memref<128xi32, #tpu.memory_space<vmem>>, vector<16xi32>,
      %broadcast_in_dim3A_26 = arith.constant 0 : i32
      %broadcast_in_dim3A_27 = vector.broadcast %broadcast_in_dim3A_26 : i32 to vector<16xi32>
      %swap3A_28 = arith.constant 64 : index
      %swap3A_29 = tpu.vector_load %arg6[%swap3A_28] {strides = array<i32>} : memref<128xi32, #tpu.memory_space<vmem>>, vector<16xi32>,
      tpu.vector_store %arg6[%swap3A_28], %broadcast_in_dim3A_27 {strides = array<i32>} : memref<128xi32, #tpu.memory_space<vmem>>, vector<16xi32>,
      %broadcast_in_dim3A_30 = arith.constant 0 : i32
      %broadcast_in_dim3A_31 = vector.broadcast %broadcast_in_dim3A_30 : i32 to vector<16xi32>
      %swap3A_32 = arith.constant 80 : index
      %swap3A_33 = tpu.vector_load %arg6[%swap3A_32] {strides = array<i32>} : memref<128xi32, #tpu.memory_space<vmem>>, vector<16xi32>,
      tpu.vector_store %arg6[%swap3A_32], %broadcast_in_dim3A_31 {strides = array<i32>} : memref<128xi32, #tpu.memory_space<vmem>>, vector<16xi32>,
      %broadcast_in_dim3A_34 = arith.constant 0 : i32
      %broadcast_in_dim3A_35 = vector.broadcast %broadcast_in_dim3A_34 : i32 to vector<16xi32>
      %swap3A_36 = arith.constant 96 : index
      %swap3A_37 = tpu.vector_load %arg6[%swap3A_36] {strides = array<i32>} : memref<128xi32, #tpu.memory_space<vmem>>, vector<16xi32>,
      tpu.vector_store %arg6[%swap3A_36], %broadcast_in_dim3A_35 {strides = array<i32>} : memref<128xi32, #tpu.memory_space<vmem>>, vector<16xi32>,
      %broadcast_in_dim3A_38 = arith.constant 0 : i32
      %broadcast_in_dim3A_39 = vector.broadcast %broadcast_in_dim3A_38 : i32 to vector<16xi32>
      %swap3A_40 = arith.constant 112 : index
      %swap3A_41 = tpu.vector_load %arg6[%swap3A_40] {strides = array<i32>} : memref<128xi32, #tpu.memory_space<vmem>>, vector<16xi32>,
      tpu.vector_store %arg6[%swap3A_40], %broadcast_in_dim3A_39 {strides = array<i32>} : memref<128xi32, #tpu.memory_space<vmem>>, vector<16xi32>,
      %scan3A_42 = arith.constant 0 : i32
      %scan3A_43 = arith.constant 0 : i32
      %scan3A_44 = arith.constant 512 : i32
      %scan3A_45 = arith.addi %scan3A_43, %scan3A_44 : i32
      %scan3A_46 = arith.constant 4 : i32
      %scan3A_47 = scf.for %scan3A_60 = %scan3A_43 to %scan3A_45 step %scan3A_46 iter_args(%scan3A_61 = %scan3A_42) -> (i32)  : i32 {
        %mul3A_62 = arith.constant 16 : i32
        %mul3A_63 = arith.muli %scan3A_60, %mul3A_62 : i32
        %get3A = arith.index_cast %mul3A_63 : i32 to index
        %get3A_64 = tpu.vector_load %arg5[%get3A] {strides = array<i32>} : memref<8192xi32, #tpu.memory_space<vmem>>, vector<16xi32>,
        %iota3A = tpu.iota {dimensions = array<i32: 0>} : vector<16xi32>
        %mul3A_65 = arith.constant 16 : i32
        %mul3A_66 = arith.muli %scan3A_60, %mul3A_65 : i32
        %add3A_67 = vector.broadcast %mul3A_66 : i32 to vector<16xi32>
        %add3A_68 = arith.addi %iota3A, %add3A_67 : vector<16xi32>
        %ge3A = arith.constant 0 : i32
        %ge3A_69 = vector.broadcast %ge3A : i32 to vector<16xi32>
        %ge3A_70 = arith.cmpi sge, %get3A_64, %ge3A_69 : vector<16xi32>
        tpu.vector_store_idx %arg6[%get3A_64], %add3A_68 masked %ge3A_70 : memref<128xi32, #tpu.memory_space<vmem>>[vector<16xi32>], vector<16xi32>, vector<16xi1>
        %scan3A_71 = arith.constant 0 : i32
        %scan3A_72 = arith.constant 1 : i32
        %scan3A_73 = arith.addi %scan3A_60, %scan3A_72 : i32
        %mul3A_74 = arith.constant 16 : i32
        %mul3A_75 = arith.muli %scan3A_73, %mul3A_74 : i32
        %get3A_76 = arith.index_cast %mul3A_75 : i32 to index
        %get3A_77 = tpu.vector_load %arg5[%get3A_76] {strides = array<i32>} : memref<8192xi32, #tpu.memory_space<vmem>>, vector<16xi32>,
        %iota3A_78 = tpu.iota {dimensions = array<i32: 0>} : vector<16xi32>
        %mul3A_79 = arith.constant 16 : i32
        %mul3A_80 = arith.muli %scan3A_73, %mul3A_79 : i32
        %add3A_81 = vector.broadcast %mul3A_80 : i32 to vector<16xi32>
        %add3A_82 = arith.addi %iota3A_78, %add3A_81 : vector<16xi32>
        %ge3A_83 = arith.constant 0 : i32
        %ge3A_84 = vector.broadcast %ge3A_83 : i32 to vector<16xi32>
        %ge3A_85 = arith.cmpi sge, %get3A_77, %ge3A_84 : vector<16xi32>
        tpu.vector_store_idx %arg6[%get3A_77], %add3A_82 masked %ge3A_85 : memref<128xi32, #tpu.memory_space<vmem>>[vector<16xi32>], vector<16xi32>, vector<16xi1>
        %scan3A_86 = arith.constant 0 : i32
        %scan3A_87 = arith.constant 2 : i32
        %scan3A_88 = arith.addi %scan3A_60, %scan3A_87 : i32
        %mul3A_89 = arith.constant 16 : i32
        %mul3A_90 = arith.muli %scan3A_88, %mul3A_89 : i32
        %get3A_91 = arith.index_cast %mul3A_90 : i32 to index
        %get3A_92 = tpu.vector_load %arg5[%get3A_91] {strides = array<i32>} : memref<8192xi32, #tpu.memory_space<vmem>>, vector<16xi32>,
        %iota3A_93 = tpu.iota {dimensions = array<i32: 0>} : vector<16xi32>
        %mul3A_94 = arith.constant 16 : i32
        %mul3A_95 = arith.muli %scan3A_88, %mul3A_94 : i32
        %add3A_96 = vector.broadcast %mul3A_95 : i32 to vector<16xi32>
        %add3A_97 = arith.addi %iota3A_93, %add3A_96 : vector<16xi32>
        %ge3A_98 = arith.constant 0 : i32
        %ge3A_99 = vector.broadcast %ge3A_98 : i32 to vector<16xi32>
        %ge3A_100 = arith.cmpi sge, %get3A_92, %ge3A_99 : vector<16xi32>
        tpu.vector_store_idx %arg6[%get3A_92], %add3A_97 masked %ge3A_100 : memref<128xi32, #tpu.memory_space<vmem>>[vector<16xi32>], vector<16xi32>, vector<16xi1>
        %scan3A_101 = arith.constant 0 : i32
        %scan3A_102 = arith.constant 3 : i32
        %scan3A_103 = arith.addi %scan3A_60, %scan3A_102 : i32
        %mul3A_104 = arith.constant 16 : i32
        %mul3A_105 = arith.muli %scan3A_103, %mul3A_104 : i32
        %get3A_106 = arith.index_cast %mul3A_105 : i32 to index
        %get3A_107 = tpu.vector_load %arg5[%get3A_106] {strides = array<i32>} : memref<8192xi32, #tpu.memory_space<vmem>>, vector<16xi32>,
        %iota3A_108 = tpu.iota {dimensions = array<i32: 0>} : vector<16xi32>
        %mul3A_109 = arith.constant 16 : i32
        %mul3A_110 = arith.muli %scan3A_103, %mul3A_109 : i32
        %add3A_111 = vector.broadcast %mul3A_110 : i32 to vector<16xi32>
        %add3A_112 = arith.addi %iota3A_108, %add3A_111 : vector<16xi32>
        %ge3A_113 = arith.constant 0 : i32
        %ge3A_114 = vector.broadcast %ge3A_113 : i32 to vector<16xi32>
        %ge3A_115 = arith.cmpi sge, %get3A_107, %ge3A_114 : vector<16xi32>
        tpu.vector_store_idx %arg6[%get3A_107], %add3A_112 masked %ge3A_115 : memref<128xi32, #tpu.memory_space<vmem>>[vector<16xi32>], vector<16xi32>, vector<16xi1>
        %scan3A_116 = arith.constant 0 : i32
        scf.yield %scan3A_116 : i32
      }
      %scan3A_48 = arith.constant 512 : i32
      %dma_start3A = arith.constant 0 : i32
      %dma_start3A_49 = tpu.memref_slice %arg6[%dma_start3A] : memref<128xi32, #tpu.memory_space<vmem>> -> memref<64xi32, #tpu.memory_space<vmem>>
      %dma_start3A_50 = arith.constant 0 : i32
      %dma_start3A_51 = arith.constant 0 : i32
      %dma_start3A_52 = tpu.memref_slice %arg3[%dma_start3A_50, %dma_start3A_51] : memref<8192x128xf32, #tpu.memory_space<hbm>> -> memref<8192x128xf32, #tpu.memory_space<hbm>>
      tpu.enqueue_indirect_dma source(%dma_start3A_52 : memref<8192x128xf32, #tpu.memory_space<hbm>>) target(%arg7 : memref<64x128xf32, #tpu.memory_space<vmem>>) offsets(%dma_start3A_49 : memref<64xi32, #tpu.memory_space<vmem>>) semaphore(%arg8 : memref<!tpu.dma_semaphore, #tpu.memory_space<semaphore_mem>>)
      %dma_wait3A = arith.constant 0 : i32
      %dma_wait3A_53 = tpu.memref_slice %arg6[%dma_wait3A] : memref<128xi32, #tpu.memory_space<vmem>> -> memref<64xi32, #tpu.memory_space<vmem>>
      %dma_wait3A_54 = arith.constant 0 : i32
      %dma_wait3A_55 = arith.constant 0 : i32
      %dma_wait3A_56 = tpu.memref_slice %arg3[%dma_wait3A_54, %dma_wait3A_55] : memref<8192x128xf32, #tpu.memory_space<hbm>> -> memref<8192x128xf32, #tpu.memory_space<hbm>>
      tpu.wait_indirect_dma semaphore(%arg8 : memref<!tpu.dma_semaphore, #tpu.memory_space<semaphore_mem>>) src(%dma_wait3A_56 : memref<8192x128xf32, #tpu.memory_space<hbm>>) dst(%arg7 : memref<64x128xf32, #tpu.memory_space<vmem>>)
      %mul3A_57 = arith.constant 64 : i32
      %mul3A_58 = arith.muli %add3A_11, %mul3A_57 : i32
      "tpu.region"() ({
        %run_scoped3A = tpu.sem_alloc : memref<!tpu.dma_semaphore, #tpu.memory_space<semaphore_mem>>
        %dma_start3A_60 = arith.constant 0 : i32
        %dma_start3A_61 = tpu.memref_slice %arg4[%mul3A_58, %dma_start3A_60] : memref<106496x128xf32, #tpu.memory_space<hbm>> -> memref<64x128xf32, #tpu.memory_space<hbm>>
        %dma_start3A_62 = arith.constant 0 : i32
        %dma_start3A_63 = tpu.memref_slice %arg4[%mul3A_58, %dma_start3A_62] : memref<106496x128xf32, #tpu.memory_space<hbm>> -> memref<64x128xf32, #tpu.memory_space<hbm>>
        tpu.enqueue_dma source(%arg7 : memref<64x128xf32, #tpu.memory_space<vmem>>) target(%dma_start3A_63 : memref<64x128xf32, #tpu.memory_space<hbm>>) target_semaphore(%run_scoped3A : memref<!tpu.dma_semaphore, #tpu.memory_space<semaphore_mem>>)
        %dma_wait3A_64 = arith.constant 0 : i32
        %dma_wait3A_65 = tpu.memref_slice %arg4[%mul3A_58, %dma_wait3A_64] : memref<106496x128xf32, #tpu.memory_space<hbm>> -> memref<64x128xf32, #tpu.memory_space<hbm>>
        %dma_wait3A_66 = arith.constant 0 : i32
        %dma_wait3A_67 = tpu.memref_slice %arg4[%mul3A_58, %dma_wait3A_66] : memref<106496x128xf32, #tpu.memory_space<hbm>> -> memref<64x128xf32, #tpu.memory_space<hbm>>
        tpu.wait_dma2 semaphore(%run_scoped3A : memref<!tpu.dma_semaphore, #tpu.memory_space<semaphore_mem>>) src(%arg7 : memref<64x128xf32, #tpu.memory_space<vmem>>) dst(%dma_wait3A_67 : memref<64x128xf32, #tpu.memory_space<hbm>>)
        tpu.yield
      }) : () -> ()
      %scan3A_59 = arith.constant 0 : i32
      scf.yield %scan3A_59 : i32
    }
    %scan3A_8 = arith.constant 52 : i32
    return
  }
}

module attributes {stable_mosaic.version = 14 : i64} {
  func.func @_fps_body(%arg0: memref<64x128xf32, #tpu.memory_space<vmem>>, %arg1: memref<64x128xf32, #tpu.memory_space<vmem>>, %arg2: memref<64x128xf32, #tpu.memory_space<vmem>>, %arg3: memref<8192x128xf32, #tpu.memory_space<vmem>>, %arg4: memref<64x128xf32, #tpu.memory_space<vmem>>, %arg5: memref<64x128xi32, #tpu.memory_space<vmem>>, %arg6: memref<1664x128xi32, #tpu.memory_space<vmem>>, %arg7: memref<1664x128xf32, #tpu.memory_space<vmem>>, %arg8: memref<64x128xf32, #tpu.memory_space<vmem>>) attributes {dimension_semantics = [], scalar_prefetch = 0 : i64, scratch_operands = 1 : i64, tpu.core_type = #tpu.core_type<tc>} {
    %get3A = arith.constant 0 : index
    %get3A_0 = arith.constant 0 : index
    %get3A_1 = vector.load %arg5[%get3A, %get3A_0] : memref<64x128xi32, #tpu.memory_space<vmem>>, vector<64x128xi32>
    %get3A_2 = arith.constant 0 : index
    %get3A_3 = arith.constant 0 : index
    %get3A_4 = vector.load %arg0[%get3A_2, %get3A_3] : memref<64x128xf32, #tpu.memory_space<vmem>>, vector<64x128xf32>
    %get3A_5 = arith.constant 0 : index
    %get3A_6 = arith.constant 0 : index
    %get3A_7 = vector.load %arg1[%get3A_5, %get3A_6] : memref<64x128xf32, #tpu.memory_space<vmem>>, vector<64x128xf32>
    %get3A_8 = arith.constant 0 : index
    %get3A_9 = arith.constant 0 : index
    %get3A_10 = vector.load %arg2[%get3A_8, %get3A_9] : memref<64x128xf32, #tpu.memory_space<vmem>>, vector<64x128xf32>
    %get3A_11 = arith.constant 0 : index
    %get3A_12 = arith.constant 0 : index
    %get3A_13 = vector.load %arg4[%get3A_11, %get3A_12] : memref<64x128xf32, #tpu.memory_space<vmem>>, vector<64x128xf32>
    %swap3A = arith.constant 0 : index
    %swap3A_14 = arith.constant 0 : index
    %swap3A_15 = vector.load %arg8[%swap3A, %swap3A_14] : memref<64x128xf32, #tpu.memory_space<vmem>>, vector<64x128xf32>
    tpu.vector_store %arg8[%swap3A, %swap3A_14], %get3A_13 {strides = array<i32>} : memref<64x128xf32, #tpu.memory_space<vmem>>, vector<64x128xf32>,
    %broadcast_in_dim3A = arith.constant 0 : i32
    %broadcast_in_dim3A_16 = vector.broadcast %broadcast_in_dim3A : i32 to vector<1664x128xi32>
    %swap3A_17 = arith.constant 0 : index
    %swap3A_18 = arith.constant 0 : index
    %swap3A_19 = vector.load %arg6[%swap3A_17, %swap3A_18] : memref<1664x128xi32, #tpu.memory_space<vmem>>, vector<1664x128xi32>
    tpu.vector_store %arg6[%swap3A_17, %swap3A_18], %broadcast_in_dim3A_16 {strides = array<i32>} : memref<1664x128xi32, #tpu.memory_space<vmem>>, vector<1664x128xi32>,
    %broadcast_in_dim3A_20 = arith.constant 0.000000e+00 : f32
    %broadcast_in_dim3A_21 = vector.broadcast %broadcast_in_dim3A_20 : f32 to vector<1664x128xf32>
    %swap3A_22 = arith.constant 0 : index
    %swap3A_23 = arith.constant 0 : index
    %swap3A_24 = vector.load %arg7[%swap3A_22, %swap3A_23] : memref<1664x128xf32, #tpu.memory_space<vmem>>, vector<1664x128xf32>
    tpu.vector_store %arg7[%swap3A_22, %swap3A_23], %broadcast_in_dim3A_21 {strides = array<i32>} : memref<1664x128xf32, #tpu.memory_space<vmem>>, vector<1664x128xf32>,
    %broadcast_in_dim3A_25 = arith.constant 0 : i32
    %broadcast_in_dim3A_26 = vector.broadcast %broadcast_in_dim3A_25 : i32 to vector<1x128xi32>
    %swap3A_27 = arith.constant 0 : index
    %swap3A_28 = arith.constant 0 : index
    %swap3A_29 = vector.load %arg6[%swap3A_27, %swap3A_28] : memref<1664x128xi32, #tpu.memory_space<vmem>>, vector<1x128xi32>
    tpu.vector_store %arg6[%swap3A_27, %swap3A_28], %broadcast_in_dim3A_26 {strides = array<i32>} : memref<1664x128xi32, #tpu.memory_space<vmem>>, vector<1x128xi32>,
    %get3A_30 = arith.constant 0 : index
    %get3A_31 = arith.constant 0 : index
    %get3A_32 = vector.load %arg3[%get3A_30, %get3A_31] : memref<8192x128xf32, #tpu.memory_space<vmem>>, vector<1x128xf32>
    %swap3A_33 = arith.constant 0 : index
    %swap3A_34 = arith.constant 0 : index
    %swap3A_35 = vector.load %arg7[%swap3A_33, %swap3A_34] : memref<1664x128xf32, #tpu.memory_space<vmem>>, vector<1x128xf32>
    tpu.vector_store %arg7[%swap3A_33, %swap3A_34], %get3A_32 {strides = array<i32>} : memref<1664x128xf32, #tpu.memory_space<vmem>>, vector<1x128xf32>,
    %slice3A = vector.extract_strided_slice %get3A_32 {offsets = [0, 0], sizes = [1, 1], strides = [1, 1]} : vector<1x128xf32> to vector<1x1xf32>
    %slice3A_36 = vector.extract_strided_slice %get3A_32 {offsets = [0, 1], sizes = [1, 1], strides = [1, 1]} : vector<1x128xf32> to vector<1x1xf32>
    %slice3A_37 = vector.extract_strided_slice %get3A_32 {offsets = [0, 2], sizes = [1, 1], strides = [1, 1]} : vector<1x128xf32> to vector<1x1xf32>
    %scan3A = arith.constant 1 : i32
    %scan3A_38 = arith.constant 1638 : i32
    %scan3A_39 = arith.addi %scan3A, %scan3A_38 : i32
    %scan3A_40 = arith.constant 1 : i32
    %scan3A_41:3 = scf.for %scan3A_43 = %scan3A to %scan3A_39 step %scan3A_40 iter_args(%scan3A_44 = %slice3A, %scan3A_45 = %slice3A_36, %scan3A_46 = %slice3A_37) -> (vector<1x1xf32>, vector<1x1xf32>, vector<1x1xf32>)  : i32 {
      %sub3A = vector.broadcast %scan3A_44 : vector<1x1xf32> to vector<64x128xf32>
      %sub3A_47 = arith.subf %get3A_4, %sub3A : vector<64x128xf32>
      %sub3A_48 = vector.broadcast %scan3A_45 : vector<1x1xf32> to vector<64x128xf32>
      %sub3A_49 = arith.subf %get3A_7, %sub3A_48 : vector<64x128xf32>
      %sub3A_50 = vector.broadcast %scan3A_46 : vector<1x1xf32> to vector<64x128xf32>
      %sub3A_51 = arith.subf %get3A_10, %sub3A_50 : vector<64x128xf32>
      %mul3A = arith.mulf %sub3A_47, %sub3A_47 : vector<64x128xf32>
      %mul3A_52 = arith.mulf %sub3A_49, %sub3A_49 : vector<64x128xf32>
      %add3A = arith.addf %mul3A, %mul3A_52 : vector<64x128xf32>
      %mul3A_53 = arith.mulf %sub3A_51, %sub3A_51 : vector<64x128xf32>
      %add3A_54 = arith.addf %add3A, %mul3A_53 : vector<64x128xf32>
      %get3A_55 = arith.constant 0 : index
      %get3A_56 = arith.constant 0 : index
      %get3A_57 = vector.load %arg8[%get3A_55, %get3A_56] : memref<64x128xf32, #tpu.memory_space<vmem>>, vector<64x128xf32>
      %min3A = arith.minimumf %get3A_57, %add3A_54 : vector<64x128xf32>
      %swap3A_58 = arith.constant 0 : index
      %swap3A_59 = arith.constant 0 : index
      %swap3A_60 = vector.load %arg8[%swap3A_58, %swap3A_59] : memref<64x128xf32, #tpu.memory_space<vmem>>, vector<64x128xf32>
      tpu.vector_store %arg8[%swap3A_58, %swap3A_59], %min3A {strides = array<i32>} : memref<64x128xf32, #tpu.memory_space<vmem>>, vector<64x128xf32>,
      %reduce_max3A = vector.shape_cast %min3A : vector<64x128xf32> to vector<1x64x128xf32>
      %reduce_max3A_61 = arith.constant dense<0xFF800000> : vector<1xf32>
      %reduce_max3A_62 = vector.multi_reduction <maximumf>, %reduce_max3A, %reduce_max3A_61 [1, 2] : vector<1x64x128xf32> to vector<1xf32>
      %reduce_max3A_63 = vector.shape_cast %reduce_max3A_62 : vector<1xf32> to vector<1x1x1xf32>
      %reduce_max3A_64 = vector.extract %reduce_max3A_63[0, 0, 0] : f32 from vector<1x1x1xf32>
      %eq3A = vector.broadcast %reduce_max3A_64 : f32 to vector<64x128xf32>
      %eq3A_65 = arith.cmpf oeq, %min3A, %eq3A : vector<64x128xf32>
      %jit3A = arith.constant 2147483647 : i32
      %broadcast_in_dim3A_66 = vector.broadcast %jit3A : i32 to vector<64x128xi32>
      %select_n3A = arith.select %eq3A_65, %get3A_1, %broadcast_in_dim3A_66 : vector<64x128xi1>, vector<64x128xi32>
      %reduce_min3A = vector.shape_cast %select_n3A : vector<64x128xi32> to vector<1x64x128xi32>
      %reduce_min3A_67 = arith.constant dense<2147483647> : vector<1xi32>
      %reduce_min3A_68 = vector.multi_reduction <minsi>, %reduce_min3A, %reduce_min3A_67 [1, 2] : vector<1x64x128xi32> to vector<1xi32>
      %reduce_min3A_69 = vector.shape_cast %reduce_min3A_68 : vector<1xi32> to vector<1x1x1xi32>
      %reduce_min3A_70 = vector.extract %reduce_min3A_69[0, 0, 0] : i32 from vector<1x1x1xi32>
      %broadcast_in_dim3A_71 = vector.broadcast %reduce_min3A_70 : i32 to vector<1x128xi32>
      %swap3A_72 = arith.index_cast %scan3A_43 : i32 to index
      %swap3A_73 = arith.constant 0 : index
      %swap3A_74 = vector.load %arg6[%swap3A_72, %swap3A_73] : memref<1664x128xi32, #tpu.memory_space<vmem>>, vector<1x128xi32>
      tpu.vector_store %arg6[%swap3A_72, %swap3A_73], %broadcast_in_dim3A_71 {strides = array<i32>} : memref<1664x128xi32, #tpu.memory_space<vmem>>, vector<1x128xi32>,
      %get3A_75 = arith.index_cast %reduce_min3A_70 : i32 to index
      %get3A_76 = arith.constant 0 : index
      %get3A_77 = vector.load %arg3[%get3A_75, %get3A_76] : memref<8192x128xf32, #tpu.memory_space<vmem>>, vector<1x128xf32>
      %swap3A_78 = arith.index_cast %scan3A_43 : i32 to index
      %swap3A_79 = arith.constant 0 : index
      %swap3A_80 = vector.load %arg7[%swap3A_78, %swap3A_79] : memref<1664x128xf32, #tpu.memory_space<vmem>>, vector<1x128xf32>
      tpu.vector_store %arg7[%swap3A_78, %swap3A_79], %get3A_77 {strides = array<i32>} : memref<1664x128xf32, #tpu.memory_space<vmem>>, vector<1x128xf32>,
      %slice3A_81 = vector.extract_strided_slice %get3A_77 {offsets = [0, 0], sizes = [1, 1], strides = [1, 1]} : vector<1x128xf32> to vector<1x1xf32>
      %slice3A_82 = vector.extract_strided_slice %get3A_77 {offsets = [0, 1], sizes = [1, 1], strides = [1, 1]} : vector<1x128xf32> to vector<1x1xf32>
      %slice3A_83 = vector.extract_strided_slice %get3A_77 {offsets = [0, 2], sizes = [1, 1], strides = [1, 1]} : vector<1x128xf32> to vector<1x1xf32>
      scf.yield %slice3A_81, %slice3A_82, %slice3A_83 : vector<1x1xf32>, vector<1x1xf32>, vector<1x1xf32>
    }
    %scan3A_42 = arith.constant 1638 : i32
    return
  }
}

module attributes {stable_mosaic.version = 14 : i64} {
  func.func @_thresh_body(%arg0: i32, %arg1: memref<32x128xf32, #tpu.memory_space<vmem>>, %arg2: memref<1x8192xf32, #tpu.memory_space<vmem>>, %arg3: memref<1x8192xf32, #tpu.memory_space<vmem>>, %arg4: memref<1x8192xf32, #tpu.memory_space<vmem>>, %arg5: memref<32x8192xi32, #tpu.memory_space<vmem>>, %arg6: memref<32x128xi32, #tpu.memory_space<vmem>>) attributes {dimension_semantics = [#tpu.dimension_semantics<arbitrary>], iteration_bounds = array<i64: 52>, scalar_prefetch = 0 : i64, scratch_operands = 0 : i64, tpu.core_type = #tpu.core_type<tc>, window_params = [{transform_indices = @transform_0, window_bounds = array<i64: 32, 128>}, {pipeline_mode = #tpu.pipeline_mode<synchronous>, transform_indices = @transform_1, window_bounds = array<i64: 1, 8192>}, {pipeline_mode = #tpu.pipeline_mode<synchronous>, transform_indices = @transform_2, window_bounds = array<i64: 1, 8192>}, {pipeline_mode = #tpu.pipeline_mode<synchronous>, transform_indices = @transform_3, window_bounds = array<i64: 1, 8192>}, {transform_indices = @transform_4, window_bounds = array<i64: 32, 8192>}, {transform_indices = @transform_5, window_bounds = array<i64: 32, 128>}]} {
    %get3A = arith.constant 0 : index
    %get3A_0 = arith.constant 0 : index
    %get3A_1 = vector.load %arg1[%get3A, %get3A_0] : memref<32x128xf32, #tpu.memory_space<vmem>>, vector<32x1xf32>
    %get3A_2 = arith.constant 0 : index
    %get3A_3 = arith.constant 1 : index
    %get3A_4 = vector.load %arg1[%get3A_2, %get3A_3] : memref<32x128xf32, #tpu.memory_space<vmem>>, vector<32x1xf32>
    %get3A_5 = arith.constant 0 : index
    %get3A_6 = arith.constant 2 : index
    %get3A_7 = vector.load %arg1[%get3A_5, %get3A_6] : memref<32x128xf32, #tpu.memory_space<vmem>>, vector<32x1xf32>
    %get3A_8 = arith.constant 0 : index
    %get3A_9 = arith.constant 0 : index
    %get3A_10 = vector.load %arg2[%get3A_8, %get3A_9] : memref<1x8192xf32, #tpu.memory_space<vmem>>, vector<1x8192xf32>
    %sub3A = vector.broadcast %get3A_1 : vector<32x1xf32> to vector<32x8192xf32>
    %sub3A_11 = vector.broadcast %get3A_10 : vector<1x8192xf32> to vector<32x8192xf32>
    %sub3A_12 = arith.subf %sub3A, %sub3A_11 : vector<32x8192xf32>
    %get3A_13 = arith.constant 0 : index
    %get3A_14 = arith.constant 0 : index
    %get3A_15 = vector.load %arg3[%get3A_13, %get3A_14] : memref<1x8192xf32, #tpu.memory_space<vmem>>, vector<1x8192xf32>
    %sub3A_16 = vector.broadcast %get3A_4 : vector<32x1xf32> to vector<32x8192xf32>
    %sub3A_17 = vector.broadcast %get3A_15 : vector<1x8192xf32> to vector<32x8192xf32>
    %sub3A_18 = arith.subf %sub3A_16, %sub3A_17 : vector<32x8192xf32>
    %get3A_19 = arith.constant 0 : index
    %get3A_20 = arith.constant 0 : index
    %get3A_21 = vector.load %arg4[%get3A_19, %get3A_20] : memref<1x8192xf32, #tpu.memory_space<vmem>>, vector<1x8192xf32>
    %sub3A_22 = vector.broadcast %get3A_7 : vector<32x1xf32> to vector<32x8192xf32>
    %sub3A_23 = vector.broadcast %get3A_21 : vector<1x8192xf32> to vector<32x8192xf32>
    %sub3A_24 = arith.subf %sub3A_22, %sub3A_23 : vector<32x8192xf32>
    %mul3A = arith.mulf %sub3A_12, %sub3A_12 : vector<32x8192xf32>
    %mul3A_25 = arith.mulf %sub3A_18, %sub3A_18 : vector<32x8192xf32>
    %add3A = arith.addf %mul3A, %mul3A_25 : vector<32x8192xf32>
    %mul3A_26 = arith.mulf %sub3A_24, %sub3A_24 : vector<32x8192xf32>
    %add3A_27 = arith.addf %add3A, %mul3A_26 : vector<32x8192xf32>
    %iota3A = tpu.iota {dimensions = array<i32: 1>} : vector<1x8192xi32>
    %le3A = arith.constant 4.000000e+00 : f32
    %le3A_28 = vector.broadcast %le3A : f32 to vector<32x8192xf32>
    %le3A_29 = arith.cmpf ole, %add3A_27, %le3A_28 : vector<32x8192xf32>
    %lt3A = arith.constant 8192 : i32
    %lt3A_30 = vector.broadcast %lt3A : i32 to vector<1x8192xi32>
    %lt3A_31 = arith.cmpi slt, %iota3A, %lt3A_30 : vector<1x8192xi32>
    %and3A = vector.broadcast %lt3A_31 : vector<1x8192xi1> to vector<32x8192xi1>
    %and3A_32 = arith.andi %le3A_29, %and3A : vector<32x8192xi1>
    %bitcast_convert_type3A = tpu.bitcast %add3A_27 : vector<32x8192xf32> -> vector<32x8192xi32>
    %jit3A = arith.constant 2139095040 : i32
    %broadcast_in_dim3A = vector.broadcast %jit3A : i32 to vector<32x8192xi32>
    %select_n3A = arith.select %and3A_32, %bitcast_convert_type3A, %broadcast_in_dim3A : vector<32x8192xi1>, vector<32x8192xi32>
    %broadcast_in_dim3A_33 = arith.constant 0 : i32
    %broadcast_in_dim3A_34 = vector.broadcast %broadcast_in_dim3A_33 : i32 to vector<32x1xi32>
    %or3A = arith.constant 1073741824 : i32
    %or3A_35 = vector.broadcast %or3A : i32 to vector<32x1xi32>
    %or3A_36 = arith.ori %broadcast_in_dim3A_34, %or3A_35 : vector<32x1xi32>
    %lt3A_37 = vector.broadcast %or3A_36 : vector<32x1xi32> to vector<32x8192xi32>
    %lt3A_38 = arith.cmpi slt, %select_n3A, %lt3A_37 : vector<32x8192xi32>
    %jit3A_39 = arith.constant 1 : i32
    %jit3A_40 = arith.constant 0 : i32
    %broadcast_in_dim3A_41 = vector.broadcast %jit3A_39 : i32 to vector<32x8192xi32>
    %broadcast_in_dim3A_42 = vector.broadcast %jit3A_40 : i32 to vector<32x8192xi32>
    %select_n3A_43 = arith.select %lt3A_38, %broadcast_in_dim3A_41, %broadcast_in_dim3A_42 : vector<32x8192xi1>, vector<32x8192xi32>
    %reduce_sum3A = arith.constant dense<0> : vector<32xi32>
    %reduce_sum3A_44 = vector.multi_reduction <add>, %select_n3A_43, %reduce_sum3A [1] : vector<32x8192xi32> to vector<32xi32>
    %broadcast_in_dim3A_45 = vector.shape_cast %reduce_sum3A_44 : vector<32xi32> to vector<32x1xi32>
    %ge3A = arith.constant 64 : i32
    %ge3A_46 = vector.broadcast %ge3A : i32 to vector<32x1xi32>
    %ge3A_47 = arith.cmpi sge, %broadcast_in_dim3A_45, %ge3A_46 : vector<32x1xi32>
    %select_n3A_48 = arith.select %ge3A_47, %broadcast_in_dim3A_34, %or3A_36 : vector<32x1xi1>, vector<32x1xi32>
    %or3A_49 = arith.constant 536870912 : i32
    %or3A_50 = vector.broadcast %or3A_49 : i32 to vector<32x1xi32>
    %or3A_51 = arith.ori %select_n3A_48, %or3A_50 : vector<32x1xi32>
    %lt3A_52 = vector.broadcast %or3A_51 : vector<32x1xi32> to vector<32x8192xi32>
    %lt3A_53 = arith.cmpi slt, %select_n3A, %lt3A_52 : vector<32x8192xi32>
    %jit3A_54 = arith.constant 1 : i32
    %jit3A_55 = arith.constant 0 : i32
    %broadcast_in_dim3A_56 = vector.broadcast %jit3A_54 : i32 to vector<32x8192xi32>
    %broadcast_in_dim3A_57 = vector.broadcast %jit3A_55 : i32 to vector<32x8192xi32>
    %select_n3A_58 = arith.select %lt3A_53, %broadcast_in_dim3A_56, %broadcast_in_dim3A_57 : vector<32x8192xi1>, vector<32x8192xi32>
    %reduce_sum3A_59 = arith.constant dense<0> : vector<32xi32>
    %reduce_sum3A_60 = vector.multi_reduction <add>, %select_n3A_58, %reduce_sum3A_59 [1] : vector<32x8192xi32> to vector<32xi32>
    %broadcast_in_dim3A_61 = vector.shape_cast %reduce_sum3A_60 : vector<32xi32> to vector<32x1xi32>
    %ge3A_62 = arith.constant 64 : i32
    %ge3A_63 = vector.broadcast %ge3A_62 : i32 to vector<32x1xi32>
    %ge3A_64 = arith.cmpi sge, %broadcast_in_dim3A_61, %ge3A_63 : vector<32x1xi32>
    %select_n3A_65 = arith.select %ge3A_64, %select_n3A_48, %or3A_51 : vector<32x1xi1>, vector<32x1xi32>
    %or3A_66 = arith.constant 268435456 : i32
    %or3A_67 = vector.broadcast %or3A_66 : i32 to vector<32x1xi32>
    %or3A_68 = arith.ori %select_n3A_65, %or3A_67 : vector<32x1xi32>
    %lt3A_69 = vector.broadcast %or3A_68 : vector<32x1xi32> to vector<32x8192xi32>
    %lt3A_70 = arith.cmpi slt, %select_n3A, %lt3A_69 : vector<32x8192xi32>
    %jit3A_71 = arith.constant 1 : i32
    %jit3A_72 = arith.constant 0 : i32
    %broadcast_in_dim3A_73 = vector.broadcast %jit3A_71 : i32 to vector<32x8192xi32>
    %broadcast_in_dim3A_74 = vector.broadcast %jit3A_72 : i32 to vector<32x8192xi32>
    %select_n3A_75 = arith.select %lt3A_70, %broadcast_in_dim3A_73, %broadcast_in_dim3A_74 : vector<32x8192xi1>, vector<32x8192xi32>
    %reduce_sum3A_76 = arith.constant dense<0> : vector<32xi32>
    %reduce_sum3A_77 = vector.multi_reduction <add>, %select_n3A_75, %reduce_sum3A_76 [1] : vector<32x8192xi32> to vector<32xi32>
    %broadcast_in_dim3A_78 = vector.shape_cast %reduce_sum3A_77 : vector<32xi32> to vector<32x1xi32>
    %ge3A_79 = arith.constant 64 : i32
    %ge3A_80 = vector.broadcast %ge3A_79 : i32 to vector<32x1xi32>
    %ge3A_81 = arith.cmpi sge, %broadcast_in_dim3A_78, %ge3A_80 : vector<32x1xi32>
    %select_n3A_82 = arith.select %ge3A_81, %select_n3A_65, %or3A_68 : vector<32x1xi1>, vector<32x1xi32>
    %or3A_83 = arith.constant 134217728 : i32
    %or3A_84 = vector.broadcast %or3A_83 : i32 to vector<32x1xi32>
    %or3A_85 = arith.ori %select_n3A_82, %or3A_84 : vector<32x1xi32>
    %lt3A_86 = vector.broadcast %or3A_85 : vector<32x1xi32> to vector<32x8192xi32>
    %lt3A_87 = arith.cmpi slt, %select_n3A, %lt3A_86 : vector<32x8192xi32>
    %jit3A_88 = arith.constant 1 : i32
    %jit3A_89 = arith.constant 0 : i32
    %broadcast_in_dim3A_90 = vector.broadcast %jit3A_88 : i32 to vector<32x8192xi32>
    %broadcast_in_dim3A_91 = vector.broadcast %jit3A_89 : i32 to vector<32x8192xi32>
    %select_n3A_92 = arith.select %lt3A_87, %broadcast_in_dim3A_90, %broadcast_in_dim3A_91 : vector<32x8192xi1>, vector<32x8192xi32>
    %reduce_sum3A_93 = arith.constant dense<0> : vector<32xi32>
    %reduce_sum3A_94 = vector.multi_reduction <add>, %select_n3A_92, %reduce_sum3A_93 [1] : vector<32x8192xi32> to vector<32xi32>
    %broadcast_in_dim3A_95 = vector.shape_cast %reduce_sum3A_94 : vector<32xi32> to vector<32x1xi32>
    %ge3A_96 = arith.constant 64 : i32
    %ge3A_97 = vector.broadcast %ge3A_96 : i32 to vector<32x1xi32>
    %ge3A_98 = arith.cmpi sge, %broadcast_in_dim3A_95, %ge3A_97 : vector<32x1xi32>
    %select_n3A_99 = arith.select %ge3A_98, %select_n3A_82, %or3A_85 : vector<32x1xi1>, vector<32x1xi32>
    %or3A_100 = arith.constant 67108864 : i32
    %or3A_101 = vector.broadcast %or3A_100 : i32 to vector<32x1xi32>
    %or3A_102 = arith.ori %select_n3A_99, %or3A_101 : vector<32x1xi32>
    %lt3A_103 = vector.broadcast %or3A_102 : vector<32x1xi32> to vector<32x8192xi32>
    %lt3A_104 = arith.cmpi slt, %select_n3A, %lt3A_103 : vector<32x8192xi32>
    %jit3A_105 = arith.constant 1 : i32
    %jit3A_106 = arith.constant 0 : i32
    %broadcast_in_dim3A_107 = vector.broadcast %jit3A_105 : i32 to vector<32x8192xi32>
    %broadcast_in_dim3A_108 = vector.broadcast %jit3A_106 : i32 to vector<32x8192xi32>
    %select_n3A_109 = arith.select %lt3A_104, %broadcast_in_dim3A_107, %broadcast_in_dim3A_108 : vector<32x8192xi1>, vector<32x8192xi32>
    %reduce_sum3A_110 = arith.constant dense<0> : vector<32xi32>
    %reduce_sum3A_111 = vector.multi_reduction <add>, %select_n3A_109, %reduce_sum3A_110 [1] : vector<32x8192xi32> to vector<32xi32>
    %broadcast_in_dim3A_112 = vector.shape_cast %reduce_sum3A_111 : vector<32xi32> to vector<32x1xi32>
    %ge3A_113 = arith.constant 64 : i32
    %ge3A_114 = vector.broadcast %ge3A_113 : i32 to vector<32x1xi32>
    %ge3A_115 = arith.cmpi sge, %broadcast_in_dim3A_112, %ge3A_114 : vector<32x1xi32>
    %select_n3A_116 = arith.select %ge3A_115, %select_n3A_99, %or3A_102 : vector<32x1xi1>, vector<32x1xi32>
    %or3A_117 = arith.constant 33554432 : i32
    %or3A_118 = vector.broadcast %or3A_117 : i32 to vector<32x1xi32>
    %or3A_119 = arith.ori %select_n3A_116, %or3A_118 : vector<32x1xi32>
    %lt3A_120 = vector.broadcast %or3A_119 : vector<32x1xi32> to vector<32x8192xi32>
    %lt3A_121 = arith.cmpi slt, %select_n3A, %lt3A_120 : vector<32x8192xi32>
    %jit3A_122 = arith.constant 1 : i32
    %jit3A_123 = arith.constant 0 : i32
    %broadcast_in_dim3A_124 = vector.broadcast %jit3A_122 : i32 to vector<32x8192xi32>
    %broadcast_in_dim3A_125 = vector.broadcast %jit3A_123 : i32 to vector<32x8192xi32>
    %select_n3A_126 = arith.select %lt3A_121, %broadcast_in_dim3A_124, %broadcast_in_dim3A_125 : vector<32x8192xi1>, vector<32x8192xi32>
    %reduce_sum3A_127 = arith.constant dense<0> : vector<32xi32>
    %reduce_sum3A_128 = vector.multi_reduction <add>, %select_n3A_126, %reduce_sum3A_127 [1] : vector<32x8192xi32> to vector<32xi32>
    %broadcast_in_dim3A_129 = vector.shape_cast %reduce_sum3A_128 : vector<32xi32> to vector<32x1xi32>
    %ge3A_130 = arith.constant 64 : i32
    %ge3A_131 = vector.broadcast %ge3A_130 : i32 to vector<32x1xi32>
    %ge3A_132 = arith.cmpi sge, %broadcast_in_dim3A_129, %ge3A_131 : vector<32x1xi32>
    %select_n3A_133 = arith.select %ge3A_132, %select_n3A_116, %or3A_119 : vector<32x1xi1>, vector<32x1xi32>
    %or3A_134 = arith.constant 16777216 : i32
    %or3A_135 = vector.broadcast %or3A_134 : i32 to vector<32x1xi32>
    %or3A_136 = arith.ori %select_n3A_133, %or3A_135 : vector<32x1xi32>
    %lt3A_137 = vector.broadcast %or3A_136 : vector<32x1xi32> to vector<32x8192xi32>
    %lt3A_138 = arith.cmpi slt, %select_n3A, %lt3A_137 : vector<32x8192xi32>
    %jit3A_139 = arith.constant 1 : i32
    %jit3A_140 = arith.constant 0 : i32
    %broadcast_in_dim3A_141 = vector.broadcast %jit3A_139 : i32 to vector<32x8192xi32>
    %broadcast_in_dim3A_142 = vector.broadcast %jit3A_140 : i32 to vector<32x8192xi32>
    %select_n3A_143 = arith.select %lt3A_138, %broadcast_in_dim3A_141, %broadcast_in_dim3A_142 : vector<32x8192xi1>, vector<32x8192xi32>
    %reduce_sum3A_144 = arith.constant dense<0> : vector<32xi32>
    %reduce_sum3A_145 = vector.multi_reduction <add>, %select_n3A_143, %reduce_sum3A_144 [1] : vector<32x8192xi32> to vector<32xi32>
    %broadcast_in_dim3A_146 = vector.shape_cast %reduce_sum3A_145 : vector<32xi32> to vector<32x1xi32>
    %ge3A_147 = arith.constant 64 : i32
    %ge3A_148 = vector.broadcast %ge3A_147 : i32 to vector<32x1xi32>
    %ge3A_149 = arith.cmpi sge, %broadcast_in_dim3A_146, %ge3A_148 : vector<32x1xi32>
    %select_n3A_150 = arith.select %ge3A_149, %select_n3A_133, %or3A_136 : vector<32x1xi1>, vector<32x1xi32>
    %or3A_151 = arith.constant 8388608 : i32
    %or3A_152 = vector.broadcast %or3A_151 : i32 to vector<32x1xi32>
    %or3A_153 = arith.ori %select_n3A_150, %or3A_152 : vector<32x1xi32>
    %lt3A_154 = vector.broadcast %or3A_153 : vector<32x1xi32> to vector<32x8192xi32>
    %lt3A_155 = arith.cmpi slt, %select_n3A, %lt3A_154 : vector<32x8192xi32>
    %jit3A_156 = arith.constant 1 : i32
    %jit3A_157 = arith.constant 0 : i32
    %broadcast_in_dim3A_158 = vector.broadcast %jit3A_156 : i32 to vector<32x8192xi32>
    %broadcast_in_dim3A_159 = vector.broadcast %jit3A_157 : i32 to vector<32x8192xi32>
    %select_n3A_160 = arith.select %lt3A_155, %broadcast_in_dim3A_158, %broadcast_in_dim3A_159 : vector<32x8192xi1>, vector<32x8192xi32>
    %reduce_sum3A_161 = arith.constant dense<0> : vector<32xi32>
    %reduce_sum3A_162 = vector.multi_reduction <add>, %select_n3A_160, %reduce_sum3A_161 [1] : vector<32x8192xi32> to vector<32xi32>
    %broadcast_in_dim3A_163 = vector.shape_cast %reduce_sum3A_162 : vector<32xi32> to vector<32x1xi32>
    %ge3A_164 = arith.constant 64 : i32
    %ge3A_165 = vector.broadcast %ge3A_164 : i32 to vector<32x1xi32>
    %ge3A_166 = arith.cmpi sge, %broadcast_in_dim3A_163, %ge3A_165 : vector<32x1xi32>
    %select_n3A_167 = arith.select %ge3A_166, %select_n3A_150, %or3A_153 : vector<32x1xi1>, vector<32x1xi32>
    %or3A_168 = arith.constant 4194304 : i32
    %or3A_169 = vector.broadcast %or3A_168 : i32 to vector<32x1xi32>
    %or3A_170 = arith.ori %select_n3A_167, %or3A_169 : vector<32x1xi32>
    %lt3A_171 = vector.broadcast %or3A_170 : vector<32x1xi32> to vector<32x8192xi32>
    %lt3A_172 = arith.cmpi slt, %select_n3A, %lt3A_171 : vector<32x8192xi32>
    %jit3A_173 = arith.constant 1 : i32
    %jit3A_174 = arith.constant 0 : i32
    %broadcast_in_dim3A_175 = vector.broadcast %jit3A_173 : i32 to vector<32x8192xi32>
    %broadcast_in_dim3A_176 = vector.broadcast %jit3A_174 : i32 to vector<32x8192xi32>
    %select_n3A_177 = arith.select %lt3A_172, %broadcast_in_dim3A_175, %broadcast_in_dim3A_176 : vector<32x8192xi1>, vector<32x8192xi32>
    %reduce_sum3A_178 = arith.constant dense<0> : vector<32xi32>
    %reduce_sum3A_179 = vector.multi_reduction <add>, %select_n3A_177, %reduce_sum3A_178 [1] : vector<32x8192xi32> to vector<32xi32>
    %broadcast_in_dim3A_180 = vector.shape_cast %reduce_sum3A_179 : vector<32xi32> to vector<32x1xi32>
    %ge3A_181 = arith.constant 64 : i32
    %ge3A_182 = vector.broadcast %ge3A_181 : i32 to vector<32x1xi32>
    %ge3A_183 = arith.cmpi sge, %broadcast_in_dim3A_180, %ge3A_182 : vector<32x1xi32>
    %select_n3A_184 = arith.select %ge3A_183, %select_n3A_167, %or3A_170 : vector<32x1xi1>, vector<32x1xi32>
    %or3A_185 = arith.constant 2097152 : i32
    %or3A_186 = vector.broadcast %or3A_185 : i32 to vector<32x1xi32>
    %or3A_187 = arith.ori %select_n3A_184, %or3A_186 : vector<32x1xi32>
    %lt3A_188 = vector.broadcast %or3A_187 : vector<32x1xi32> to vector<32x8192xi32>
    %lt3A_189 = arith.cmpi slt, %select_n3A, %lt3A_188 : vector<32x8192xi32>
    %jit3A_190 = arith.constant 1 : i32
    %jit3A_191 = arith.constant 0 : i32
    %broadcast_in_dim3A_192 = vector.broadcast %jit3A_190 : i32 to vector<32x8192xi32>
    %broadcast_in_dim3A_193 = vector.broadcast %jit3A_191 : i32 to vector<32x8192xi32>
    %select_n3A_194 = arith.select %lt3A_189, %broadcast_in_dim3A_192, %broadcast_in_dim3A_193 : vector<32x8192xi1>, vector<32x8192xi32>
    %reduce_sum3A_195 = arith.constant dense<0> : vector<32xi32>
    %reduce_sum3A_196 = vector.multi_reduction <add>, %select_n3A_194, %reduce_sum3A_195 [1] : vector<32x8192xi32> to vector<32xi32>
    %broadcast_in_dim3A_197 = vector.shape_cast %reduce_sum3A_196 : vector<32xi32> to vector<32x1xi32>
    %ge3A_198 = arith.constant 64 : i32
    %ge3A_199 = vector.broadcast %ge3A_198 : i32 to vector<32x1xi32>
    %ge3A_200 = arith.cmpi sge, %broadcast_in_dim3A_197, %ge3A_199 : vector<32x1xi32>
    %select_n3A_201 = arith.select %ge3A_200, %select_n3A_184, %or3A_187 : vector<32x1xi1>, vector<32x1xi32>
    %or3A_202 = arith.constant 1048576 : i32
    %or3A_203 = vector.broadcast %or3A_202 : i32 to vector<32x1xi32>
    %or3A_204 = arith.ori %select_n3A_201, %or3A_203 : vector<32x1xi32>
    %lt3A_205 = vector.broadcast %or3A_204 : vector<32x1xi32> to vector<32x8192xi32>
    %lt3A_206 = arith.cmpi slt, %select_n3A, %lt3A_205 : vector<32x8192xi32>
    %jit3A_207 = arith.constant 1 : i32
    %jit3A_208 = arith.constant 0 : i32
    %broadcast_in_dim3A_209 = vector.broadcast %jit3A_207 : i32 to vector<32x8192xi32>
    %broadcast_in_dim3A_210 = vector.broadcast %jit3A_208 : i32 to vector<32x8192xi32>
    %select_n3A_211 = arith.select %lt3A_206, %broadcast_in_dim3A_209, %broadcast_in_dim3A_210 : vector<32x8192xi1>, vector<32x8192xi32>
    %reduce_sum3A_212 = arith.constant dense<0> : vector<32xi32>
    %reduce_sum3A_213 = vector.multi_reduction <add>, %select_n3A_211, %reduce_sum3A_212 [1] : vector<32x8192xi32> to vector<32xi32>
    %broadcast_in_dim3A_214 = vector.shape_cast %reduce_sum3A_213 : vector<32xi32> to vector<32x1xi32>
    %ge3A_215 = arith.constant 64 : i32
    %ge3A_216 = vector.broadcast %ge3A_215 : i32 to vector<32x1xi32>
    %ge3A_217 = arith.cmpi sge, %broadcast_in_dim3A_214, %ge3A_216 : vector<32x1xi32>
    %select_n3A_218 = arith.select %ge3A_217, %select_n3A_201, %or3A_204 : vector<32x1xi1>, vector<32x1xi32>
    %or3A_219 = arith.constant 524288 : i32
    %or3A_220 = vector.broadcast %or3A_219 : i32 to vector<32x1xi32>
    %or3A_221 = arith.ori %select_n3A_218, %or3A_220 : vector<32x1xi32>
    %lt3A_222 = vector.broadcast %or3A_221 : vector<32x1xi32> to vector<32x8192xi32>
    %lt3A_223 = arith.cmpi slt, %select_n3A, %lt3A_222 : vector<32x8192xi32>
    %jit3A_224 = arith.constant 1 : i32
    %jit3A_225 = arith.constant 0 : i32
    %broadcast_in_dim3A_226 = vector.broadcast %jit3A_224 : i32 to vector<32x8192xi32>
    %broadcast_in_dim3A_227 = vector.broadcast %jit3A_225 : i32 to vector<32x8192xi32>
    %select_n3A_228 = arith.select %lt3A_223, %broadcast_in_dim3A_226, %broadcast_in_dim3A_227 : vector<32x8192xi1>, vector<32x8192xi32>
    %reduce_sum3A_229 = arith.constant dense<0> : vector<32xi32>
    %reduce_sum3A_230 = vector.multi_reduction <add>, %select_n3A_228, %reduce_sum3A_229 [1] : vector<32x8192xi32> to vector<32xi32>
    %broadcast_in_dim3A_231 = vector.shape_cast %reduce_sum3A_230 : vector<32xi32> to vector<32x1xi32>
    %ge3A_232 = arith.constant 64 : i32
    %ge3A_233 = vector.broadcast %ge3A_232 : i32 to vector<32x1xi32>
    %ge3A_234 = arith.cmpi sge, %broadcast_in_dim3A_231, %ge3A_233 : vector<32x1xi32>
    %select_n3A_235 = arith.select %ge3A_234, %select_n3A_218, %or3A_221 : vector<32x1xi1>, vector<32x1xi32>
    %or3A_236 = arith.constant 262144 : i32
    %or3A_237 = vector.broadcast %or3A_236 : i32 to vector<32x1xi32>
    %or3A_238 = arith.ori %select_n3A_235, %or3A_237 : vector<32x1xi32>
    %lt3A_239 = vector.broadcast %or3A_238 : vector<32x1xi32> to vector<32x8192xi32>
    %lt3A_240 = arith.cmpi slt, %select_n3A, %lt3A_239 : vector<32x8192xi32>
    %jit3A_241 = arith.constant 1 : i32
    %jit3A_242 = arith.constant 0 : i32
    %broadcast_in_dim3A_243 = vector.broadcast %jit3A_241 : i32 to vector<32x8192xi32>
    %broadcast_in_dim3A_244 = vector.broadcast %jit3A_242 : i32 to vector<32x8192xi32>
    %select_n3A_245 = arith.select %lt3A_240, %broadcast_in_dim3A_243, %broadcast_in_dim3A_244 : vector<32x8192xi1>, vector<32x8192xi32>
    %reduce_sum3A_246 = arith.constant dense<0> : vector<32xi32>
    %reduce_sum3A_247 = vector.multi_reduction <add>, %select_n3A_245, %reduce_sum3A_246 [1] : vector<32x8192xi32> to vector<32xi32>
    %broadcast_in_dim3A_248 = vector.shape_cast %reduce_sum3A_247 : vector<32xi32> to vector<32x1xi32>
    %ge3A_249 = arith.constant 64 : i32
    %ge3A_250 = vector.broadcast %ge3A_249 : i32 to vector<32x1xi32>
    %ge3A_251 = arith.cmpi sge, %broadcast_in_dim3A_248, %ge3A_250 : vector<32x1xi32>
    %select_n3A_252 = arith.select %ge3A_251, %select_n3A_235, %or3A_238 : vector<32x1xi1>, vector<32x1xi32>
    %or3A_253 = arith.constant 131072 : i32
    %or3A_254 = vector.broadcast %or3A_253 : i32 to vector<32x1xi32>
    %or3A_255 = arith.ori %select_n3A_252, %or3A_254 : vector<32x1xi32>
    %lt3A_256 = vector.broadcast %or3A_255 : vector<32x1xi32> to vector<32x8192xi32>
    %lt3A_257 = arith.cmpi slt, %select_n3A, %lt3A_256 : vector<32x8192xi32>
    %jit3A_258 = arith.constant 1 : i32
    %jit3A_259 = arith.constant 0 : i32
    %broadcast_in_dim3A_260 = vector.broadcast %jit3A_258 : i32 to vector<32x8192xi32>
    %broadcast_in_dim3A_261 = vector.broadcast %jit3A_259 : i32 to vector<32x8192xi32>
    %select_n3A_262 = arith.select %lt3A_257, %broadcast_in_dim3A_260, %broadcast_in_dim3A_261 : vector<32x8192xi1>, vector<32x8192xi32>
    %reduce_sum3A_263 = arith.constant dense<0> : vector<32xi32>
    %reduce_sum3A_264 = vector.multi_reduction <add>, %select_n3A_262, %reduce_sum3A_263 [1] : vector<32x8192xi32> to vector<32xi32>
    %broadcast_in_dim3A_265 = vector.shape_cast %reduce_sum3A_264 : vector<32xi32> to vector<32x1xi32>
    %ge3A_266 = arith.constant 64 : i32
    %ge3A_267 = vector.broadcast %ge3A_266 : i32 to vector<32x1xi32>
    %ge3A_268 = arith.cmpi sge, %broadcast_in_dim3A_265, %ge3A_267 : vector<32x1xi32>
    %select_n3A_269 = arith.select %ge3A_268, %select_n3A_252, %or3A_255 : vector<32x1xi1>, vector<32x1xi32>
    %or3A_270 = arith.constant 65536 : i32
    %or3A_271 = vector.broadcast %or3A_270 : i32 to vector<32x1xi32>
    %or3A_272 = arith.ori %select_n3A_269, %or3A_271 : vector<32x1xi32>
    %lt3A_273 = vector.broadcast %or3A_272 : vector<32x1xi32> to vector<32x8192xi32>
    %lt3A_274 = arith.cmpi slt, %select_n3A, %lt3A_273 : vector<32x8192xi32>
    %jit3A_275 = arith.constant 1 : i32
    %jit3A_276 = arith.constant 0 : i32
    %broadcast_in_dim3A_277 = vector.broadcast %jit3A_275 : i32 to vector<32x8192xi32>
    %broadcast_in_dim3A_278 = vector.broadcast %jit3A_276 : i32 to vector<32x8192xi32>
    %select_n3A_279 = arith.select %lt3A_274, %broadcast_in_dim3A_277, %broadcast_in_dim3A_278 : vector<32x8192xi1>, vector<32x8192xi32>
    %reduce_sum3A_280 = arith.constant dense<0> : vector<32xi32>
    %reduce_sum3A_281 = vector.multi_reduction <add>, %select_n3A_279, %reduce_sum3A_280 [1] : vector<32x8192xi32> to vector<32xi32>
    %broadcast_in_dim3A_282 = vector.shape_cast %reduce_sum3A_281 : vector<32xi32> to vector<32x1xi32>
    %ge3A_283 = arith.constant 64 : i32
    %ge3A_284 = vector.broadcast %ge3A_283 : i32 to vector<32x1xi32>
    %ge3A_285 = arith.cmpi sge, %broadcast_in_dim3A_282, %ge3A_284 : vector<32x1xi32>
    %select_n3A_286 = arith.select %ge3A_285, %select_n3A_269, %or3A_272 : vector<32x1xi1>, vector<32x1xi32>
    %or3A_287 = arith.constant 32768 : i32
    %or3A_288 = vector.broadcast %or3A_287 : i32 to vector<32x1xi32>
    %or3A_289 = arith.ori %select_n3A_286, %or3A_288 : vector<32x1xi32>
    %lt3A_290 = vector.broadcast %or3A_289 : vector<32x1xi32> to vector<32x8192xi32>
    %lt3A_291 = arith.cmpi slt, %select_n3A, %lt3A_290 : vector<32x8192xi32>
    %jit3A_292 = arith.constant 1 : i32
    %jit3A_293 = arith.constant 0 : i32
    %broadcast_in_dim3A_294 = vector.broadcast %jit3A_292 : i32 to vector<32x8192xi32>
    %broadcast_in_dim3A_295 = vector.broadcast %jit3A_293 : i32 to vector<32x8192xi32>
    %select_n3A_296 = arith.select %lt3A_291, %broadcast_in_dim3A_294, %broadcast_in_dim3A_295 : vector<32x8192xi1>, vector<32x8192xi32>
    %reduce_sum3A_297 = arith.constant dense<0> : vector<32xi32>
    %reduce_sum3A_298 = vector.multi_reduction <add>, %select_n3A_296, %reduce_sum3A_297 [1] : vector<32x8192xi32> to vector<32xi32>
    %broadcast_in_dim3A_299 = vector.shape_cast %reduce_sum3A_298 : vector<32xi32> to vector<32x1xi32>
    %ge3A_300 = arith.constant 64 : i32
    %ge3A_301 = vector.broadcast %ge3A_300 : i32 to vector<32x1xi32>
    %ge3A_302 = arith.cmpi sge, %broadcast_in_dim3A_299, %ge3A_301 : vector<32x1xi32>
    %select_n3A_303 = arith.select %ge3A_302, %select_n3A_286, %or3A_289 : vector<32x1xi1>, vector<32x1xi32>
    %or3A_304 = arith.constant 16384 : i32
    %or3A_305 = vector.broadcast %or3A_304 : i32 to vector<32x1xi32>
    %or3A_306 = arith.ori %select_n3A_303, %or3A_305 : vector<32x1xi32>
    %lt3A_307 = vector.broadcast %or3A_306 : vector<32x1xi32> to vector<32x8192xi32>
    %lt3A_308 = arith.cmpi slt, %select_n3A, %lt3A_307 : vector<32x8192xi32>
    %jit3A_309 = arith.constant 1 : i32
    %jit3A_310 = arith.constant 0 : i32
    %broadcast_in_dim3A_311 = vector.broadcast %jit3A_309 : i32 to vector<32x8192xi32>
    %broadcast_in_dim3A_312 = vector.broadcast %jit3A_310 : i32 to vector<32x8192xi32>
    %select_n3A_313 = arith.select %lt3A_308, %broadcast_in_dim3A_311, %broadcast_in_dim3A_312 : vector<32x8192xi1>, vector<32x8192xi32>
    %reduce_sum3A_314 = arith.constant dense<0> : vector<32xi32>
    %reduce_sum3A_315 = vector.multi_reduction <add>, %select_n3A_313, %reduce_sum3A_314 [1] : vector<32x8192xi32> to vector<32xi32>
    %broadcast_in_dim3A_316 = vector.shape_cast %reduce_sum3A_315 : vector<32xi32> to vector<32x1xi32>
    %ge3A_317 = arith.constant 64 : i32
    %ge3A_318 = vector.broadcast %ge3A_317 : i32 to vector<32x1xi32>
    %ge3A_319 = arith.cmpi sge, %broadcast_in_dim3A_316, %ge3A_318 : vector<32x1xi32>
    %select_n3A_320 = arith.select %ge3A_319, %select_n3A_303, %or3A_306 : vector<32x1xi1>, vector<32x1xi32>
    %or3A_321 = arith.constant 8192 : i32
    %or3A_322 = vector.broadcast %or3A_321 : i32 to vector<32x1xi32>
    %or3A_323 = arith.ori %select_n3A_320, %or3A_322 : vector<32x1xi32>
    %lt3A_324 = vector.broadcast %or3A_323 : vector<32x1xi32> to vector<32x8192xi32>
    %lt3A_325 = arith.cmpi slt, %select_n3A, %lt3A_324 : vector<32x8192xi32>
    %jit3A_326 = arith.constant 1 : i32
    %jit3A_327 = arith.constant 0 : i32
    %broadcast_in_dim3A_328 = vector.broadcast %jit3A_326 : i32 to vector<32x8192xi32>
    %broadcast_in_dim3A_329 = vector.broadcast %jit3A_327 : i32 to vector<32x8192xi32>
    %select_n3A_330 = arith.select %lt3A_325, %broadcast_in_dim3A_328, %broadcast_in_dim3A_329 : vector<32x8192xi1>, vector<32x8192xi32>
    %reduce_sum3A_331 = arith.constant dense<0> : vector<32xi32>
    %reduce_sum3A_332 = vector.multi_reduction <add>, %select_n3A_330, %reduce_sum3A_331 [1] : vector<32x8192xi32> to vector<32xi32>
    %broadcast_in_dim3A_333 = vector.shape_cast %reduce_sum3A_332 : vector<32xi32> to vector<32x1xi32>
    %ge3A_334 = arith.constant 64 : i32
    %ge3A_335 = vector.broadcast %ge3A_334 : i32 to vector<32x1xi32>
    %ge3A_336 = arith.cmpi sge, %broadcast_in_dim3A_333, %ge3A_335 : vector<32x1xi32>
    %select_n3A_337 = arith.select %ge3A_336, %select_n3A_320, %or3A_323 : vector<32x1xi1>, vector<32x1xi32>
    %or3A_338 = arith.constant 4096 : i32
    %or3A_339 = vector.broadcast %or3A_338 : i32 to vector<32x1xi32>
    %or3A_340 = arith.ori %select_n3A_337, %or3A_339 : vector<32x1xi32>
    %lt3A_341 = vector.broadcast %or3A_340 : vector<32x1xi32> to vector<32x8192xi32>
    %lt3A_342 = arith.cmpi slt, %select_n3A, %lt3A_341 : vector<32x8192xi32>
    %jit3A_343 = arith.constant 1 : i32
    %jit3A_344 = arith.constant 0 : i32
    %broadcast_in_dim3A_345 = vector.broadcast %jit3A_343 : i32 to vector<32x8192xi32>
    %broadcast_in_dim3A_346 = vector.broadcast %jit3A_344 : i32 to vector<32x8192xi32>
    %select_n3A_347 = arith.select %lt3A_342, %broadcast_in_dim3A_345, %broadcast_in_dim3A_346 : vector<32x8192xi1>, vector<32x8192xi32>
    %reduce_sum3A_348 = arith.constant dense<0> : vector<32xi32>
    %reduce_sum3A_349 = vector.multi_reduction <add>, %select_n3A_347, %reduce_sum3A_348 [1] : vector<32x8192xi32> to vector<32xi32>
    %broadcast_in_dim3A_350 = vector.shape_cast %reduce_sum3A_349 : vector<32xi32> to vector<32x1xi32>
    %ge3A_351 = arith.constant 64 : i32
    %ge3A_352 = vector.broadcast %ge3A_351 : i32 to vector<32x1xi32>
    %ge3A_353 = arith.cmpi sge, %broadcast_in_dim3A_350, %ge3A_352 : vector<32x1xi32>
    %select_n3A_354 = arith.select %ge3A_353, %select_n3A_337, %or3A_340 : vector<32x1xi1>, vector<32x1xi32>
    %or3A_355 = arith.constant 2048 : i32
    %or3A_356 = vector.broadcast %or3A_355 : i32 to vector<32x1xi32>
    %or3A_357 = arith.ori %select_n3A_354, %or3A_356 : vector<32x1xi32>
    %lt3A_358 = vector.broadcast %or3A_357 : vector<32x1xi32> to vector<32x8192xi32>
    %lt3A_359 = arith.cmpi slt, %select_n3A, %lt3A_358 : vector<32x8192xi32>
    %jit3A_360 = arith.constant 1 : i32
    %jit3A_361 = arith.constant 0 : i32
    %broadcast_in_dim3A_362 = vector.broadcast %jit3A_360 : i32 to vector<32x8192xi32>
    %broadcast_in_dim3A_363 = vector.broadcast %jit3A_361 : i32 to vector<32x8192xi32>
    %select_n3A_364 = arith.select %lt3A_359, %broadcast_in_dim3A_362, %broadcast_in_dim3A_363 : vector<32x8192xi1>, vector<32x8192xi32>
    %reduce_sum3A_365 = arith.constant dense<0> : vector<32xi32>
    %reduce_sum3A_366 = vector.multi_reduction <add>, %select_n3A_364, %reduce_sum3A_365 [1] : vector<32x8192xi32> to vector<32xi32>
    %broadcast_in_dim3A_367 = vector.shape_cast %reduce_sum3A_366 : vector<32xi32> to vector<32x1xi32>
    %ge3A_368 = arith.constant 64 : i32
    %ge3A_369 = vector.broadcast %ge3A_368 : i32 to vector<32x1xi32>
    %ge3A_370 = arith.cmpi sge, %broadcast_in_dim3A_367, %ge3A_369 : vector<32x1xi32>
    %select_n3A_371 = arith.select %ge3A_370, %select_n3A_354, %or3A_357 : vector<32x1xi1>, vector<32x1xi32>
    %or3A_372 = arith.constant 1024 : i32
    %or3A_373 = vector.broadcast %or3A_372 : i32 to vector<32x1xi32>
    %or3A_374 = arith.ori %select_n3A_371, %or3A_373 : vector<32x1xi32>
    %lt3A_375 = vector.broadcast %or3A_374 : vector<32x1xi32> to vector<32x8192xi32>
    %lt3A_376 = arith.cmpi slt, %select_n3A, %lt3A_375 : vector<32x8192xi32>
    %jit3A_377 = arith.constant 1 : i32
    %jit3A_378 = arith.constant 0 : i32
    %broadcast_in_dim3A_379 = vector.broadcast %jit3A_377 : i32 to vector<32x8192xi32>
    %broadcast_in_dim3A_380 = vector.broadcast %jit3A_378 : i32 to vector<32x8192xi32>
    %select_n3A_381 = arith.select %lt3A_376, %broadcast_in_dim3A_379, %broadcast_in_dim3A_380 : vector<32x8192xi1>, vector<32x8192xi32>
    %reduce_sum3A_382 = arith.constant dense<0> : vector<32xi32>
    %reduce_sum3A_383 = vector.multi_reduction <add>, %select_n3A_381, %reduce_sum3A_382 [1] : vector<32x8192xi32> to vector<32xi32>
    %broadcast_in_dim3A_384 = vector.shape_cast %reduce_sum3A_383 : vector<32xi32> to vector<32x1xi32>
    %ge3A_385 = arith.constant 64 : i32
    %ge3A_386 = vector.broadcast %ge3A_385 : i32 to vector<32x1xi32>
    %ge3A_387 = arith.cmpi sge, %broadcast_in_dim3A_384, %ge3A_386 : vector<32x1xi32>
    %select_n3A_388 = arith.select %ge3A_387, %select_n3A_371, %or3A_374 : vector<32x1xi1>, vector<32x1xi32>
    %or3A_389 = arith.constant 512 : i32
    %or3A_390 = vector.broadcast %or3A_389 : i32 to vector<32x1xi32>
    %or3A_391 = arith.ori %select_n3A_388, %or3A_390 : vector<32x1xi32>
    %lt3A_392 = vector.broadcast %or3A_391 : vector<32x1xi32> to vector<32x8192xi32>
    %lt3A_393 = arith.cmpi slt, %select_n3A, %lt3A_392 : vector<32x8192xi32>
    %jit3A_394 = arith.constant 1 : i32
    %jit3A_395 = arith.constant 0 : i32
    %broadcast_in_dim3A_396 = vector.broadcast %jit3A_394 : i32 to vector<32x8192xi32>
    %broadcast_in_dim3A_397 = vector.broadcast %jit3A_395 : i32 to vector<32x8192xi32>
    %select_n3A_398 = arith.select %lt3A_393, %broadcast_in_dim3A_396, %broadcast_in_dim3A_397 : vector<32x8192xi1>, vector<32x8192xi32>
    %reduce_sum3A_399 = arith.constant dense<0> : vector<32xi32>
    %reduce_sum3A_400 = vector.multi_reduction <add>, %select_n3A_398, %reduce_sum3A_399 [1] : vector<32x8192xi32> to vector<32xi32>
    %broadcast_in_dim3A_401 = vector.shape_cast %reduce_sum3A_400 : vector<32xi32> to vector<32x1xi32>
    %ge3A_402 = arith.constant 64 : i32
    %ge3A_403 = vector.broadcast %ge3A_402 : i32 to vector<32x1xi32>
    %ge3A_404 = arith.cmpi sge, %broadcast_in_dim3A_401, %ge3A_403 : vector<32x1xi32>
    %select_n3A_405 = arith.select %ge3A_404, %select_n3A_388, %or3A_391 : vector<32x1xi1>, vector<32x1xi32>
    %or3A_406 = arith.constant 256 : i32
    %or3A_407 = vector.broadcast %or3A_406 : i32 to vector<32x1xi32>
    %or3A_408 = arith.ori %select_n3A_405, %or3A_407 : vector<32x1xi32>
    %lt3A_409 = vector.broadcast %or3A_408 : vector<32x1xi32> to vector<32x8192xi32>
    %lt3A_410 = arith.cmpi slt, %select_n3A, %lt3A_409 : vector<32x8192xi32>
    %jit3A_411 = arith.constant 1 : i32
    %jit3A_412 = arith.constant 0 : i32
    %broadcast_in_dim3A_413 = vector.broadcast %jit3A_411 : i32 to vector<32x8192xi32>
    %broadcast_in_dim3A_414 = vector.broadcast %jit3A_412 : i32 to vector<32x8192xi32>
    %select_n3A_415 = arith.select %lt3A_410, %broadcast_in_dim3A_413, %broadcast_in_dim3A_414 : vector<32x8192xi1>, vector<32x8192xi32>
    %reduce_sum3A_416 = arith.constant dense<0> : vector<32xi32>
    %reduce_sum3A_417 = vector.multi_reduction <add>, %select_n3A_415, %reduce_sum3A_416 [1] : vector<32x8192xi32> to vector<32xi32>
    %broadcast_in_dim3A_418 = vector.shape_cast %reduce_sum3A_417 : vector<32xi32> to vector<32x1xi32>
    %ge3A_419 = arith.constant 64 : i32
    %ge3A_420 = vector.broadcast %ge3A_419 : i32 to vector<32x1xi32>
    %ge3A_421 = arith.cmpi sge, %broadcast_in_dim3A_418, %ge3A_420 : vector<32x1xi32>
    %select_n3A_422 = arith.select %ge3A_421, %select_n3A_405, %or3A_408 : vector<32x1xi1>, vector<32x1xi32>
    %or3A_423 = arith.constant 128 : i32
    %or3A_424 = vector.broadcast %or3A_423 : i32 to vector<32x1xi32>
    %or3A_425 = arith.ori %select_n3A_422, %or3A_424 : vector<32x1xi32>
    %lt3A_426 = vector.broadcast %or3A_425 : vector<32x1xi32> to vector<32x8192xi32>
    %lt3A_427 = arith.cmpi slt, %select_n3A, %lt3A_426 : vector<32x8192xi32>
    %jit3A_428 = arith.constant 1 : i32
    %jit3A_429 = arith.constant 0 : i32
    %broadcast_in_dim3A_430 = vector.broadcast %jit3A_428 : i32 to vector<32x8192xi32>
    %broadcast_in_dim3A_431 = vector.broadcast %jit3A_429 : i32 to vector<32x8192xi32>
    %select_n3A_432 = arith.select %lt3A_427, %broadcast_in_dim3A_430, %broadcast_in_dim3A_431 : vector<32x8192xi1>, vector<32x8192xi32>
    %reduce_sum3A_433 = arith.constant dense<0> : vector<32xi32>
    %reduce_sum3A_434 = vector.multi_reduction <add>, %select_n3A_432, %reduce_sum3A_433 [1] : vector<32x8192xi32> to vector<32xi32>
    %broadcast_in_dim3A_435 = vector.shape_cast %reduce_sum3A_434 : vector<32xi32> to vector<32x1xi32>
    %ge3A_436 = arith.constant 64 : i32
    %ge3A_437 = vector.broadcast %ge3A_436 : i32 to vector<32x1xi32>
    %ge3A_438 = arith.cmpi sge, %broadcast_in_dim3A_435, %ge3A_437 : vector<32x1xi32>
    %select_n3A_439 = arith.select %ge3A_438, %select_n3A_422, %or3A_425 : vector<32x1xi1>, vector<32x1xi32>
    %or3A_440 = arith.constant 64 : i32
    %or3A_441 = vector.broadcast %or3A_440 : i32 to vector<32x1xi32>
    %or3A_442 = arith.ori %select_n3A_439, %or3A_441 : vector<32x1xi32>
    %lt3A_443 = vector.broadcast %or3A_442 : vector<32x1xi32> to vector<32x8192xi32>
    %lt3A_444 = arith.cmpi slt, %select_n3A, %lt3A_443 : vector<32x8192xi32>
    %jit3A_445 = arith.constant 1 : i32
    %jit3A_446 = arith.constant 0 : i32
    %broadcast_in_dim3A_447 = vector.broadcast %jit3A_445 : i32 to vector<32x8192xi32>
    %broadcast_in_dim3A_448 = vector.broadcast %jit3A_446 : i32 to vector<32x8192xi32>
    %select_n3A_449 = arith.select %lt3A_444, %broadcast_in_dim3A_447, %broadcast_in_dim3A_448 : vector<32x8192xi1>, vector<32x8192xi32>
    %reduce_sum3A_450 = arith.constant dense<0> : vector<32xi32>
    %reduce_sum3A_451 = vector.multi_reduction <add>, %select_n3A_449, %reduce_sum3A_450 [1] : vector<32x8192xi32> to vector<32xi32>
    %broadcast_in_dim3A_452 = vector.shape_cast %reduce_sum3A_451 : vector<32xi32> to vector<32x1xi32>
    %ge3A_453 = arith.constant 64 : i32
    %ge3A_454 = vector.broadcast %ge3A_453 : i32 to vector<32x1xi32>
    %ge3A_455 = arith.cmpi sge, %broadcast_in_dim3A_452, %ge3A_454 : vector<32x1xi32>
    %select_n3A_456 = arith.select %ge3A_455, %select_n3A_439, %or3A_442 : vector<32x1xi1>, vector<32x1xi32>
    %or3A_457 = arith.constant 32 : i32
    %or3A_458 = vector.broadcast %or3A_457 : i32 to vector<32x1xi32>
    %or3A_459 = arith.ori %select_n3A_456, %or3A_458 : vector<32x1xi32>
    %lt3A_460 = vector.broadcast %or3A_459 : vector<32x1xi32> to vector<32x8192xi32>
    %lt3A_461 = arith.cmpi slt, %select_n3A, %lt3A_460 : vector<32x8192xi32>
    %jit3A_462 = arith.constant 1 : i32
    %jit3A_463 = arith.constant 0 : i32
    %broadcast_in_dim3A_464 = vector.broadcast %jit3A_462 : i32 to vector<32x8192xi32>
    %broadcast_in_dim3A_465 = vector.broadcast %jit3A_463 : i32 to vector<32x8192xi32>
    %select_n3A_466 = arith.select %lt3A_461, %broadcast_in_dim3A_464, %broadcast_in_dim3A_465 : vector<32x8192xi1>, vector<32x8192xi32>
    %reduce_sum3A_467 = arith.constant dense<0> : vector<32xi32>
    %reduce_sum3A_468 = vector.multi_reduction <add>, %select_n3A_466, %reduce_sum3A_467 [1] : vector<32x8192xi32> to vector<32xi32>
    %broadcast_in_dim3A_469 = vector.shape_cast %reduce_sum3A_468 : vector<32xi32> to vector<32x1xi32>
    %ge3A_470 = arith.constant 64 : i32
    %ge3A_471 = vector.broadcast %ge3A_470 : i32 to vector<32x1xi32>
    %ge3A_472 = arith.cmpi sge, %broadcast_in_dim3A_469, %ge3A_471 : vector<32x1xi32>
    %select_n3A_473 = arith.select %ge3A_472, %select_n3A_456, %or3A_459 : vector<32x1xi1>, vector<32x1xi32>
    %or3A_474 = arith.constant 16 : i32
    %or3A_475 = vector.broadcast %or3A_474 : i32 to vector<32x1xi32>
    %or3A_476 = arith.ori %select_n3A_473, %or3A_475 : vector<32x1xi32>
    %lt3A_477 = vector.broadcast %or3A_476 : vector<32x1xi32> to vector<32x8192xi32>
    %lt3A_478 = arith.cmpi slt, %select_n3A, %lt3A_477 : vector<32x8192xi32>
    %jit3A_479 = arith.constant 1 : i32
    %jit3A_480 = arith.constant 0 : i32
    %broadcast_in_dim3A_481 = vector.broadcast %jit3A_479 : i32 to vector<32x8192xi32>
    %broadcast_in_dim3A_482 = vector.broadcast %jit3A_480 : i32 to vector<32x8192xi32>
    %select_n3A_483 = arith.select %lt3A_478, %broadcast_in_dim3A_481, %broadcast_in_dim3A_482 : vector<32x8192xi1>, vector<32x8192xi32>
    %reduce_sum3A_484 = arith.constant dense<0> : vector<32xi32>
    %reduce_sum3A_485 = vector.multi_reduction <add>, %select_n3A_483, %reduce_sum3A_484 [1] : vector<32x8192xi32> to vector<32xi32>
    %broadcast_in_dim3A_486 = vector.shape_cast %reduce_sum3A_485 : vector<32xi32> to vector<32x1xi32>
    %ge3A_487 = arith.constant 64 : i32
    %ge3A_488 = vector.broadcast %ge3A_487 : i32 to vector<32x1xi32>
    %ge3A_489 = arith.cmpi sge, %broadcast_in_dim3A_486, %ge3A_488 : vector<32x1xi32>
    %select_n3A_490 = arith.select %ge3A_489, %select_n3A_473, %or3A_476 : vector<32x1xi1>, vector<32x1xi32>
    %or3A_491 = arith.constant 8 : i32
    %or3A_492 = vector.broadcast %or3A_491 : i32 to vector<32x1xi32>
    %or3A_493 = arith.ori %select_n3A_490, %or3A_492 : vector<32x1xi32>
    %lt3A_494 = vector.broadcast %or3A_493 : vector<32x1xi32> to vector<32x8192xi32>
    %lt3A_495 = arith.cmpi slt, %select_n3A, %lt3A_494 : vector<32x8192xi32>
    %jit3A_496 = arith.constant 1 : i32
    %jit3A_497 = arith.constant 0 : i32
    %broadcast_in_dim3A_498 = vector.broadcast %jit3A_496 : i32 to vector<32x8192xi32>
    %broadcast_in_dim3A_499 = vector.broadcast %jit3A_497 : i32 to vector<32x8192xi32>
    %select_n3A_500 = arith.select %lt3A_495, %broadcast_in_dim3A_498, %broadcast_in_dim3A_499 : vector<32x8192xi1>, vector<32x8192xi32>
    %reduce_sum3A_501 = arith.constant dense<0> : vector<32xi32>
    %reduce_sum3A_502 = vector.multi_reduction <add>, %select_n3A_500, %reduce_sum3A_501 [1] : vector<32x8192xi32> to vector<32xi32>
    %broadcast_in_dim3A_503 = vector.shape_cast %reduce_sum3A_502 : vector<32xi32> to vector<32x1xi32>
    %ge3A_504 = arith.constant 64 : i32
    %ge3A_505 = vector.broadcast %ge3A_504 : i32 to vector<32x1xi32>
    %ge3A_506 = arith.cmpi sge, %broadcast_in_dim3A_503, %ge3A_505 : vector<32x1xi32>
    %select_n3A_507 = arith.select %ge3A_506, %select_n3A_490, %or3A_493 : vector<32x1xi1>, vector<32x1xi32>
    %or3A_508 = arith.constant 4 : i32
    %or3A_509 = vector.broadcast %or3A_508 : i32 to vector<32x1xi32>
    %or3A_510 = arith.ori %select_n3A_507, %or3A_509 : vector<32x1xi32>
    %lt3A_511 = vector.broadcast %or3A_510 : vector<32x1xi32> to vector<32x8192xi32>
    %lt3A_512 = arith.cmpi slt, %select_n3A, %lt3A_511 : vector<32x8192xi32>
    %jit3A_513 = arith.constant 1 : i32
    %jit3A_514 = arith.constant 0 : i32
    %broadcast_in_dim3A_515 = vector.broadcast %jit3A_513 : i32 to vector<32x8192xi32>
    %broadcast_in_dim3A_516 = vector.broadcast %jit3A_514 : i32 to vector<32x8192xi32>
    %select_n3A_517 = arith.select %lt3A_512, %broadcast_in_dim3A_515, %broadcast_in_dim3A_516 : vector<32x8192xi1>, vector<32x8192xi32>
    %reduce_sum3A_518 = arith.constant dense<0> : vector<32xi32>
    %reduce_sum3A_519 = vector.multi_reduction <add>, %select_n3A_517, %reduce_sum3A_518 [1] : vector<32x8192xi32> to vector<32xi32>
    %broadcast_in_dim3A_520 = vector.shape_cast %reduce_sum3A_519 : vector<32xi32> to vector<32x1xi32>
    %ge3A_521 = arith.constant 64 : i32
    %ge3A_522 = vector.broadcast %ge3A_521 : i32 to vector<32x1xi32>
    %ge3A_523 = arith.cmpi sge, %broadcast_in_dim3A_520, %ge3A_522 : vector<32x1xi32>
    %select_n3A_524 = arith.select %ge3A_523, %select_n3A_507, %or3A_510 : vector<32x1xi1>, vector<32x1xi32>
    %or3A_525 = arith.constant 2 : i32
    %or3A_526 = vector.broadcast %or3A_525 : i32 to vector<32x1xi32>
    %or3A_527 = arith.ori %select_n3A_524, %or3A_526 : vector<32x1xi32>
    %lt3A_528 = vector.broadcast %or3A_527 : vector<32x1xi32> to vector<32x8192xi32>
    %lt3A_529 = arith.cmpi slt, %select_n3A, %lt3A_528 : vector<32x8192xi32>
    %jit3A_530 = arith.constant 1 : i32
    %jit3A_531 = arith.constant 0 : i32
    %broadcast_in_dim3A_532 = vector.broadcast %jit3A_530 : i32 to vector<32x8192xi32>
    %broadcast_in_dim3A_533 = vector.broadcast %jit3A_531 : i32 to vector<32x8192xi32>
    %select_n3A_534 = arith.select %lt3A_529, %broadcast_in_dim3A_532, %broadcast_in_dim3A_533 : vector<32x8192xi1>, vector<32x8192xi32>
    %reduce_sum3A_535 = arith.constant dense<0> : vector<32xi32>
    %reduce_sum3A_536 = vector.multi_reduction <add>, %select_n3A_534, %reduce_sum3A_535 [1] : vector<32x8192xi32> to vector<32xi32>
    %broadcast_in_dim3A_537 = vector.shape_cast %reduce_sum3A_536 : vector<32xi32> to vector<32x1xi32>
    %ge3A_538 = arith.constant 64 : i32
    %ge3A_539 = vector.broadcast %ge3A_538 : i32 to vector<32x1xi32>
    %ge3A_540 = arith.cmpi sge, %broadcast_in_dim3A_537, %ge3A_539 : vector<32x1xi32>
    %select_n3A_541 = arith.select %ge3A_540, %select_n3A_524, %or3A_527 : vector<32x1xi1>, vector<32x1xi32>
    %or3A_542 = arith.constant 1 : i32
    %or3A_543 = vector.broadcast %or3A_542 : i32 to vector<32x1xi32>
    %or3A_544 = arith.ori %select_n3A_541, %or3A_543 : vector<32x1xi32>
    %lt3A_545 = vector.broadcast %or3A_544 : vector<32x1xi32> to vector<32x8192xi32>
    %lt3A_546 = arith.cmpi slt, %select_n3A, %lt3A_545 : vector<32x8192xi32>
    %jit3A_547 = arith.constant 1 : i32
    %jit3A_548 = arith.constant 0 : i32
    %broadcast_in_dim3A_549 = vector.broadcast %jit3A_547 : i32 to vector<32x8192xi32>
    %broadcast_in_dim3A_550 = vector.broadcast %jit3A_548 : i32 to vector<32x8192xi32>
    %select_n3A_551 = arith.select %lt3A_546, %broadcast_in_dim3A_549, %broadcast_in_dim3A_550 : vector<32x8192xi1>, vector<32x8192xi32>
    %reduce_sum3A_552 = arith.constant dense<0> : vector<32xi32>
    %reduce_sum3A_553 = vector.multi_reduction <add>, %select_n3A_551, %reduce_sum3A_552 [1] : vector<32x8192xi32> to vector<32xi32>
    %broadcast_in_dim3A_554 = vector.shape_cast %reduce_sum3A_553 : vector<32xi32> to vector<32x1xi32>
    %ge3A_555 = arith.constant 64 : i32
    %ge3A_556 = vector.broadcast %ge3A_555 : i32 to vector<32x1xi32>
    %ge3A_557 = arith.cmpi sge, %broadcast_in_dim3A_554, %ge3A_556 : vector<32x1xi32>
    %select_n3A_558 = arith.select %ge3A_557, %select_n3A_541, %or3A_544 : vector<32x1xi1>, vector<32x1xi32>
    %lt3A_559 = vector.broadcast %select_n3A_558 : vector<32x1xi32> to vector<32x8192xi32>
    %lt3A_560 = arith.cmpi slt, %select_n3A, %lt3A_559 : vector<32x8192xi32>
    %jit3A_561 = arith.constant 1 : i32
    %jit3A_562 = arith.constant 0 : i32
    %broadcast_in_dim3A_563 = vector.broadcast %jit3A_561 : i32 to vector<32x8192xi32>
    %broadcast_in_dim3A_564 = vector.broadcast %jit3A_562 : i32 to vector<32x8192xi32>
    %select_n3A_565 = arith.select %lt3A_560, %broadcast_in_dim3A_563, %broadcast_in_dim3A_564 : vector<32x8192xi1>, vector<32x8192xi32>
    %reduce_sum3A_566 = arith.constant dense<0> : vector<32xi32>
    %reduce_sum3A_567 = vector.multi_reduction <add>, %select_n3A_565, %reduce_sum3A_566 [1] : vector<32x8192xi32> to vector<32xi32>
    %broadcast_in_dim3A_568 = vector.shape_cast %reduce_sum3A_567 : vector<32xi32> to vector<32x1xi32>
    %sub3A_569 = arith.constant 64 : i32
    %sub3A_570 = vector.broadcast %sub3A_569 : i32 to vector<32x1xi32>
    %sub3A_571 = arith.subi %sub3A_570, %broadcast_in_dim3A_568 : vector<32x1xi32>
    %eq3A = vector.broadcast %select_n3A_558 : vector<32x1xi32> to vector<32x8192xi32>
    %eq3A_572 = arith.cmpi eq, %select_n3A, %eq3A : vector<32x8192xi32>
    %lt3A_573 = arith.constant 2139095040 : i32
    %lt3A_574 = vector.broadcast %lt3A_573 : i32 to vector<32x1xi32>
    %lt3A_575 = arith.cmpi slt, %select_n3A_558, %lt3A_574 : vector<32x1xi32>
    %and3A_576 = vector.broadcast %lt3A_575 : vector<32x1xi1> to vector<32x8192xi1>
    %and3A_577 = arith.andi %eq3A_572, %and3A_576 : vector<32x8192xi1>
    %convert_element_type3A = arith.extui %and3A_577 : vector<32x8192xi1> to vector<32x8192xi32>
    %broadcast_in_dim3A_578 = arith.constant 0 : i32
    %broadcast_in_dim3A_579 = vector.broadcast %broadcast_in_dim3A_578 : i32 to vector<32x1xi32>
    %slice3A = vector.extract_strided_slice %convert_element_type3A {offsets = [0, 0], sizes = [32, 8191], strides = [1, 1]} : vector<32x8192xi32> to vector<32x8191xi32>
    %concatenate3A = tpu.concatenate %broadcast_in_dim3A_579, %slice3A in 1 : vector<32x1xi32>, vector<32x8191xi32> -> vector<32x8192xi32>
    %add3A_580 = arith.addi %convert_element_type3A, %concatenate3A : vector<32x8192xi32>
    %broadcast_in_dim3A_581 = arith.constant 0 : i32
    %broadcast_in_dim3A_582 = vector.broadcast %broadcast_in_dim3A_581 : i32 to vector<32x2xi32>
    %slice3A_583 = vector.extract_strided_slice %add3A_580 {offsets = [0, 0], sizes = [32, 8190], strides = [1, 1]} : vector<32x8192xi32> to vector<32x8190xi32>
    %concatenate3A_584 = tpu.concatenate %broadcast_in_dim3A_582, %slice3A_583 in 1 : vector<32x2xi32>, vector<32x8190xi32> -> vector<32x8192xi32>
    %add3A_585 = arith.addi %add3A_580, %concatenate3A_584 : vector<32x8192xi32>
    %broadcast_in_dim3A_586 = arith.constant 0 : i32
    %broadcast_in_dim3A_587 = vector.broadcast %broadcast_in_dim3A_586 : i32 to vector<32x4xi32>
    %slice3A_588 = vector.extract_strided_slice %add3A_585 {offsets = [0, 0], sizes = [32, 8188], strides = [1, 1]} : vector<32x8192xi32> to vector<32x8188xi32>
    %concatenate3A_589 = tpu.concatenate %broadcast_in_dim3A_587, %slice3A_588 in 1 : vector<32x4xi32>, vector<32x8188xi32> -> vector<32x8192xi32>
    %add3A_590 = arith.addi %add3A_585, %concatenate3A_589 : vector<32x8192xi32>
    %broadcast_in_dim3A_591 = arith.constant 0 : i32
    %broadcast_in_dim3A_592 = vector.broadcast %broadcast_in_dim3A_591 : i32 to vector<32x8xi32>
    %slice3A_593 = vector.extract_strided_slice %add3A_590 {offsets = [0, 0], sizes = [32, 8184], strides = [1, 1]} : vector<32x8192xi32> to vector<32x8184xi32>
    %concatenate3A_594 = tpu.concatenate %broadcast_in_dim3A_592, %slice3A_593 in 1 : vector<32x8xi32>, vector<32x8184xi32> -> vector<32x8192xi32>
    %add3A_595 = arith.addi %add3A_590, %concatenate3A_594 : vector<32x8192xi32>
    %broadcast_in_dim3A_596 = arith.constant 0 : i32
    %broadcast_in_dim3A_597 = vector.broadcast %broadcast_in_dim3A_596 : i32 to vector<32x16xi32>
    %slice3A_598 = vector.extract_strided_slice %add3A_595 {offsets = [0, 0], sizes = [32, 8176], strides = [1, 1]} : vector<32x8192xi32> to vector<32x8176xi32>
    %concatenate3A_599 = tpu.concatenate %broadcast_in_dim3A_597, %slice3A_598 in 1 : vector<32x16xi32>, vector<32x8176xi32> -> vector<32x8192xi32>
    %add3A_600 = arith.addi %add3A_595, %concatenate3A_599 : vector<32x8192xi32>
    %broadcast_in_dim3A_601 = arith.constant 0 : i32
    %broadcast_in_dim3A_602 = vector.broadcast %broadcast_in_dim3A_601 : i32 to vector<32x32xi32>
    %slice3A_603 = vector.extract_strided_slice %add3A_600 {offsets = [0, 0], sizes = [32, 8160], strides = [1, 1]} : vector<32x8192xi32> to vector<32x8160xi32>
    %concatenate3A_604 = tpu.concatenate %broadcast_in_dim3A_602, %slice3A_603 in 1 : vector<32x32xi32>, vector<32x8160xi32> -> vector<32x8192xi32>
    %add3A_605 = arith.addi %add3A_600, %concatenate3A_604 : vector<32x8192xi32>
    %broadcast_in_dim3A_606 = arith.constant 0 : i32
    %broadcast_in_dim3A_607 = vector.broadcast %broadcast_in_dim3A_606 : i32 to vector<32x64xi32>
    %slice3A_608 = vector.extract_strided_slice %add3A_605 {offsets = [0, 0], sizes = [32, 8128], strides = [1, 1]} : vector<32x8192xi32> to vector<32x8128xi32>
    %concatenate3A_609 = tpu.concatenate %broadcast_in_dim3A_607, %slice3A_608 in 1 : vector<32x64xi32>, vector<32x8128xi32> -> vector<32x8192xi32>
    %add3A_610 = arith.addi %add3A_605, %concatenate3A_609 : vector<32x8192xi32>
    %broadcast_in_dim3A_611 = arith.constant 0 : i32
    %broadcast_in_dim3A_612 = vector.broadcast %broadcast_in_dim3A_611 : i32 to vector<32x128xi32>
    %slice3A_613 = vector.extract_strided_slice %add3A_610 {offsets = [0, 0], sizes = [32, 8064], strides = [1, 1]} : vector<32x8192xi32> to vector<32x8064xi32>
    %concatenate3A_614 = tpu.concatenate %broadcast_in_dim3A_612, %slice3A_613 in 1 : vector<32x128xi32>, vector<32x8064xi32> -> vector<32x8192xi32>
    %add3A_615 = arith.addi %add3A_610, %concatenate3A_614 : vector<32x8192xi32>
    %broadcast_in_dim3A_616 = arith.constant 0 : i32
    %broadcast_in_dim3A_617 = vector.broadcast %broadcast_in_dim3A_616 : i32 to vector<32x256xi32>
    %slice3A_618 = vector.extract_strided_slice %add3A_615 {offsets = [0, 0], sizes = [32, 7936], strides = [1, 1]} : vector<32x8192xi32> to vector<32x7936xi32>
    %concatenate3A_619 = tpu.concatenate %broadcast_in_dim3A_617, %slice3A_618 in 1 : vector<32x256xi32>, vector<32x7936xi32> -> vector<32x8192xi32>
    %add3A_620 = arith.addi %add3A_615, %concatenate3A_619 : vector<32x8192xi32>
    %broadcast_in_dim3A_621 = arith.constant 0 : i32
    %broadcast_in_dim3A_622 = vector.broadcast %broadcast_in_dim3A_621 : i32 to vector<32x512xi32>
    %slice3A_623 = vector.extract_strided_slice %add3A_620 {offsets = [0, 0], sizes = [32, 7680], strides = [1, 1]} : vector<32x8192xi32> to vector<32x7680xi32>
    %concatenate3A_624 = tpu.concatenate %broadcast_in_dim3A_622, %slice3A_623 in 1 : vector<32x512xi32>, vector<32x7680xi32> -> vector<32x8192xi32>
    %add3A_625 = arith.addi %add3A_620, %concatenate3A_624 : vector<32x8192xi32>
    %broadcast_in_dim3A_626 = arith.constant 0 : i32
    %broadcast_in_dim3A_627 = vector.broadcast %broadcast_in_dim3A_626 : i32 to vector<32x1024xi32>
    %slice3A_628 = vector.extract_strided_slice %add3A_625 {offsets = [0, 0], sizes = [32, 7168], strides = [1, 1]} : vector<32x8192xi32> to vector<32x7168xi32>
    %concatenate3A_629 = tpu.concatenate %broadcast_in_dim3A_627, %slice3A_628 in 1 : vector<32x1024xi32>, vector<32x7168xi32> -> vector<32x8192xi32>
    %add3A_630 = arith.addi %add3A_625, %concatenate3A_629 : vector<32x8192xi32>
    %broadcast_in_dim3A_631 = arith.constant 0 : i32
    %broadcast_in_dim3A_632 = vector.broadcast %broadcast_in_dim3A_631 : i32 to vector<32x2048xi32>
    %slice3A_633 = vector.extract_strided_slice %add3A_630 {offsets = [0, 0], sizes = [32, 6144], strides = [1, 1]} : vector<32x8192xi32> to vector<32x6144xi32>
    %concatenate3A_634 = tpu.concatenate %broadcast_in_dim3A_632, %slice3A_633 in 1 : vector<32x2048xi32>, vector<32x6144xi32> -> vector<32x8192xi32>
    %add3A_635 = arith.addi %add3A_630, %concatenate3A_634 : vector<32x8192xi32>
    %broadcast_in_dim3A_636 = arith.constant 0 : i32
    %broadcast_in_dim3A_637 = vector.broadcast %broadcast_in_dim3A_636 : i32 to vector<32x4096xi32>
    %slice3A_638 = vector.extract_strided_slice %add3A_635 {offsets = [0, 0], sizes = [32, 4096], strides = [1, 1]} : vector<32x8192xi32> to vector<32x4096xi32>
    %concatenate3A_639 = tpu.concatenate %broadcast_in_dim3A_637, %slice3A_638 in 1 : vector<32x4096xi32>, vector<32x4096xi32> -> vector<32x8192xi32>
    %add3A_640 = arith.addi %add3A_635, %concatenate3A_639 : vector<32x8192xi32>
    %lt3A_641 = vector.broadcast %select_n3A_558 : vector<32x1xi32> to vector<32x8192xi32>
    %lt3A_642 = arith.cmpi slt, %select_n3A, %lt3A_641 : vector<32x8192xi32>
    %le3A_643 = vector.broadcast %sub3A_571 : vector<32x1xi32> to vector<32x8192xi32>
    %le3A_644 = arith.cmpi sle, %add3A_640, %le3A_643 : vector<32x8192xi32>
    %and3A_645 = arith.andi %and3A_577, %le3A_644 : vector<32x8192xi1>
    %or3A_646 = arith.ori %lt3A_642, %and3A_645 : vector<32x8192xi1>
    %convert_element_type3A_647 = arith.extui %or3A_646 : vector<32x8192xi1> to vector<32x8192xi32>
    %broadcast_in_dim3A_648 = arith.constant 0 : i32
    %broadcast_in_dim3A_649 = vector.broadcast %broadcast_in_dim3A_648 : i32 to vector<32x1xi32>
    %slice3A_650 = vector.extract_strided_slice %convert_element_type3A_647 {offsets = [0, 0], sizes = [32, 8191], strides = [1, 1]} : vector<32x8192xi32> to vector<32x8191xi32>
    %concatenate3A_651 = tpu.concatenate %broadcast_in_dim3A_649, %slice3A_650 in 1 : vector<32x1xi32>, vector<32x8191xi32> -> vector<32x8192xi32>
    %add3A_652 = arith.addi %convert_element_type3A_647, %concatenate3A_651 : vector<32x8192xi32>
    %broadcast_in_dim3A_653 = arith.constant 0 : i32
    %broadcast_in_dim3A_654 = vector.broadcast %broadcast_in_dim3A_653 : i32 to vector<32x2xi32>
    %slice3A_655 = vector.extract_strided_slice %add3A_652 {offsets = [0, 0], sizes = [32, 8190], strides = [1, 1]} : vector<32x8192xi32> to vector<32x8190xi32>
    %concatenate3A_656 = tpu.concatenate %broadcast_in_dim3A_654, %slice3A_655 in 1 : vector<32x2xi32>, vector<32x8190xi32> -> vector<32x8192xi32>
    %add3A_657 = arith.addi %add3A_652, %concatenate3A_656 : vector<32x8192xi32>
    %broadcast_in_dim3A_658 = arith.constant 0 : i32
    %broadcast_in_dim3A_659 = vector.broadcast %broadcast_in_dim3A_658 : i32 to vector<32x4xi32>
    %slice3A_660 = vector.extract_strided_slice %add3A_657 {offsets = [0, 0], sizes = [32, 8188], strides = [1, 1]} : vector<32x8192xi32> to vector<32x8188xi32>
    %concatenate3A_661 = tpu.concatenate %broadcast_in_dim3A_659, %slice3A_660 in 1 : vector<32x4xi32>, vector<32x8188xi32> -> vector<32x8192xi32>
    %add3A_662 = arith.addi %add3A_657, %concatenate3A_661 : vector<32x8192xi32>
    %broadcast_in_dim3A_663 = arith.constant 0 : i32
    %broadcast_in_dim3A_664 = vector.broadcast %broadcast_in_dim3A_663 : i32 to vector<32x8xi32>
    %slice3A_665 = vector.extract_strided_slice %add3A_662 {offsets = [0, 0], sizes = [32, 8184], strides = [1, 1]} : vector<32x8192xi32> to vector<32x8184xi32>
    %concatenate3A_666 = tpu.concatenate %broadcast_in_dim3A_664, %slice3A_665 in 1 : vector<32x8xi32>, vector<32x8184xi32> -> vector<32x8192xi32>
    %add3A_667 = arith.addi %add3A_662, %concatenate3A_666 : vector<32x8192xi32>
    %broadcast_in_dim3A_668 = arith.constant 0 : i32
    %broadcast_in_dim3A_669 = vector.broadcast %broadcast_in_dim3A_668 : i32 to vector<32x16xi32>
    %slice3A_670 = vector.extract_strided_slice %add3A_667 {offsets = [0, 0], sizes = [32, 8176], strides = [1, 1]} : vector<32x8192xi32> to vector<32x8176xi32>
    %concatenate3A_671 = tpu.concatenate %broadcast_in_dim3A_669, %slice3A_670 in 1 : vector<32x16xi32>, vector<32x8176xi32> -> vector<32x8192xi32>
    %add3A_672 = arith.addi %add3A_667, %concatenate3A_671 : vector<32x8192xi32>
    %broadcast_in_dim3A_673 = arith.constant 0 : i32
    %broadcast_in_dim3A_674 = vector.broadcast %broadcast_in_dim3A_673 : i32 to vector<32x32xi32>
    %slice3A_675 = vector.extract_strided_slice %add3A_672 {offsets = [0, 0], sizes = [32, 8160], strides = [1, 1]} : vector<32x8192xi32> to vector<32x8160xi32>
    %concatenate3A_676 = tpu.concatenate %broadcast_in_dim3A_674, %slice3A_675 in 1 : vector<32x32xi32>, vector<32x8160xi32> -> vector<32x8192xi32>
    %add3A_677 = arith.addi %add3A_672, %concatenate3A_676 : vector<32x8192xi32>
    %broadcast_in_dim3A_678 = arith.constant 0 : i32
    %broadcast_in_dim3A_679 = vector.broadcast %broadcast_in_dim3A_678 : i32 to vector<32x64xi32>
    %slice3A_680 = vector.extract_strided_slice %add3A_677 {offsets = [0, 0], sizes = [32, 8128], strides = [1, 1]} : vector<32x8192xi32> to vector<32x8128xi32>
    %concatenate3A_681 = tpu.concatenate %broadcast_in_dim3A_679, %slice3A_680 in 1 : vector<32x64xi32>, vector<32x8128xi32> -> vector<32x8192xi32>
    %add3A_682 = arith.addi %add3A_677, %concatenate3A_681 : vector<32x8192xi32>
    %broadcast_in_dim3A_683 = arith.constant 0 : i32
    %broadcast_in_dim3A_684 = vector.broadcast %broadcast_in_dim3A_683 : i32 to vector<32x128xi32>
    %slice3A_685 = vector.extract_strided_slice %add3A_682 {offsets = [0, 0], sizes = [32, 8064], strides = [1, 1]} : vector<32x8192xi32> to vector<32x8064xi32>
    %concatenate3A_686 = tpu.concatenate %broadcast_in_dim3A_684, %slice3A_685 in 1 : vector<32x128xi32>, vector<32x8064xi32> -> vector<32x8192xi32>
    %add3A_687 = arith.addi %add3A_682, %concatenate3A_686 : vector<32x8192xi32>
    %broadcast_in_dim3A_688 = arith.constant 0 : i32
    %broadcast_in_dim3A_689 = vector.broadcast %broadcast_in_dim3A_688 : i32 to vector<32x256xi32>
    %slice3A_690 = vector.extract_strided_slice %add3A_687 {offsets = [0, 0], sizes = [32, 7936], strides = [1, 1]} : vector<32x8192xi32> to vector<32x7936xi32>
    %concatenate3A_691 = tpu.concatenate %broadcast_in_dim3A_689, %slice3A_690 in 1 : vector<32x256xi32>, vector<32x7936xi32> -> vector<32x8192xi32>
    %add3A_692 = arith.addi %add3A_687, %concatenate3A_691 : vector<32x8192xi32>
    %broadcast_in_dim3A_693 = arith.constant 0 : i32
    %broadcast_in_dim3A_694 = vector.broadcast %broadcast_in_dim3A_693 : i32 to vector<32x512xi32>
    %slice3A_695 = vector.extract_strided_slice %add3A_692 {offsets = [0, 0], sizes = [32, 7680], strides = [1, 1]} : vector<32x8192xi32> to vector<32x7680xi32>
    %concatenate3A_696 = tpu.concatenate %broadcast_in_dim3A_694, %slice3A_695 in 1 : vector<32x512xi32>, vector<32x7680xi32> -> vector<32x8192xi32>
    %add3A_697 = arith.addi %add3A_692, %concatenate3A_696 : vector<32x8192xi32>
    %broadcast_in_dim3A_698 = arith.constant 0 : i32
    %broadcast_in_dim3A_699 = vector.broadcast %broadcast_in_dim3A_698 : i32 to vector<32x1024xi32>
    %slice3A_700 = vector.extract_strided_slice %add3A_697 {offsets = [0, 0], sizes = [32, 7168], strides = [1, 1]} : vector<32x8192xi32> to vector<32x7168xi32>
    %concatenate3A_701 = tpu.concatenate %broadcast_in_dim3A_699, %slice3A_700 in 1 : vector<32x1024xi32>, vector<32x7168xi32> -> vector<32x8192xi32>
    %add3A_702 = arith.addi %add3A_697, %concatenate3A_701 : vector<32x8192xi32>
    %broadcast_in_dim3A_703 = arith.constant 0 : i32
    %broadcast_in_dim3A_704 = vector.broadcast %broadcast_in_dim3A_703 : i32 to vector<32x2048xi32>
    %slice3A_705 = vector.extract_strided_slice %add3A_702 {offsets = [0, 0], sizes = [32, 6144], strides = [1, 1]} : vector<32x8192xi32> to vector<32x6144xi32>
    %concatenate3A_706 = tpu.concatenate %broadcast_in_dim3A_704, %slice3A_705 in 1 : vector<32x2048xi32>, vector<32x6144xi32> -> vector<32x8192xi32>
    %add3A_707 = arith.addi %add3A_702, %concatenate3A_706 : vector<32x8192xi32>
    %broadcast_in_dim3A_708 = arith.constant 0 : i32
    %broadcast_in_dim3A_709 = vector.broadcast %broadcast_in_dim3A_708 : i32 to vector<32x4096xi32>
    %slice3A_710 = vector.extract_strided_slice %add3A_707 {offsets = [0, 0], sizes = [32, 4096], strides = [1, 1]} : vector<32x8192xi32> to vector<32x4096xi32>
    %concatenate3A_711 = tpu.concatenate %broadcast_in_dim3A_709, %slice3A_710 in 1 : vector<32x4096xi32>, vector<32x4096xi32> -> vector<32x8192xi32>
    %add3A_712 = arith.addi %add3A_707, %concatenate3A_711 : vector<32x8192xi32>
    %sub3A_713 = arith.constant 1 : i32
    %sub3A_714 = vector.broadcast %sub3A_713 : i32 to vector<32x8192xi32>
    %sub3A_715 = arith.subi %add3A_712, %sub3A_714 : vector<32x8192xi32>
    %jit3A_716 = arith.constant -1 : i32
    %broadcast_in_dim3A_717 = vector.broadcast %jit3A_716 : i32 to vector<32x8192xi32>
    %select_n3A_718 = arith.select %or3A_646, %sub3A_715, %broadcast_in_dim3A_717 : vector<32x8192xi1>, vector<32x8192xi32>
    %swap3A = arith.constant 0 : index
    %swap3A_719 = arith.constant 0 : index
    %swap3A_720 = vector.load %arg5[%swap3A, %swap3A_719] : memref<32x8192xi32, #tpu.memory_space<vmem>>, vector<32x8192xi32>
    tpu.vector_store %arg5[%swap3A, %swap3A_719], %select_n3A_718 {strides = array<i32>} : memref<32x8192xi32, #tpu.memory_space<vmem>>, vector<32x8192xi32>,
    %slice3A_721 = vector.extract_strided_slice %add3A_712 {offsets = [0, 8191], sizes = [32, 1], strides = [1, 1]} : vector<32x8192xi32> to vector<32x1xi32>
    %broadcast_in_dim3A_722 = vector.shape_cast %slice3A_721 : vector<32x1xi32> to vector<32x1xi32>
    %broadcast_in_dim3A_723 = vector.broadcast %broadcast_in_dim3A_722 : vector<32x1xi32> to vector<32x128xi32>
    %swap3A_724 = arith.constant 0 : index
    %swap3A_725 = arith.constant 0 : index
    %swap3A_726 = vector.load %arg6[%swap3A_724, %swap3A_725] : memref<32x128xi32, #tpu.memory_space<vmem>>, vector<32x128xi32>
    tpu.vector_store %arg6[%swap3A_724, %swap3A_725], %broadcast_in_dim3A_723 {strides = array<i32>} : memref<32x128xi32, #tpu.memory_space<vmem>>, vector<32x128xi32>,
    return
  }
  func.func @transform_0(%arg0: i32) -> (i32, i32) {
    %c0_i32 = arith.constant 0 : i32
    %c0_i32_0 = arith.constant 0 : i32
    return %arg0, %c0_i32 : i32, i32
  }
  func.func @transform_1(%arg0: i32) -> (i32, i32) {
    %c0_i32 = arith.constant 0 : i32
    %c0_i32_0 = arith.constant 0 : i32
    %c0_i32_1 = arith.constant 0 : i32
    return %c0_i32, %c0_i32_0 : i32, i32
  }
  func.func @transform_2(%arg0: i32) -> (i32, i32) {
    %c0_i32 = arith.constant 0 : i32
    %c0_i32_0 = arith.constant 0 : i32
    %c0_i32_1 = arith.constant 0 : i32
    return %c0_i32, %c0_i32_0 : i32, i32
  }
  func.func @transform_3(%arg0: i32) -> (i32, i32) {
    %c0_i32 = arith.constant 0 : i32
    %c0_i32_0 = arith.constant 0 : i32
    %c0_i32_1 = arith.constant 0 : i32
    return %c0_i32, %c0_i32_0 : i32, i32
  }
  func.func @transform_4(%arg0: i32) -> (i32, i32) {
    %c0_i32 = arith.constant 0 : i32
    %c0_i32_0 = arith.constant 0 : i32
    return %arg0, %c0_i32 : i32, i32
  }
  func.func @transform_5(%arg0: i32) -> (i32, i32) {
    %c0_i32 = arith.constant 0 : i32
    %c0_i32_0 = arith.constant 0 : i32
    return %arg0, %c0_i32 : i32, i32
  }
}

module attributes {stable_mosaic.version = 14 : i64} {
  func.func @_a1_body(%arg0: memref<8192x8xf32, #tpu.memory_space<vmem>>, %arg1: memref<8x128xf32, #tpu.memory_space<vmem>>, %arg2: memref<1x128xf32, #tpu.memory_space<vmem>>, %arg3: memref<1664x128xf32, #tpu.memory_space<vmem>>, %arg4: memref<3x128xf32, #tpu.memory_space<vmem>>, %arg5: memref<8192x128xf32, #tpu.memory_space<vmem>>, %arg6: memref<1664x128xf32, #tpu.memory_space<vmem>>) attributes {dimension_semantics = [], scalar_prefetch = 0 : i64, scratch_operands = 0 : i64, tpu.core_type = #tpu.core_type<tc>} {
    %get3A = arith.constant 0 : index
    %get3A_0 = arith.constant 0 : index
    %get3A_1 = vector.load %arg0[%get3A, %get3A_0] : memref<8192x8xf32, #tpu.memory_space<vmem>>, vector<8192x8xf32>
    %get3A_2 = arith.constant 0 : index
    %get3A_3 = arith.constant 0 : index
    %get3A_4 = vector.load %arg1[%get3A_2, %get3A_3] : memref<8x128xf32, #tpu.memory_space<vmem>>, vector<8x128xf32>
    %dot_general3A = arith.constant dense<0.000000e+00> : vector<8192x128xf32>
    %dot_general3A_5 = tpu.matmul %get3A_1, %get3A_4, %dot_general3A {dimension_numbers = #tpu.dot_dimension_numbers<[1], [0], [0], [1], [0, 0, 1, 1], [], []>, transpose_lhs_hint = false} : vector<8192x8xf32>, vector<8x128xf32>, vector<8192x128xf32> -> vector<8192x128xf32>
    %get3A_6 = arith.constant 0 : index
    %get3A_7 = arith.constant 0 : index
    %get3A_8 = vector.load %arg2[%get3A_6, %get3A_7] : memref<1x128xf32, #tpu.memory_space<vmem>>, vector<1x128xf32>
    %add3A = vector.broadcast %get3A_8 : vector<1x128xf32> to vector<8192x128xf32>
    %add3A_9 = arith.addf %dot_general3A_5, %add3A : vector<8192x128xf32>
    %swap3A = arith.constant 0 : index
    %swap3A_10 = arith.constant 0 : index
    %swap3A_11 = vector.load %arg5[%swap3A, %swap3A_10] : memref<8192x128xf32, #tpu.memory_space<vmem>>, vector<8192x128xf32>
    tpu.vector_store %arg5[%swap3A, %swap3A_10], %add3A_9 {strides = array<i32>} : memref<8192x128xf32, #tpu.memory_space<vmem>>, vector<8192x128xf32>,
    %get3A_12 = arith.constant 0 : index
    %get3A_13 = arith.constant 0 : index
    %get3A_14 = vector.load %arg3[%get3A_12, %get3A_13] : memref<1664x128xf32, #tpu.memory_space<vmem>>, vector<1664x1xf32>
    %get3A_15 = arith.constant 0 : index
    %get3A_16 = arith.constant 0 : index
    %get3A_17 = vector.load %arg4[%get3A_15, %get3A_16] : memref<3x128xf32, #tpu.memory_space<vmem>>, vector<1x128xf32>
    %mul3A = vector.broadcast %get3A_14 : vector<1664x1xf32> to vector<1664x128xf32>
    %mul3A_18 = vector.broadcast %get3A_17 : vector<1x128xf32> to vector<1664x128xf32>
    %mul3A_19 = arith.mulf %mul3A, %mul3A_18 : vector<1664x128xf32>
    %get3A_20 = arith.constant 0 : index
    %get3A_21 = arith.constant 1 : index
    %get3A_22 = vector.load %arg3[%get3A_20, %get3A_21] : memref<1664x128xf32, #tpu.memory_space<vmem>>, vector<1664x1xf32>
    %get3A_23 = arith.constant 1 : index
    %get3A_24 = arith.constant 0 : index
    %get3A_25 = vector.load %arg4[%get3A_23, %get3A_24] : memref<3x128xf32, #tpu.memory_space<vmem>>, vector<1x128xf32>
    %mul3A_26 = vector.broadcast %get3A_22 : vector<1664x1xf32> to vector<1664x128xf32>
    %mul3A_27 = vector.broadcast %get3A_25 : vector<1x128xf32> to vector<1664x128xf32>
    %mul3A_28 = arith.mulf %mul3A_26, %mul3A_27 : vector<1664x128xf32>
    %add3A_29 = arith.addf %mul3A_19, %mul3A_28 : vector<1664x128xf32>
    %get3A_30 = arith.constant 0 : index
    %get3A_31 = arith.constant 2 : index
    %get3A_32 = vector.load %arg3[%get3A_30, %get3A_31] : memref<1664x128xf32, #tpu.memory_space<vmem>>, vector<1664x1xf32>
    %get3A_33 = arith.constant 2 : index
    %get3A_34 = arith.constant 0 : index
    %get3A_35 = vector.load %arg4[%get3A_33, %get3A_34] : memref<3x128xf32, #tpu.memory_space<vmem>>, vector<1x128xf32>
    %mul3A_36 = vector.broadcast %get3A_32 : vector<1664x1xf32> to vector<1664x128xf32>
    %mul3A_37 = vector.broadcast %get3A_35 : vector<1x128xf32> to vector<1664x128xf32>
    %mul3A_38 = arith.mulf %mul3A_36, %mul3A_37 : vector<1664x128xf32>
    %add3A_39 = arith.addf %add3A_29, %mul3A_38 : vector<1664x128xf32>
    %swap3A_40 = arith.constant 0 : index
    %swap3A_41 = arith.constant 0 : index
    %swap3A_42 = vector.load %arg6[%swap3A_40, %swap3A_41] : memref<1664x128xf32, #tpu.memory_space<vmem>>, vector<1664x128xf32>
    tpu.vector_store %arg6[%swap3A_40, %swap3A_41], %add3A_39 {strides = array<i32>} : memref<1664x128xf32, #tpu.memory_space<vmem>>, vector<1664x128xf32>,
    return
  }
}

module attributes {stable_mosaic.version = 14 : i64} {
  func.func @_fps_body(%arg0: memref<16x128xf32, #tpu.memory_space<vmem>>, %arg1: memref<16x128xf32, #tpu.memory_space<vmem>>, %arg2: memref<16x128xf32, #tpu.memory_space<vmem>>, %arg3: memref<2048x128xf32, #tpu.memory_space<vmem>>, %arg4: memref<16x128xf32, #tpu.memory_space<vmem>>, %arg5: memref<16x128xi32, #tpu.memory_space<vmem>>, %arg6: memref<416x128xi32, #tpu.memory_space<vmem>>, %arg7: memref<416x128xf32, #tpu.memory_space<vmem>>, %arg8: memref<16x128xf32, #tpu.memory_space<vmem>>) attributes {dimension_semantics = [], scalar_prefetch = 0 : i64, scratch_operands = 1 : i64, tpu.core_type = #tpu.core_type<tc>} {
    %get3A = arith.constant 0 : index
    %get3A_0 = arith.constant 0 : index
    %get3A_1 = vector.load %arg5[%get3A, %get3A_0] : memref<16x128xi32, #tpu.memory_space<vmem>>, vector<16x128xi32>
    %get3A_2 = arith.constant 0 : index
    %get3A_3 = arith.constant 0 : index
    %get3A_4 = vector.load %arg0[%get3A_2, %get3A_3] : memref<16x128xf32, #tpu.memory_space<vmem>>, vector<16x128xf32>
    %get3A_5 = arith.constant 0 : index
    %get3A_6 = arith.constant 0 : index
    %get3A_7 = vector.load %arg1[%get3A_5, %get3A_6] : memref<16x128xf32, #tpu.memory_space<vmem>>, vector<16x128xf32>
    %get3A_8 = arith.constant 0 : index
    %get3A_9 = arith.constant 0 : index
    %get3A_10 = vector.load %arg2[%get3A_8, %get3A_9] : memref<16x128xf32, #tpu.memory_space<vmem>>, vector<16x128xf32>
    %get3A_11 = arith.constant 0 : index
    %get3A_12 = arith.constant 0 : index
    %get3A_13 = vector.load %arg4[%get3A_11, %get3A_12] : memref<16x128xf32, #tpu.memory_space<vmem>>, vector<16x128xf32>
    %swap3A = arith.constant 0 : index
    %swap3A_14 = arith.constant 0 : index
    %swap3A_15 = vector.load %arg8[%swap3A, %swap3A_14] : memref<16x128xf32, #tpu.memory_space<vmem>>, vector<16x128xf32>
    tpu.vector_store %arg8[%swap3A, %swap3A_14], %get3A_13 {strides = array<i32>} : memref<16x128xf32, #tpu.memory_space<vmem>>, vector<16x128xf32>,
    %broadcast_in_dim3A = arith.constant 0 : i32
    %broadcast_in_dim3A_16 = vector.broadcast %broadcast_in_dim3A : i32 to vector<416x128xi32>
    %swap3A_17 = arith.constant 0 : index
    %swap3A_18 = arith.constant 0 : index
    %swap3A_19 = vector.load %arg6[%swap3A_17, %swap3A_18] : memref<416x128xi32, #tpu.memory_space<vmem>>, vector<416x128xi32>
    tpu.vector_store %arg6[%swap3A_17, %swap3A_18], %broadcast_in_dim3A_16 {strides = array<i32>} : memref<416x128xi32, #tpu.memory_space<vmem>>, vector<416x128xi32>,
    %broadcast_in_dim3A_20 = arith.constant 0.000000e+00 : f32
    %broadcast_in_dim3A_21 = vector.broadcast %broadcast_in_dim3A_20 : f32 to vector<416x128xf32>
    %swap3A_22 = arith.constant 0 : index
    %swap3A_23 = arith.constant 0 : index
    %swap3A_24 = vector.load %arg7[%swap3A_22, %swap3A_23] : memref<416x128xf32, #tpu.memory_space<vmem>>, vector<416x128xf32>
    tpu.vector_store %arg7[%swap3A_22, %swap3A_23], %broadcast_in_dim3A_21 {strides = array<i32>} : memref<416x128xf32, #tpu.memory_space<vmem>>, vector<416x128xf32>,
    %broadcast_in_dim3A_25 = arith.constant 0 : i32
    %broadcast_in_dim3A_26 = vector.broadcast %broadcast_in_dim3A_25 : i32 to vector<1x128xi32>
    %swap3A_27 = arith.constant 0 : index
    %swap3A_28 = arith.constant 0 : index
    %swap3A_29 = vector.load %arg6[%swap3A_27, %swap3A_28] : memref<416x128xi32, #tpu.memory_space<vmem>>, vector<1x128xi32>
    tpu.vector_store %arg6[%swap3A_27, %swap3A_28], %broadcast_in_dim3A_26 {strides = array<i32>} : memref<416x128xi32, #tpu.memory_space<vmem>>, vector<1x128xi32>,
    %get3A_30 = arith.constant 0 : index
    %get3A_31 = arith.constant 0 : index
    %get3A_32 = vector.load %arg3[%get3A_30, %get3A_31] : memref<2048x128xf32, #tpu.memory_space<vmem>>, vector<1x128xf32>
    %swap3A_33 = arith.constant 0 : index
    %swap3A_34 = arith.constant 0 : index
    %swap3A_35 = vector.load %arg7[%swap3A_33, %swap3A_34] : memref<416x128xf32, #tpu.memory_space<vmem>>, vector<1x128xf32>
    tpu.vector_store %arg7[%swap3A_33, %swap3A_34], %get3A_32 {strides = array<i32>} : memref<416x128xf32, #tpu.memory_space<vmem>>, vector<1x128xf32>,
    %slice3A = vector.extract_strided_slice %get3A_32 {offsets = [0, 0], sizes = [1, 1], strides = [1, 1]} : vector<1x128xf32> to vector<1x1xf32>
    %slice3A_36 = vector.extract_strided_slice %get3A_32 {offsets = [0, 1], sizes = [1, 1], strides = [1, 1]} : vector<1x128xf32> to vector<1x1xf32>
    %slice3A_37 = vector.extract_strided_slice %get3A_32 {offsets = [0, 2], sizes = [1, 1], strides = [1, 1]} : vector<1x128xf32> to vector<1x1xf32>
    %scan3A = arith.constant 1 : i32
    %scan3A_38 = arith.constant 409 : i32
    %scan3A_39 = arith.addi %scan3A, %scan3A_38 : i32
    %scan3A_40 = arith.constant 1 : i32
    %scan3A_41:3 = scf.for %scan3A_43 = %scan3A to %scan3A_39 step %scan3A_40 iter_args(%scan3A_44 = %slice3A, %scan3A_45 = %slice3A_36, %scan3A_46 = %slice3A_37) -> (vector<1x1xf32>, vector<1x1xf32>, vector<1x1xf32>)  : i32 {
      %sub3A = vector.broadcast %scan3A_44 : vector<1x1xf32> to vector<16x128xf32>
      %sub3A_47 = arith.subf %get3A_4, %sub3A : vector<16x128xf32>
      %sub3A_48 = vector.broadcast %scan3A_45 : vector<1x1xf32> to vector<16x128xf32>
      %sub3A_49 = arith.subf %get3A_7, %sub3A_48 : vector<16x128xf32>
      %sub3A_50 = vector.broadcast %scan3A_46 : vector<1x1xf32> to vector<16x128xf32>
      %sub3A_51 = arith.subf %get3A_10, %sub3A_50 : vector<16x128xf32>
      %mul3A = arith.mulf %sub3A_47, %sub3A_47 : vector<16x128xf32>
      %mul3A_52 = arith.mulf %sub3A_49, %sub3A_49 : vector<16x128xf32>
      %add3A = arith.addf %mul3A, %mul3A_52 : vector<16x128xf32>
      %mul3A_53 = arith.mulf %sub3A_51, %sub3A_51 : vector<16x128xf32>
      %add3A_54 = arith.addf %add3A, %mul3A_53 : vector<16x128xf32>
      %get3A_55 = arith.constant 0 : index
      %get3A_56 = arith.constant 0 : index
      %get3A_57 = vector.load %arg8[%get3A_55, %get3A_56] : memref<16x128xf32, #tpu.memory_space<vmem>>, vector<16x128xf32>
      %min3A = arith.minimumf %get3A_57, %add3A_54 : vector<16x128xf32>
      %swap3A_58 = arith.constant 0 : index
      %swap3A_59 = arith.constant 0 : index
      %swap3A_60 = vector.load %arg8[%swap3A_58, %swap3A_59] : memref<16x128xf32, #tpu.memory_space<vmem>>, vector<16x128xf32>
      tpu.vector_store %arg8[%swap3A_58, %swap3A_59], %min3A {strides = array<i32>} : memref<16x128xf32, #tpu.memory_space<vmem>>, vector<16x128xf32>,
      %reduce_max3A = vector.shape_cast %min3A : vector<16x128xf32> to vector<1x16x128xf32>
      %reduce_max3A_61 = arith.constant dense<0xFF800000> : vector<1xf32>
      %reduce_max3A_62 = vector.multi_reduction <maximumf>, %reduce_max3A, %reduce_max3A_61 [1, 2] : vector<1x16x128xf32> to vector<1xf32>
      %reduce_max3A_63 = vector.shape_cast %reduce_max3A_62 : vector<1xf32> to vector<1x1x1xf32>
      %reduce_max3A_64 = vector.extract %reduce_max3A_63[0, 0, 0] : f32 from vector<1x1x1xf32>
      %eq3A = vector.broadcast %reduce_max3A_64 : f32 to vector<16x128xf32>
      %eq3A_65 = arith.cmpf oeq, %min3A, %eq3A : vector<16x128xf32>
      %jit3A = arith.constant 2147483647 : i32
      %broadcast_in_dim3A_66 = vector.broadcast %jit3A : i32 to vector<16x128xi32>
      %select_n3A = arith.select %eq3A_65, %get3A_1, %broadcast_in_dim3A_66 : vector<16x128xi1>, vector<16x128xi32>
      %reduce_min3A = vector.shape_cast %select_n3A : vector<16x128xi32> to vector<1x16x128xi32>
      %reduce_min3A_67 = arith.constant dense<2147483647> : vector<1xi32>
      %reduce_min3A_68 = vector.multi_reduction <minsi>, %reduce_min3A, %reduce_min3A_67 [1, 2] : vector<1x16x128xi32> to vector<1xi32>
      %reduce_min3A_69 = vector.shape_cast %reduce_min3A_68 : vector<1xi32> to vector<1x1x1xi32>
      %reduce_min3A_70 = vector.extract %reduce_min3A_69[0, 0, 0] : i32 from vector<1x1x1xi32>
      %broadcast_in_dim3A_71 = vector.broadcast %reduce_min3A_70 : i32 to vector<1x128xi32>
      %swap3A_72 = arith.index_cast %scan3A_43 : i32 to index
      %swap3A_73 = arith.constant 0 : index
      %swap3A_74 = vector.load %arg6[%swap3A_72, %swap3A_73] : memref<416x128xi32, #tpu.memory_space<vmem>>, vector<1x128xi32>
      tpu.vector_store %arg6[%swap3A_72, %swap3A_73], %broadcast_in_dim3A_71 {strides = array<i32>} : memref<416x128xi32, #tpu.memory_space<vmem>>, vector<1x128xi32>,
      %get3A_75 = arith.index_cast %reduce_min3A_70 : i32 to index
      %get3A_76 = arith.constant 0 : index
      %get3A_77 = vector.load %arg3[%get3A_75, %get3A_76] : memref<2048x128xf32, #tpu.memory_space<vmem>>, vector<1x128xf32>
      %swap3A_78 = arith.index_cast %scan3A_43 : i32 to index
      %swap3A_79 = arith.constant 0 : index
      %swap3A_80 = vector.load %arg7[%swap3A_78, %swap3A_79] : memref<416x128xf32, #tpu.memory_space<vmem>>, vector<1x128xf32>
      tpu.vector_store %arg7[%swap3A_78, %swap3A_79], %get3A_77 {strides = array<i32>} : memref<416x128xf32, #tpu.memory_space<vmem>>, vector<1x128xf32>,
      %slice3A_81 = vector.extract_strided_slice %get3A_77 {offsets = [0, 0], sizes = [1, 1], strides = [1, 1]} : vector<1x128xf32> to vector<1x1xf32>
      %slice3A_82 = vector.extract_strided_slice %get3A_77 {offsets = [0, 1], sizes = [1, 1], strides = [1, 1]} : vector<1x128xf32> to vector<1x1xf32>
      %slice3A_83 = vector.extract_strided_slice %get3A_77 {offsets = [0, 2], sizes = [1, 1], strides = [1, 1]} : vector<1x128xf32> to vector<1x1xf32>
      scf.yield %slice3A_81, %slice3A_82, %slice3A_83 : vector<1x1xf32>, vector<1x1xf32>, vector<1x1xf32>
    }
    %scan3A_42 = arith.constant 409 : i32
    return
  }
}

module attributes {stable_mosaic.version = 14 : i64} {
  func.func @_thresh_body(%arg0: i32, %arg1: memref<32x128xf32, #tpu.memory_space<vmem>>, %arg2: memref<1x2048xf32, #tpu.memory_space<vmem>>, %arg3: memref<1x2048xf32, #tpu.memory_space<vmem>>, %arg4: memref<1x2048xf32, #tpu.memory_space<vmem>>, %arg5: memref<32x2048xi32, #tpu.memory_space<vmem>>, %arg6: memref<32x128xi32, #tpu.memory_space<vmem>>) attributes {dimension_semantics = [#tpu.dimension_semantics<arbitrary>], iteration_bounds = array<i64: 13>, scalar_prefetch = 0 : i64, scratch_operands = 0 : i64, tpu.core_type = #tpu.core_type<tc>, window_params = [{transform_indices = @transform_0, window_bounds = array<i64: 32, 128>}, {pipeline_mode = #tpu.pipeline_mode<synchronous>, transform_indices = @transform_1, window_bounds = array<i64: 1, 2048>}, {pipeline_mode = #tpu.pipeline_mode<synchronous>, transform_indices = @transform_2, window_bounds = array<i64: 1, 2048>}, {pipeline_mode = #tpu.pipeline_mode<synchronous>, transform_indices = @transform_3, window_bounds = array<i64: 1, 2048>}, {transform_indices = @transform_4, window_bounds = array<i64: 32, 2048>}, {transform_indices = @transform_5, window_bounds = array<i64: 32, 128>}]} {
    %get3A = arith.constant 0 : index
    %get3A_0 = arith.constant 0 : index
    %get3A_1 = vector.load %arg1[%get3A, %get3A_0] : memref<32x128xf32, #tpu.memory_space<vmem>>, vector<32x1xf32>
    %get3A_2 = arith.constant 0 : index
    %get3A_3 = arith.constant 1 : index
    %get3A_4 = vector.load %arg1[%get3A_2, %get3A_3] : memref<32x128xf32, #tpu.memory_space<vmem>>, vector<32x1xf32>
    %get3A_5 = arith.constant 0 : index
    %get3A_6 = arith.constant 2 : index
    %get3A_7 = vector.load %arg1[%get3A_5, %get3A_6] : memref<32x128xf32, #tpu.memory_space<vmem>>, vector<32x1xf32>
    %get3A_8 = arith.constant 0 : index
    %get3A_9 = arith.constant 0 : index
    %get3A_10 = vector.load %arg2[%get3A_8, %get3A_9] : memref<1x2048xf32, #tpu.memory_space<vmem>>, vector<1x2048xf32>
    %sub3A = vector.broadcast %get3A_1 : vector<32x1xf32> to vector<32x2048xf32>
    %sub3A_11 = vector.broadcast %get3A_10 : vector<1x2048xf32> to vector<32x2048xf32>
    %sub3A_12 = arith.subf %sub3A, %sub3A_11 : vector<32x2048xf32>
    %get3A_13 = arith.constant 0 : index
    %get3A_14 = arith.constant 0 : index
    %get3A_15 = vector.load %arg3[%get3A_13, %get3A_14] : memref<1x2048xf32, #tpu.memory_space<vmem>>, vector<1x2048xf32>
    %sub3A_16 = vector.broadcast %get3A_4 : vector<32x1xf32> to vector<32x2048xf32>
    %sub3A_17 = vector.broadcast %get3A_15 : vector<1x2048xf32> to vector<32x2048xf32>
    %sub3A_18 = arith.subf %sub3A_16, %sub3A_17 : vector<32x2048xf32>
    %get3A_19 = arith.constant 0 : index
    %get3A_20 = arith.constant 0 : index
    %get3A_21 = vector.load %arg4[%get3A_19, %get3A_20] : memref<1x2048xf32, #tpu.memory_space<vmem>>, vector<1x2048xf32>
    %sub3A_22 = vector.broadcast %get3A_7 : vector<32x1xf32> to vector<32x2048xf32>
    %sub3A_23 = vector.broadcast %get3A_21 : vector<1x2048xf32> to vector<32x2048xf32>
    %sub3A_24 = arith.subf %sub3A_22, %sub3A_23 : vector<32x2048xf32>
    %mul3A = arith.mulf %sub3A_12, %sub3A_12 : vector<32x2048xf32>
    %mul3A_25 = arith.mulf %sub3A_18, %sub3A_18 : vector<32x2048xf32>
    %add3A = arith.addf %mul3A, %mul3A_25 : vector<32x2048xf32>
    %mul3A_26 = arith.mulf %sub3A_24, %sub3A_24 : vector<32x2048xf32>
    %add3A_27 = arith.addf %add3A, %mul3A_26 : vector<32x2048xf32>
    %iota3A = tpu.iota {dimensions = array<i32: 1>} : vector<1x2048xi32>
    %le3A = arith.constant 1.600000e+01 : f32
    %le3A_28 = vector.broadcast %le3A : f32 to vector<32x2048xf32>
    %le3A_29 = arith.cmpf ole, %add3A_27, %le3A_28 : vector<32x2048xf32>
    %lt3A = arith.constant 1639 : i32
    %lt3A_30 = vector.broadcast %lt3A : i32 to vector<1x2048xi32>
    %lt3A_31 = arith.cmpi slt, %iota3A, %lt3A_30 : vector<1x2048xi32>
    %and3A = vector.broadcast %lt3A_31 : vector<1x2048xi1> to vector<32x2048xi1>
    %and3A_32 = arith.andi %le3A_29, %and3A : vector<32x2048xi1>
    %bitcast_convert_type3A = tpu.bitcast %add3A_27 : vector<32x2048xf32> -> vector<32x2048xi32>
    %jit3A = arith.constant 2139095040 : i32
    %broadcast_in_dim3A = vector.broadcast %jit3A : i32 to vector<32x2048xi32>
    %select_n3A = arith.select %and3A_32, %bitcast_convert_type3A, %broadcast_in_dim3A : vector<32x2048xi1>, vector<32x2048xi32>
    %broadcast_in_dim3A_33 = arith.constant 0 : i32
    %broadcast_in_dim3A_34 = vector.broadcast %broadcast_in_dim3A_33 : i32 to vector<32x1xi32>
    %or3A = arith.constant 1073741824 : i32
    %or3A_35 = vector.broadcast %or3A : i32 to vector<32x1xi32>
    %or3A_36 = arith.ori %broadcast_in_dim3A_34, %or3A_35 : vector<32x1xi32>
    %lt3A_37 = vector.broadcast %or3A_36 : vector<32x1xi32> to vector<32x2048xi32>
    %lt3A_38 = arith.cmpi slt, %select_n3A, %lt3A_37 : vector<32x2048xi32>
    %jit3A_39 = arith.constant 1 : i32
    %jit3A_40 = arith.constant 0 : i32
    %broadcast_in_dim3A_41 = vector.broadcast %jit3A_39 : i32 to vector<32x2048xi32>
    %broadcast_in_dim3A_42 = vector.broadcast %jit3A_40 : i32 to vector<32x2048xi32>
    %select_n3A_43 = arith.select %lt3A_38, %broadcast_in_dim3A_41, %broadcast_in_dim3A_42 : vector<32x2048xi1>, vector<32x2048xi32>
    %reduce_sum3A = arith.constant dense<0> : vector<32xi32>
    %reduce_sum3A_44 = vector.multi_reduction <add>, %select_n3A_43, %reduce_sum3A [1] : vector<32x2048xi32> to vector<32xi32>
    %broadcast_in_dim3A_45 = vector.shape_cast %reduce_sum3A_44 : vector<32xi32> to vector<32x1xi32>
    %ge3A = arith.constant 64 : i32
    %ge3A_46 = vector.broadcast %ge3A : i32 to vector<32x1xi32>
    %ge3A_47 = arith.cmpi sge, %broadcast_in_dim3A_45, %ge3A_46 : vector<32x1xi32>
    %select_n3A_48 = arith.select %ge3A_47, %broadcast_in_dim3A_34, %or3A_36 : vector<32x1xi1>, vector<32x1xi32>
    %or3A_49 = arith.constant 536870912 : i32
    %or3A_50 = vector.broadcast %or3A_49 : i32 to vector<32x1xi32>
    %or3A_51 = arith.ori %select_n3A_48, %or3A_50 : vector<32x1xi32>
    %lt3A_52 = vector.broadcast %or3A_51 : vector<32x1xi32> to vector<32x2048xi32>
    %lt3A_53 = arith.cmpi slt, %select_n3A, %lt3A_52 : vector<32x2048xi32>
    %jit3A_54 = arith.constant 1 : i32
    %jit3A_55 = arith.constant 0 : i32
    %broadcast_in_dim3A_56 = vector.broadcast %jit3A_54 : i32 to vector<32x2048xi32>
    %broadcast_in_dim3A_57 = vector.broadcast %jit3A_55 : i32 to vector<32x2048xi32>
    %select_n3A_58 = arith.select %lt3A_53, %broadcast_in_dim3A_56, %broadcast_in_dim3A_57 : vector<32x2048xi1>, vector<32x2048xi32>
    %reduce_sum3A_59 = arith.constant dense<0> : vector<32xi32>
    %reduce_sum3A_60 = vector.multi_reduction <add>, %select_n3A_58, %reduce_sum3A_59 [1] : vector<32x2048xi32> to vector<32xi32>
    %broadcast_in_dim3A_61 = vector.shape_cast %reduce_sum3A_60 : vector<32xi32> to vector<32x1xi32>
    %ge3A_62 = arith.constant 64 : i32
    %ge3A_63 = vector.broadcast %ge3A_62 : i32 to vector<32x1xi32>
    %ge3A_64 = arith.cmpi sge, %broadcast_in_dim3A_61, %ge3A_63 : vector<32x1xi32>
    %select_n3A_65 = arith.select %ge3A_64, %select_n3A_48, %or3A_51 : vector<32x1xi1>, vector<32x1xi32>
    %or3A_66 = arith.constant 268435456 : i32
    %or3A_67 = vector.broadcast %or3A_66 : i32 to vector<32x1xi32>
    %or3A_68 = arith.ori %select_n3A_65, %or3A_67 : vector<32x1xi32>
    %lt3A_69 = vector.broadcast %or3A_68 : vector<32x1xi32> to vector<32x2048xi32>
    %lt3A_70 = arith.cmpi slt, %select_n3A, %lt3A_69 : vector<32x2048xi32>
    %jit3A_71 = arith.constant 1 : i32
    %jit3A_72 = arith.constant 0 : i32
    %broadcast_in_dim3A_73 = vector.broadcast %jit3A_71 : i32 to vector<32x2048xi32>
    %broadcast_in_dim3A_74 = vector.broadcast %jit3A_72 : i32 to vector<32x2048xi32>
    %select_n3A_75 = arith.select %lt3A_70, %broadcast_in_dim3A_73, %broadcast_in_dim3A_74 : vector<32x2048xi1>, vector<32x2048xi32>
    %reduce_sum3A_76 = arith.constant dense<0> : vector<32xi32>
    %reduce_sum3A_77 = vector.multi_reduction <add>, %select_n3A_75, %reduce_sum3A_76 [1] : vector<32x2048xi32> to vector<32xi32>
    %broadcast_in_dim3A_78 = vector.shape_cast %reduce_sum3A_77 : vector<32xi32> to vector<32x1xi32>
    %ge3A_79 = arith.constant 64 : i32
    %ge3A_80 = vector.broadcast %ge3A_79 : i32 to vector<32x1xi32>
    %ge3A_81 = arith.cmpi sge, %broadcast_in_dim3A_78, %ge3A_80 : vector<32x1xi32>
    %select_n3A_82 = arith.select %ge3A_81, %select_n3A_65, %or3A_68 : vector<32x1xi1>, vector<32x1xi32>
    %or3A_83 = arith.constant 134217728 : i32
    %or3A_84 = vector.broadcast %or3A_83 : i32 to vector<32x1xi32>
    %or3A_85 = arith.ori %select_n3A_82, %or3A_84 : vector<32x1xi32>
    %lt3A_86 = vector.broadcast %or3A_85 : vector<32x1xi32> to vector<32x2048xi32>
    %lt3A_87 = arith.cmpi slt, %select_n3A, %lt3A_86 : vector<32x2048xi32>
    %jit3A_88 = arith.constant 1 : i32
    %jit3A_89 = arith.constant 0 : i32
    %broadcast_in_dim3A_90 = vector.broadcast %jit3A_88 : i32 to vector<32x2048xi32>
    %broadcast_in_dim3A_91 = vector.broadcast %jit3A_89 : i32 to vector<32x2048xi32>
    %select_n3A_92 = arith.select %lt3A_87, %broadcast_in_dim3A_90, %broadcast_in_dim3A_91 : vector<32x2048xi1>, vector<32x2048xi32>
    %reduce_sum3A_93 = arith.constant dense<0> : vector<32xi32>
    %reduce_sum3A_94 = vector.multi_reduction <add>, %select_n3A_92, %reduce_sum3A_93 [1] : vector<32x2048xi32> to vector<32xi32>
    %broadcast_in_dim3A_95 = vector.shape_cast %reduce_sum3A_94 : vector<32xi32> to vector<32x1xi32>
    %ge3A_96 = arith.constant 64 : i32
    %ge3A_97 = vector.broadcast %ge3A_96 : i32 to vector<32x1xi32>
    %ge3A_98 = arith.cmpi sge, %broadcast_in_dim3A_95, %ge3A_97 : vector<32x1xi32>
    %select_n3A_99 = arith.select %ge3A_98, %select_n3A_82, %or3A_85 : vector<32x1xi1>, vector<32x1xi32>
    %or3A_100 = arith.constant 67108864 : i32
    %or3A_101 = vector.broadcast %or3A_100 : i32 to vector<32x1xi32>
    %or3A_102 = arith.ori %select_n3A_99, %or3A_101 : vector<32x1xi32>
    %lt3A_103 = vector.broadcast %or3A_102 : vector<32x1xi32> to vector<32x2048xi32>
    %lt3A_104 = arith.cmpi slt, %select_n3A, %lt3A_103 : vector<32x2048xi32>
    %jit3A_105 = arith.constant 1 : i32
    %jit3A_106 = arith.constant 0 : i32
    %broadcast_in_dim3A_107 = vector.broadcast %jit3A_105 : i32 to vector<32x2048xi32>
    %broadcast_in_dim3A_108 = vector.broadcast %jit3A_106 : i32 to vector<32x2048xi32>
    %select_n3A_109 = arith.select %lt3A_104, %broadcast_in_dim3A_107, %broadcast_in_dim3A_108 : vector<32x2048xi1>, vector<32x2048xi32>
    %reduce_sum3A_110 = arith.constant dense<0> : vector<32xi32>
    %reduce_sum3A_111 = vector.multi_reduction <add>, %select_n3A_109, %reduce_sum3A_110 [1] : vector<32x2048xi32> to vector<32xi32>
    %broadcast_in_dim3A_112 = vector.shape_cast %reduce_sum3A_111 : vector<32xi32> to vector<32x1xi32>
    %ge3A_113 = arith.constant 64 : i32
    %ge3A_114 = vector.broadcast %ge3A_113 : i32 to vector<32x1xi32>
    %ge3A_115 = arith.cmpi sge, %broadcast_in_dim3A_112, %ge3A_114 : vector<32x1xi32>
    %select_n3A_116 = arith.select %ge3A_115, %select_n3A_99, %or3A_102 : vector<32x1xi1>, vector<32x1xi32>
    %or3A_117 = arith.constant 33554432 : i32
    %or3A_118 = vector.broadcast %or3A_117 : i32 to vector<32x1xi32>
    %or3A_119 = arith.ori %select_n3A_116, %or3A_118 : vector<32x1xi32>
    %lt3A_120 = vector.broadcast %or3A_119 : vector<32x1xi32> to vector<32x2048xi32>
    %lt3A_121 = arith.cmpi slt, %select_n3A, %lt3A_120 : vector<32x2048xi32>
    %jit3A_122 = arith.constant 1 : i32
    %jit3A_123 = arith.constant 0 : i32
    %broadcast_in_dim3A_124 = vector.broadcast %jit3A_122 : i32 to vector<32x2048xi32>
    %broadcast_in_dim3A_125 = vector.broadcast %jit3A_123 : i32 to vector<32x2048xi32>
    %select_n3A_126 = arith.select %lt3A_121, %broadcast_in_dim3A_124, %broadcast_in_dim3A_125 : vector<32x2048xi1>, vector<32x2048xi32>
    %reduce_sum3A_127 = arith.constant dense<0> : vector<32xi32>
    %reduce_sum3A_128 = vector.multi_reduction <add>, %select_n3A_126, %reduce_sum3A_127 [1] : vector<32x2048xi32> to vector<32xi32>
    %broadcast_in_dim3A_129 = vector.shape_cast %reduce_sum3A_128 : vector<32xi32> to vector<32x1xi32>
    %ge3A_130 = arith.constant 64 : i32
    %ge3A_131 = vector.broadcast %ge3A_130 : i32 to vector<32x1xi32>
    %ge3A_132 = arith.cmpi sge, %broadcast_in_dim3A_129, %ge3A_131 : vector<32x1xi32>
    %select_n3A_133 = arith.select %ge3A_132, %select_n3A_116, %or3A_119 : vector<32x1xi1>, vector<32x1xi32>
    %or3A_134 = arith.constant 16777216 : i32
    %or3A_135 = vector.broadcast %or3A_134 : i32 to vector<32x1xi32>
    %or3A_136 = arith.ori %select_n3A_133, %or3A_135 : vector<32x1xi32>
    %lt3A_137 = vector.broadcast %or3A_136 : vector<32x1xi32> to vector<32x2048xi32>
    %lt3A_138 = arith.cmpi slt, %select_n3A, %lt3A_137 : vector<32x2048xi32>
    %jit3A_139 = arith.constant 1 : i32
    %jit3A_140 = arith.constant 0 : i32
    %broadcast_in_dim3A_141 = vector.broadcast %jit3A_139 : i32 to vector<32x2048xi32>
    %broadcast_in_dim3A_142 = vector.broadcast %jit3A_140 : i32 to vector<32x2048xi32>
    %select_n3A_143 = arith.select %lt3A_138, %broadcast_in_dim3A_141, %broadcast_in_dim3A_142 : vector<32x2048xi1>, vector<32x2048xi32>
    %reduce_sum3A_144 = arith.constant dense<0> : vector<32xi32>
    %reduce_sum3A_145 = vector.multi_reduction <add>, %select_n3A_143, %reduce_sum3A_144 [1] : vector<32x2048xi32> to vector<32xi32>
    %broadcast_in_dim3A_146 = vector.shape_cast %reduce_sum3A_145 : vector<32xi32> to vector<32x1xi32>
    %ge3A_147 = arith.constant 64 : i32
    %ge3A_148 = vector.broadcast %ge3A_147 : i32 to vector<32x1xi32>
    %ge3A_149 = arith.cmpi sge, %broadcast_in_dim3A_146, %ge3A_148 : vector<32x1xi32>
    %select_n3A_150 = arith.select %ge3A_149, %select_n3A_133, %or3A_136 : vector<32x1xi1>, vector<32x1xi32>
    %or3A_151 = arith.constant 8388608 : i32
    %or3A_152 = vector.broadcast %or3A_151 : i32 to vector<32x1xi32>
    %or3A_153 = arith.ori %select_n3A_150, %or3A_152 : vector<32x1xi32>
    %lt3A_154 = vector.broadcast %or3A_153 : vector<32x1xi32> to vector<32x2048xi32>
    %lt3A_155 = arith.cmpi slt, %select_n3A, %lt3A_154 : vector<32x2048xi32>
    %jit3A_156 = arith.constant 1 : i32
    %jit3A_157 = arith.constant 0 : i32
    %broadcast_in_dim3A_158 = vector.broadcast %jit3A_156 : i32 to vector<32x2048xi32>
    %broadcast_in_dim3A_159 = vector.broadcast %jit3A_157 : i32 to vector<32x2048xi32>
    %select_n3A_160 = arith.select %lt3A_155, %broadcast_in_dim3A_158, %broadcast_in_dim3A_159 : vector<32x2048xi1>, vector<32x2048xi32>
    %reduce_sum3A_161 = arith.constant dense<0> : vector<32xi32>
    %reduce_sum3A_162 = vector.multi_reduction <add>, %select_n3A_160, %reduce_sum3A_161 [1] : vector<32x2048xi32> to vector<32xi32>
    %broadcast_in_dim3A_163 = vector.shape_cast %reduce_sum3A_162 : vector<32xi32> to vector<32x1xi32>
    %ge3A_164 = arith.constant 64 : i32
    %ge3A_165 = vector.broadcast %ge3A_164 : i32 to vector<32x1xi32>
    %ge3A_166 = arith.cmpi sge, %broadcast_in_dim3A_163, %ge3A_165 : vector<32x1xi32>
    %select_n3A_167 = arith.select %ge3A_166, %select_n3A_150, %or3A_153 : vector<32x1xi1>, vector<32x1xi32>
    %or3A_168 = arith.constant 4194304 : i32
    %or3A_169 = vector.broadcast %or3A_168 : i32 to vector<32x1xi32>
    %or3A_170 = arith.ori %select_n3A_167, %or3A_169 : vector<32x1xi32>
    %lt3A_171 = vector.broadcast %or3A_170 : vector<32x1xi32> to vector<32x2048xi32>
    %lt3A_172 = arith.cmpi slt, %select_n3A, %lt3A_171 : vector<32x2048xi32>
    %jit3A_173 = arith.constant 1 : i32
    %jit3A_174 = arith.constant 0 : i32
    %broadcast_in_dim3A_175 = vector.broadcast %jit3A_173 : i32 to vector<32x2048xi32>
    %broadcast_in_dim3A_176 = vector.broadcast %jit3A_174 : i32 to vector<32x2048xi32>
    %select_n3A_177 = arith.select %lt3A_172, %broadcast_in_dim3A_175, %broadcast_in_dim3A_176 : vector<32x2048xi1>, vector<32x2048xi32>
    %reduce_sum3A_178 = arith.constant dense<0> : vector<32xi32>
    %reduce_sum3A_179 = vector.multi_reduction <add>, %select_n3A_177, %reduce_sum3A_178 [1] : vector<32x2048xi32> to vector<32xi32>
    %broadcast_in_dim3A_180 = vector.shape_cast %reduce_sum3A_179 : vector<32xi32> to vector<32x1xi32>
    %ge3A_181 = arith.constant 64 : i32
    %ge3A_182 = vector.broadcast %ge3A_181 : i32 to vector<32x1xi32>
    %ge3A_183 = arith.cmpi sge, %broadcast_in_dim3A_180, %ge3A_182 : vector<32x1xi32>
    %select_n3A_184 = arith.select %ge3A_183, %select_n3A_167, %or3A_170 : vector<32x1xi1>, vector<32x1xi32>
    %or3A_185 = arith.constant 2097152 : i32
    %or3A_186 = vector.broadcast %or3A_185 : i32 to vector<32x1xi32>
    %or3A_187 = arith.ori %select_n3A_184, %or3A_186 : vector<32x1xi32>
    %lt3A_188 = vector.broadcast %or3A_187 : vector<32x1xi32> to vector<32x2048xi32>
    %lt3A_189 = arith.cmpi slt, %select_n3A, %lt3A_188 : vector<32x2048xi32>
    %jit3A_190 = arith.constant 1 : i32
    %jit3A_191 = arith.constant 0 : i32
    %broadcast_in_dim3A_192 = vector.broadcast %jit3A_190 : i32 to vector<32x2048xi32>
    %broadcast_in_dim3A_193 = vector.broadcast %jit3A_191 : i32 to vector<32x2048xi32>
    %select_n3A_194 = arith.select %lt3A_189, %broadcast_in_dim3A_192, %broadcast_in_dim3A_193 : vector<32x2048xi1>, vector<32x2048xi32>
    %reduce_sum3A_195 = arith.constant dense<0> : vector<32xi32>
    %reduce_sum3A_196 = vector.multi_reduction <add>, %select_n3A_194, %reduce_sum3A_195 [1] : vector<32x2048xi32> to vector<32xi32>
    %broadcast_in_dim3A_197 = vector.shape_cast %reduce_sum3A_196 : vector<32xi32> to vector<32x1xi32>
    %ge3A_198 = arith.constant 64 : i32
    %ge3A_199 = vector.broadcast %ge3A_198 : i32 to vector<32x1xi32>
    %ge3A_200 = arith.cmpi sge, %broadcast_in_dim3A_197, %ge3A_199 : vector<32x1xi32>
    %select_n3A_201 = arith.select %ge3A_200, %select_n3A_184, %or3A_187 : vector<32x1xi1>, vector<32x1xi32>
    %or3A_202 = arith.constant 1048576 : i32
    %or3A_203 = vector.broadcast %or3A_202 : i32 to vector<32x1xi32>
    %or3A_204 = arith.ori %select_n3A_201, %or3A_203 : vector<32x1xi32>
    %lt3A_205 = vector.broadcast %or3A_204 : vector<32x1xi32> to vector<32x2048xi32>
    %lt3A_206 = arith.cmpi slt, %select_n3A, %lt3A_205 : vector<32x2048xi32>
    %jit3A_207 = arith.constant 1 : i32
    %jit3A_208 = arith.constant 0 : i32
    %broadcast_in_dim3A_209 = vector.broadcast %jit3A_207 : i32 to vector<32x2048xi32>
    %broadcast_in_dim3A_210 = vector.broadcast %jit3A_208 : i32 to vector<32x2048xi32>
    %select_n3A_211 = arith.select %lt3A_206, %broadcast_in_dim3A_209, %broadcast_in_dim3A_210 : vector<32x2048xi1>, vector<32x2048xi32>
    %reduce_sum3A_212 = arith.constant dense<0> : vector<32xi32>
    %reduce_sum3A_213 = vector.multi_reduction <add>, %select_n3A_211, %reduce_sum3A_212 [1] : vector<32x2048xi32> to vector<32xi32>
    %broadcast_in_dim3A_214 = vector.shape_cast %reduce_sum3A_213 : vector<32xi32> to vector<32x1xi32>
    %ge3A_215 = arith.constant 64 : i32
    %ge3A_216 = vector.broadcast %ge3A_215 : i32 to vector<32x1xi32>
    %ge3A_217 = arith.cmpi sge, %broadcast_in_dim3A_214, %ge3A_216 : vector<32x1xi32>
    %select_n3A_218 = arith.select %ge3A_217, %select_n3A_201, %or3A_204 : vector<32x1xi1>, vector<32x1xi32>
    %or3A_219 = arith.constant 524288 : i32
    %or3A_220 = vector.broadcast %or3A_219 : i32 to vector<32x1xi32>
    %or3A_221 = arith.ori %select_n3A_218, %or3A_220 : vector<32x1xi32>
    %lt3A_222 = vector.broadcast %or3A_221 : vector<32x1xi32> to vector<32x2048xi32>
    %lt3A_223 = arith.cmpi slt, %select_n3A, %lt3A_222 : vector<32x2048xi32>
    %jit3A_224 = arith.constant 1 : i32
    %jit3A_225 = arith.constant 0 : i32
    %broadcast_in_dim3A_226 = vector.broadcast %jit3A_224 : i32 to vector<32x2048xi32>
    %broadcast_in_dim3A_227 = vector.broadcast %jit3A_225 : i32 to vector<32x2048xi32>
    %select_n3A_228 = arith.select %lt3A_223, %broadcast_in_dim3A_226, %broadcast_in_dim3A_227 : vector<32x2048xi1>, vector<32x2048xi32>
    %reduce_sum3A_229 = arith.constant dense<0> : vector<32xi32>
    %reduce_sum3A_230 = vector.multi_reduction <add>, %select_n3A_228, %reduce_sum3A_229 [1] : vector<32x2048xi32> to vector<32xi32>
    %broadcast_in_dim3A_231 = vector.shape_cast %reduce_sum3A_230 : vector<32xi32> to vector<32x1xi32>
    %ge3A_232 = arith.constant 64 : i32
    %ge3A_233 = vector.broadcast %ge3A_232 : i32 to vector<32x1xi32>
    %ge3A_234 = arith.cmpi sge, %broadcast_in_dim3A_231, %ge3A_233 : vector<32x1xi32>
    %select_n3A_235 = arith.select %ge3A_234, %select_n3A_218, %or3A_221 : vector<32x1xi1>, vector<32x1xi32>
    %or3A_236 = arith.constant 262144 : i32
    %or3A_237 = vector.broadcast %or3A_236 : i32 to vector<32x1xi32>
    %or3A_238 = arith.ori %select_n3A_235, %or3A_237 : vector<32x1xi32>
    %lt3A_239 = vector.broadcast %or3A_238 : vector<32x1xi32> to vector<32x2048xi32>
    %lt3A_240 = arith.cmpi slt, %select_n3A, %lt3A_239 : vector<32x2048xi32>
    %jit3A_241 = arith.constant 1 : i32
    %jit3A_242 = arith.constant 0 : i32
    %broadcast_in_dim3A_243 = vector.broadcast %jit3A_241 : i32 to vector<32x2048xi32>
    %broadcast_in_dim3A_244 = vector.broadcast %jit3A_242 : i32 to vector<32x2048xi32>
    %select_n3A_245 = arith.select %lt3A_240, %broadcast_in_dim3A_243, %broadcast_in_dim3A_244 : vector<32x2048xi1>, vector<32x2048xi32>
    %reduce_sum3A_246 = arith.constant dense<0> : vector<32xi32>
    %reduce_sum3A_247 = vector.multi_reduction <add>, %select_n3A_245, %reduce_sum3A_246 [1] : vector<32x2048xi32> to vector<32xi32>
    %broadcast_in_dim3A_248 = vector.shape_cast %reduce_sum3A_247 : vector<32xi32> to vector<32x1xi32>
    %ge3A_249 = arith.constant 64 : i32
    %ge3A_250 = vector.broadcast %ge3A_249 : i32 to vector<32x1xi32>
    %ge3A_251 = arith.cmpi sge, %broadcast_in_dim3A_248, %ge3A_250 : vector<32x1xi32>
    %select_n3A_252 = arith.select %ge3A_251, %select_n3A_235, %or3A_238 : vector<32x1xi1>, vector<32x1xi32>
    %or3A_253 = arith.constant 131072 : i32
    %or3A_254 = vector.broadcast %or3A_253 : i32 to vector<32x1xi32>
    %or3A_255 = arith.ori %select_n3A_252, %or3A_254 : vector<32x1xi32>
    %lt3A_256 = vector.broadcast %or3A_255 : vector<32x1xi32> to vector<32x2048xi32>
    %lt3A_257 = arith.cmpi slt, %select_n3A, %lt3A_256 : vector<32x2048xi32>
    %jit3A_258 = arith.constant 1 : i32
    %jit3A_259 = arith.constant 0 : i32
    %broadcast_in_dim3A_260 = vector.broadcast %jit3A_258 : i32 to vector<32x2048xi32>
    %broadcast_in_dim3A_261 = vector.broadcast %jit3A_259 : i32 to vector<32x2048xi32>
    %select_n3A_262 = arith.select %lt3A_257, %broadcast_in_dim3A_260, %broadcast_in_dim3A_261 : vector<32x2048xi1>, vector<32x2048xi32>
    %reduce_sum3A_263 = arith.constant dense<0> : vector<32xi32>
    %reduce_sum3A_264 = vector.multi_reduction <add>, %select_n3A_262, %reduce_sum3A_263 [1] : vector<32x2048xi32> to vector<32xi32>
    %broadcast_in_dim3A_265 = vector.shape_cast %reduce_sum3A_264 : vector<32xi32> to vector<32x1xi32>
    %ge3A_266 = arith.constant 64 : i32
    %ge3A_267 = vector.broadcast %ge3A_266 : i32 to vector<32x1xi32>
    %ge3A_268 = arith.cmpi sge, %broadcast_in_dim3A_265, %ge3A_267 : vector<32x1xi32>
    %select_n3A_269 = arith.select %ge3A_268, %select_n3A_252, %or3A_255 : vector<32x1xi1>, vector<32x1xi32>
    %or3A_270 = arith.constant 65536 : i32
    %or3A_271 = vector.broadcast %or3A_270 : i32 to vector<32x1xi32>
    %or3A_272 = arith.ori %select_n3A_269, %or3A_271 : vector<32x1xi32>
    %lt3A_273 = vector.broadcast %or3A_272 : vector<32x1xi32> to vector<32x2048xi32>
    %lt3A_274 = arith.cmpi slt, %select_n3A, %lt3A_273 : vector<32x2048xi32>
    %jit3A_275 = arith.constant 1 : i32
    %jit3A_276 = arith.constant 0 : i32
    %broadcast_in_dim3A_277 = vector.broadcast %jit3A_275 : i32 to vector<32x2048xi32>
    %broadcast_in_dim3A_278 = vector.broadcast %jit3A_276 : i32 to vector<32x2048xi32>
    %select_n3A_279 = arith.select %lt3A_274, %broadcast_in_dim3A_277, %broadcast_in_dim3A_278 : vector<32x2048xi1>, vector<32x2048xi32>
    %reduce_sum3A_280 = arith.constant dense<0> : vector<32xi32>
    %reduce_sum3A_281 = vector.multi_reduction <add>, %select_n3A_279, %reduce_sum3A_280 [1] : vector<32x2048xi32> to vector<32xi32>
    %broadcast_in_dim3A_282 = vector.shape_cast %reduce_sum3A_281 : vector<32xi32> to vector<32x1xi32>
    %ge3A_283 = arith.constant 64 : i32
    %ge3A_284 = vector.broadcast %ge3A_283 : i32 to vector<32x1xi32>
    %ge3A_285 = arith.cmpi sge, %broadcast_in_dim3A_282, %ge3A_284 : vector<32x1xi32>
    %select_n3A_286 = arith.select %ge3A_285, %select_n3A_269, %or3A_272 : vector<32x1xi1>, vector<32x1xi32>
    %or3A_287 = arith.constant 32768 : i32
    %or3A_288 = vector.broadcast %or3A_287 : i32 to vector<32x1xi32>
    %or3A_289 = arith.ori %select_n3A_286, %or3A_288 : vector<32x1xi32>
    %lt3A_290 = vector.broadcast %or3A_289 : vector<32x1xi32> to vector<32x2048xi32>
    %lt3A_291 = arith.cmpi slt, %select_n3A, %lt3A_290 : vector<32x2048xi32>
    %jit3A_292 = arith.constant 1 : i32
    %jit3A_293 = arith.constant 0 : i32
    %broadcast_in_dim3A_294 = vector.broadcast %jit3A_292 : i32 to vector<32x2048xi32>
    %broadcast_in_dim3A_295 = vector.broadcast %jit3A_293 : i32 to vector<32x2048xi32>
    %select_n3A_296 = arith.select %lt3A_291, %broadcast_in_dim3A_294, %broadcast_in_dim3A_295 : vector<32x2048xi1>, vector<32x2048xi32>
    %reduce_sum3A_297 = arith.constant dense<0> : vector<32xi32>
    %reduce_sum3A_298 = vector.multi_reduction <add>, %select_n3A_296, %reduce_sum3A_297 [1] : vector<32x2048xi32> to vector<32xi32>
    %broadcast_in_dim3A_299 = vector.shape_cast %reduce_sum3A_298 : vector<32xi32> to vector<32x1xi32>
    %ge3A_300 = arith.constant 64 : i32
    %ge3A_301 = vector.broadcast %ge3A_300 : i32 to vector<32x1xi32>
    %ge3A_302 = arith.cmpi sge, %broadcast_in_dim3A_299, %ge3A_301 : vector<32x1xi32>
    %select_n3A_303 = arith.select %ge3A_302, %select_n3A_286, %or3A_289 : vector<32x1xi1>, vector<32x1xi32>
    %or3A_304 = arith.constant 16384 : i32
    %or3A_305 = vector.broadcast %or3A_304 : i32 to vector<32x1xi32>
    %or3A_306 = arith.ori %select_n3A_303, %or3A_305 : vector<32x1xi32>
    %lt3A_307 = vector.broadcast %or3A_306 : vector<32x1xi32> to vector<32x2048xi32>
    %lt3A_308 = arith.cmpi slt, %select_n3A, %lt3A_307 : vector<32x2048xi32>
    %jit3A_309 = arith.constant 1 : i32
    %jit3A_310 = arith.constant 0 : i32
    %broadcast_in_dim3A_311 = vector.broadcast %jit3A_309 : i32 to vector<32x2048xi32>
    %broadcast_in_dim3A_312 = vector.broadcast %jit3A_310 : i32 to vector<32x2048xi32>
    %select_n3A_313 = arith.select %lt3A_308, %broadcast_in_dim3A_311, %broadcast_in_dim3A_312 : vector<32x2048xi1>, vector<32x2048xi32>
    %reduce_sum3A_314 = arith.constant dense<0> : vector<32xi32>
    %reduce_sum3A_315 = vector.multi_reduction <add>, %select_n3A_313, %reduce_sum3A_314 [1] : vector<32x2048xi32> to vector<32xi32>
    %broadcast_in_dim3A_316 = vector.shape_cast %reduce_sum3A_315 : vector<32xi32> to vector<32x1xi32>
    %ge3A_317 = arith.constant 64 : i32
    %ge3A_318 = vector.broadcast %ge3A_317 : i32 to vector<32x1xi32>
    %ge3A_319 = arith.cmpi sge, %broadcast_in_dim3A_316, %ge3A_318 : vector<32x1xi32>
    %select_n3A_320 = arith.select %ge3A_319, %select_n3A_303, %or3A_306 : vector<32x1xi1>, vector<32x1xi32>
    %or3A_321 = arith.constant 8192 : i32
    %or3A_322 = vector.broadcast %or3A_321 : i32 to vector<32x1xi32>
    %or3A_323 = arith.ori %select_n3A_320, %or3A_322 : vector<32x1xi32>
    %lt3A_324 = vector.broadcast %or3A_323 : vector<32x1xi32> to vector<32x2048xi32>
    %lt3A_325 = arith.cmpi slt, %select_n3A, %lt3A_324 : vector<32x2048xi32>
    %jit3A_326 = arith.constant 1 : i32
    %jit3A_327 = arith.constant 0 : i32
    %broadcast_in_dim3A_328 = vector.broadcast %jit3A_326 : i32 to vector<32x2048xi32>
    %broadcast_in_dim3A_329 = vector.broadcast %jit3A_327 : i32 to vector<32x2048xi32>
    %select_n3A_330 = arith.select %lt3A_325, %broadcast_in_dim3A_328, %broadcast_in_dim3A_329 : vector<32x2048xi1>, vector<32x2048xi32>
    %reduce_sum3A_331 = arith.constant dense<0> : vector<32xi32>
    %reduce_sum3A_332 = vector.multi_reduction <add>, %select_n3A_330, %reduce_sum3A_331 [1] : vector<32x2048xi32> to vector<32xi32>
    %broadcast_in_dim3A_333 = vector.shape_cast %reduce_sum3A_332 : vector<32xi32> to vector<32x1xi32>
    %ge3A_334 = arith.constant 64 : i32
    %ge3A_335 = vector.broadcast %ge3A_334 : i32 to vector<32x1xi32>
    %ge3A_336 = arith.cmpi sge, %broadcast_in_dim3A_333, %ge3A_335 : vector<32x1xi32>
    %select_n3A_337 = arith.select %ge3A_336, %select_n3A_320, %or3A_323 : vector<32x1xi1>, vector<32x1xi32>
    %or3A_338 = arith.constant 4096 : i32
    %or3A_339 = vector.broadcast %or3A_338 : i32 to vector<32x1xi32>
    %or3A_340 = arith.ori %select_n3A_337, %or3A_339 : vector<32x1xi32>
    %lt3A_341 = vector.broadcast %or3A_340 : vector<32x1xi32> to vector<32x2048xi32>
    %lt3A_342 = arith.cmpi slt, %select_n3A, %lt3A_341 : vector<32x2048xi32>
    %jit3A_343 = arith.constant 1 : i32
    %jit3A_344 = arith.constant 0 : i32
    %broadcast_in_dim3A_345 = vector.broadcast %jit3A_343 : i32 to vector<32x2048xi32>
    %broadcast_in_dim3A_346 = vector.broadcast %jit3A_344 : i32 to vector<32x2048xi32>
    %select_n3A_347 = arith.select %lt3A_342, %broadcast_in_dim3A_345, %broadcast_in_dim3A_346 : vector<32x2048xi1>, vector<32x2048xi32>
    %reduce_sum3A_348 = arith.constant dense<0> : vector<32xi32>
    %reduce_sum3A_349 = vector.multi_reduction <add>, %select_n3A_347, %reduce_sum3A_348 [1] : vector<32x2048xi32> to vector<32xi32>
    %broadcast_in_dim3A_350 = vector.shape_cast %reduce_sum3A_349 : vector<32xi32> to vector<32x1xi32>
    %ge3A_351 = arith.constant 64 : i32
    %ge3A_352 = vector.broadcast %ge3A_351 : i32 to vector<32x1xi32>
    %ge3A_353 = arith.cmpi sge, %broadcast_in_dim3A_350, %ge3A_352 : vector<32x1xi32>
    %select_n3A_354 = arith.select %ge3A_353, %select_n3A_337, %or3A_340 : vector<32x1xi1>, vector<32x1xi32>
    %or3A_355 = arith.constant 2048 : i32
    %or3A_356 = vector.broadcast %or3A_355 : i32 to vector<32x1xi32>
    %or3A_357 = arith.ori %select_n3A_354, %or3A_356 : vector<32x1xi32>
    %lt3A_358 = vector.broadcast %or3A_357 : vector<32x1xi32> to vector<32x2048xi32>
    %lt3A_359 = arith.cmpi slt, %select_n3A, %lt3A_358 : vector<32x2048xi32>
    %jit3A_360 = arith.constant 1 : i32
    %jit3A_361 = arith.constant 0 : i32
    %broadcast_in_dim3A_362 = vector.broadcast %jit3A_360 : i32 to vector<32x2048xi32>
    %broadcast_in_dim3A_363 = vector.broadcast %jit3A_361 : i32 to vector<32x2048xi32>
    %select_n3A_364 = arith.select %lt3A_359, %broadcast_in_dim3A_362, %broadcast_in_dim3A_363 : vector<32x2048xi1>, vector<32x2048xi32>
    %reduce_sum3A_365 = arith.constant dense<0> : vector<32xi32>
    %reduce_sum3A_366 = vector.multi_reduction <add>, %select_n3A_364, %reduce_sum3A_365 [1] : vector<32x2048xi32> to vector<32xi32>
    %broadcast_in_dim3A_367 = vector.shape_cast %reduce_sum3A_366 : vector<32xi32> to vector<32x1xi32>
    %ge3A_368 = arith.constant 64 : i32
    %ge3A_369 = vector.broadcast %ge3A_368 : i32 to vector<32x1xi32>
    %ge3A_370 = arith.cmpi sge, %broadcast_in_dim3A_367, %ge3A_369 : vector<32x1xi32>
    %select_n3A_371 = arith.select %ge3A_370, %select_n3A_354, %or3A_357 : vector<32x1xi1>, vector<32x1xi32>
    %or3A_372 = arith.constant 1024 : i32
    %or3A_373 = vector.broadcast %or3A_372 : i32 to vector<32x1xi32>
    %or3A_374 = arith.ori %select_n3A_371, %or3A_373 : vector<32x1xi32>
    %lt3A_375 = vector.broadcast %or3A_374 : vector<32x1xi32> to vector<32x2048xi32>
    %lt3A_376 = arith.cmpi slt, %select_n3A, %lt3A_375 : vector<32x2048xi32>
    %jit3A_377 = arith.constant 1 : i32
    %jit3A_378 = arith.constant 0 : i32
    %broadcast_in_dim3A_379 = vector.broadcast %jit3A_377 : i32 to vector<32x2048xi32>
    %broadcast_in_dim3A_380 = vector.broadcast %jit3A_378 : i32 to vector<32x2048xi32>
    %select_n3A_381 = arith.select %lt3A_376, %broadcast_in_dim3A_379, %broadcast_in_dim3A_380 : vector<32x2048xi1>, vector<32x2048xi32>
    %reduce_sum3A_382 = arith.constant dense<0> : vector<32xi32>
    %reduce_sum3A_383 = vector.multi_reduction <add>, %select_n3A_381, %reduce_sum3A_382 [1] : vector<32x2048xi32> to vector<32xi32>
    %broadcast_in_dim3A_384 = vector.shape_cast %reduce_sum3A_383 : vector<32xi32> to vector<32x1xi32>
    %ge3A_385 = arith.constant 64 : i32
    %ge3A_386 = vector.broadcast %ge3A_385 : i32 to vector<32x1xi32>
    %ge3A_387 = arith.cmpi sge, %broadcast_in_dim3A_384, %ge3A_386 : vector<32x1xi32>
    %select_n3A_388 = arith.select %ge3A_387, %select_n3A_371, %or3A_374 : vector<32x1xi1>, vector<32x1xi32>
    %or3A_389 = arith.constant 512 : i32
    %or3A_390 = vector.broadcast %or3A_389 : i32 to vector<32x1xi32>
    %or3A_391 = arith.ori %select_n3A_388, %or3A_390 : vector<32x1xi32>
    %lt3A_392 = vector.broadcast %or3A_391 : vector<32x1xi32> to vector<32x2048xi32>
    %lt3A_393 = arith.cmpi slt, %select_n3A, %lt3A_392 : vector<32x2048xi32>
    %jit3A_394 = arith.constant 1 : i32
    %jit3A_395 = arith.constant 0 : i32
    %broadcast_in_dim3A_396 = vector.broadcast %jit3A_394 : i32 to vector<32x2048xi32>
    %broadcast_in_dim3A_397 = vector.broadcast %jit3A_395 : i32 to vector<32x2048xi32>
    %select_n3A_398 = arith.select %lt3A_393, %broadcast_in_dim3A_396, %broadcast_in_dim3A_397 : vector<32x2048xi1>, vector<32x2048xi32>
    %reduce_sum3A_399 = arith.constant dense<0> : vector<32xi32>
    %reduce_sum3A_400 = vector.multi_reduction <add>, %select_n3A_398, %reduce_sum3A_399 [1] : vector<32x2048xi32> to vector<32xi32>
    %broadcast_in_dim3A_401 = vector.shape_cast %reduce_sum3A_400 : vector<32xi32> to vector<32x1xi32>
    %ge3A_402 = arith.constant 64 : i32
    %ge3A_403 = vector.broadcast %ge3A_402 : i32 to vector<32x1xi32>
    %ge3A_404 = arith.cmpi sge, %broadcast_in_dim3A_401, %ge3A_403 : vector<32x1xi32>
    %select_n3A_405 = arith.select %ge3A_404, %select_n3A_388, %or3A_391 : vector<32x1xi1>, vector<32x1xi32>
    %or3A_406 = arith.constant 256 : i32
    %or3A_407 = vector.broadcast %or3A_406 : i32 to vector<32x1xi32>
    %or3A_408 = arith.ori %select_n3A_405, %or3A_407 : vector<32x1xi32>
    %lt3A_409 = vector.broadcast %or3A_408 : vector<32x1xi32> to vector<32x2048xi32>
    %lt3A_410 = arith.cmpi slt, %select_n3A, %lt3A_409 : vector<32x2048xi32>
    %jit3A_411 = arith.constant 1 : i32
    %jit3A_412 = arith.constant 0 : i32
    %broadcast_in_dim3A_413 = vector.broadcast %jit3A_411 : i32 to vector<32x2048xi32>
    %broadcast_in_dim3A_414 = vector.broadcast %jit3A_412 : i32 to vector<32x2048xi32>
    %select_n3A_415 = arith.select %lt3A_410, %broadcast_in_dim3A_413, %broadcast_in_dim3A_414 : vector<32x2048xi1>, vector<32x2048xi32>
    %reduce_sum3A_416 = arith.constant dense<0> : vector<32xi32>
    %reduce_sum3A_417 = vector.multi_reduction <add>, %select_n3A_415, %reduce_sum3A_416 [1] : vector<32x2048xi32> to vector<32xi32>
    %broadcast_in_dim3A_418 = vector.shape_cast %reduce_sum3A_417 : vector<32xi32> to vector<32x1xi32>
    %ge3A_419 = arith.constant 64 : i32
    %ge3A_420 = vector.broadcast %ge3A_419 : i32 to vector<32x1xi32>
    %ge3A_421 = arith.cmpi sge, %broadcast_in_dim3A_418, %ge3A_420 : vector<32x1xi32>
    %select_n3A_422 = arith.select %ge3A_421, %select_n3A_405, %or3A_408 : vector<32x1xi1>, vector<32x1xi32>
    %or3A_423 = arith.constant 128 : i32
    %or3A_424 = vector.broadcast %or3A_423 : i32 to vector<32x1xi32>
    %or3A_425 = arith.ori %select_n3A_422, %or3A_424 : vector<32x1xi32>
    %lt3A_426 = vector.broadcast %or3A_425 : vector<32x1xi32> to vector<32x2048xi32>
    %lt3A_427 = arith.cmpi slt, %select_n3A, %lt3A_426 : vector<32x2048xi32>
    %jit3A_428 = arith.constant 1 : i32
    %jit3A_429 = arith.constant 0 : i32
    %broadcast_in_dim3A_430 = vector.broadcast %jit3A_428 : i32 to vector<32x2048xi32>
    %broadcast_in_dim3A_431 = vector.broadcast %jit3A_429 : i32 to vector<32x2048xi32>
    %select_n3A_432 = arith.select %lt3A_427, %broadcast_in_dim3A_430, %broadcast_in_dim3A_431 : vector<32x2048xi1>, vector<32x2048xi32>
    %reduce_sum3A_433 = arith.constant dense<0> : vector<32xi32>
    %reduce_sum3A_434 = vector.multi_reduction <add>, %select_n3A_432, %reduce_sum3A_433 [1] : vector<32x2048xi32> to vector<32xi32>
    %broadcast_in_dim3A_435 = vector.shape_cast %reduce_sum3A_434 : vector<32xi32> to vector<32x1xi32>
    %ge3A_436 = arith.constant 64 : i32
    %ge3A_437 = vector.broadcast %ge3A_436 : i32 to vector<32x1xi32>
    %ge3A_438 = arith.cmpi sge, %broadcast_in_dim3A_435, %ge3A_437 : vector<32x1xi32>
    %select_n3A_439 = arith.select %ge3A_438, %select_n3A_422, %or3A_425 : vector<32x1xi1>, vector<32x1xi32>
    %or3A_440 = arith.constant 64 : i32
    %or3A_441 = vector.broadcast %or3A_440 : i32 to vector<32x1xi32>
    %or3A_442 = arith.ori %select_n3A_439, %or3A_441 : vector<32x1xi32>
    %lt3A_443 = vector.broadcast %or3A_442 : vector<32x1xi32> to vector<32x2048xi32>
    %lt3A_444 = arith.cmpi slt, %select_n3A, %lt3A_443 : vector<32x2048xi32>
    %jit3A_445 = arith.constant 1 : i32
    %jit3A_446 = arith.constant 0 : i32
    %broadcast_in_dim3A_447 = vector.broadcast %jit3A_445 : i32 to vector<32x2048xi32>
    %broadcast_in_dim3A_448 = vector.broadcast %jit3A_446 : i32 to vector<32x2048xi32>
    %select_n3A_449 = arith.select %lt3A_444, %broadcast_in_dim3A_447, %broadcast_in_dim3A_448 : vector<32x2048xi1>, vector<32x2048xi32>
    %reduce_sum3A_450 = arith.constant dense<0> : vector<32xi32>
    %reduce_sum3A_451 = vector.multi_reduction <add>, %select_n3A_449, %reduce_sum3A_450 [1] : vector<32x2048xi32> to vector<32xi32>
    %broadcast_in_dim3A_452 = vector.shape_cast %reduce_sum3A_451 : vector<32xi32> to vector<32x1xi32>
    %ge3A_453 = arith.constant 64 : i32
    %ge3A_454 = vector.broadcast %ge3A_453 : i32 to vector<32x1xi32>
    %ge3A_455 = arith.cmpi sge, %broadcast_in_dim3A_452, %ge3A_454 : vector<32x1xi32>
    %select_n3A_456 = arith.select %ge3A_455, %select_n3A_439, %or3A_442 : vector<32x1xi1>, vector<32x1xi32>
    %or3A_457 = arith.constant 32 : i32
    %or3A_458 = vector.broadcast %or3A_457 : i32 to vector<32x1xi32>
    %or3A_459 = arith.ori %select_n3A_456, %or3A_458 : vector<32x1xi32>
    %lt3A_460 = vector.broadcast %or3A_459 : vector<32x1xi32> to vector<32x2048xi32>
    %lt3A_461 = arith.cmpi slt, %select_n3A, %lt3A_460 : vector<32x2048xi32>
    %jit3A_462 = arith.constant 1 : i32
    %jit3A_463 = arith.constant 0 : i32
    %broadcast_in_dim3A_464 = vector.broadcast %jit3A_462 : i32 to vector<32x2048xi32>
    %broadcast_in_dim3A_465 = vector.broadcast %jit3A_463 : i32 to vector<32x2048xi32>
    %select_n3A_466 = arith.select %lt3A_461, %broadcast_in_dim3A_464, %broadcast_in_dim3A_465 : vector<32x2048xi1>, vector<32x2048xi32>
    %reduce_sum3A_467 = arith.constant dense<0> : vector<32xi32>
    %reduce_sum3A_468 = vector.multi_reduction <add>, %select_n3A_466, %reduce_sum3A_467 [1] : vector<32x2048xi32> to vector<32xi32>
    %broadcast_in_dim3A_469 = vector.shape_cast %reduce_sum3A_468 : vector<32xi32> to vector<32x1xi32>
    %ge3A_470 = arith.constant 64 : i32
    %ge3A_471 = vector.broadcast %ge3A_470 : i32 to vector<32x1xi32>
    %ge3A_472 = arith.cmpi sge, %broadcast_in_dim3A_469, %ge3A_471 : vector<32x1xi32>
    %select_n3A_473 = arith.select %ge3A_472, %select_n3A_456, %or3A_459 : vector<32x1xi1>, vector<32x1xi32>
    %or3A_474 = arith.constant 16 : i32
    %or3A_475 = vector.broadcast %or3A_474 : i32 to vector<32x1xi32>
    %or3A_476 = arith.ori %select_n3A_473, %or3A_475 : vector<32x1xi32>
    %lt3A_477 = vector.broadcast %or3A_476 : vector<32x1xi32> to vector<32x2048xi32>
    %lt3A_478 = arith.cmpi slt, %select_n3A, %lt3A_477 : vector<32x2048xi32>
    %jit3A_479 = arith.constant 1 : i32
    %jit3A_480 = arith.constant 0 : i32
    %broadcast_in_dim3A_481 = vector.broadcast %jit3A_479 : i32 to vector<32x2048xi32>
    %broadcast_in_dim3A_482 = vector.broadcast %jit3A_480 : i32 to vector<32x2048xi32>
    %select_n3A_483 = arith.select %lt3A_478, %broadcast_in_dim3A_481, %broadcast_in_dim3A_482 : vector<32x2048xi1>, vector<32x2048xi32>
    %reduce_sum3A_484 = arith.constant dense<0> : vector<32xi32>
    %reduce_sum3A_485 = vector.multi_reduction <add>, %select_n3A_483, %reduce_sum3A_484 [1] : vector<32x2048xi32> to vector<32xi32>
    %broadcast_in_dim3A_486 = vector.shape_cast %reduce_sum3A_485 : vector<32xi32> to vector<32x1xi32>
    %ge3A_487 = arith.constant 64 : i32
    %ge3A_488 = vector.broadcast %ge3A_487 : i32 to vector<32x1xi32>
    %ge3A_489 = arith.cmpi sge, %broadcast_in_dim3A_486, %ge3A_488 : vector<32x1xi32>
    %select_n3A_490 = arith.select %ge3A_489, %select_n3A_473, %or3A_476 : vector<32x1xi1>, vector<32x1xi32>
    %or3A_491 = arith.constant 8 : i32
    %or3A_492 = vector.broadcast %or3A_491 : i32 to vector<32x1xi32>
    %or3A_493 = arith.ori %select_n3A_490, %or3A_492 : vector<32x1xi32>
    %lt3A_494 = vector.broadcast %or3A_493 : vector<32x1xi32> to vector<32x2048xi32>
    %lt3A_495 = arith.cmpi slt, %select_n3A, %lt3A_494 : vector<32x2048xi32>
    %jit3A_496 = arith.constant 1 : i32
    %jit3A_497 = arith.constant 0 : i32
    %broadcast_in_dim3A_498 = vector.broadcast %jit3A_496 : i32 to vector<32x2048xi32>
    %broadcast_in_dim3A_499 = vector.broadcast %jit3A_497 : i32 to vector<32x2048xi32>
    %select_n3A_500 = arith.select %lt3A_495, %broadcast_in_dim3A_498, %broadcast_in_dim3A_499 : vector<32x2048xi1>, vector<32x2048xi32>
    %reduce_sum3A_501 = arith.constant dense<0> : vector<32xi32>
    %reduce_sum3A_502 = vector.multi_reduction <add>, %select_n3A_500, %reduce_sum3A_501 [1] : vector<32x2048xi32> to vector<32xi32>
    %broadcast_in_dim3A_503 = vector.shape_cast %reduce_sum3A_502 : vector<32xi32> to vector<32x1xi32>
    %ge3A_504 = arith.constant 64 : i32
    %ge3A_505 = vector.broadcast %ge3A_504 : i32 to vector<32x1xi32>
    %ge3A_506 = arith.cmpi sge, %broadcast_in_dim3A_503, %ge3A_505 : vector<32x1xi32>
    %select_n3A_507 = arith.select %ge3A_506, %select_n3A_490, %or3A_493 : vector<32x1xi1>, vector<32x1xi32>
    %or3A_508 = arith.constant 4 : i32
    %or3A_509 = vector.broadcast %or3A_508 : i32 to vector<32x1xi32>
    %or3A_510 = arith.ori %select_n3A_507, %or3A_509 : vector<32x1xi32>
    %lt3A_511 = vector.broadcast %or3A_510 : vector<32x1xi32> to vector<32x2048xi32>
    %lt3A_512 = arith.cmpi slt, %select_n3A, %lt3A_511 : vector<32x2048xi32>
    %jit3A_513 = arith.constant 1 : i32
    %jit3A_514 = arith.constant 0 : i32
    %broadcast_in_dim3A_515 = vector.broadcast %jit3A_513 : i32 to vector<32x2048xi32>
    %broadcast_in_dim3A_516 = vector.broadcast %jit3A_514 : i32 to vector<32x2048xi32>
    %select_n3A_517 = arith.select %lt3A_512, %broadcast_in_dim3A_515, %broadcast_in_dim3A_516 : vector<32x2048xi1>, vector<32x2048xi32>
    %reduce_sum3A_518 = arith.constant dense<0> : vector<32xi32>
    %reduce_sum3A_519 = vector.multi_reduction <add>, %select_n3A_517, %reduce_sum3A_518 [1] : vector<32x2048xi32> to vector<32xi32>
    %broadcast_in_dim3A_520 = vector.shape_cast %reduce_sum3A_519 : vector<32xi32> to vector<32x1xi32>
    %ge3A_521 = arith.constant 64 : i32
    %ge3A_522 = vector.broadcast %ge3A_521 : i32 to vector<32x1xi32>
    %ge3A_523 = arith.cmpi sge, %broadcast_in_dim3A_520, %ge3A_522 : vector<32x1xi32>
    %select_n3A_524 = arith.select %ge3A_523, %select_n3A_507, %or3A_510 : vector<32x1xi1>, vector<32x1xi32>
    %or3A_525 = arith.constant 2 : i32
    %or3A_526 = vector.broadcast %or3A_525 : i32 to vector<32x1xi32>
    %or3A_527 = arith.ori %select_n3A_524, %or3A_526 : vector<32x1xi32>
    %lt3A_528 = vector.broadcast %or3A_527 : vector<32x1xi32> to vector<32x2048xi32>
    %lt3A_529 = arith.cmpi slt, %select_n3A, %lt3A_528 : vector<32x2048xi32>
    %jit3A_530 = arith.constant 1 : i32
    %jit3A_531 = arith.constant 0 : i32
    %broadcast_in_dim3A_532 = vector.broadcast %jit3A_530 : i32 to vector<32x2048xi32>
    %broadcast_in_dim3A_533 = vector.broadcast %jit3A_531 : i32 to vector<32x2048xi32>
    %select_n3A_534 = arith.select %lt3A_529, %broadcast_in_dim3A_532, %broadcast_in_dim3A_533 : vector<32x2048xi1>, vector<32x2048xi32>
    %reduce_sum3A_535 = arith.constant dense<0> : vector<32xi32>
    %reduce_sum3A_536 = vector.multi_reduction <add>, %select_n3A_534, %reduce_sum3A_535 [1] : vector<32x2048xi32> to vector<32xi32>
    %broadcast_in_dim3A_537 = vector.shape_cast %reduce_sum3A_536 : vector<32xi32> to vector<32x1xi32>
    %ge3A_538 = arith.constant 64 : i32
    %ge3A_539 = vector.broadcast %ge3A_538 : i32 to vector<32x1xi32>
    %ge3A_540 = arith.cmpi sge, %broadcast_in_dim3A_537, %ge3A_539 : vector<32x1xi32>
    %select_n3A_541 = arith.select %ge3A_540, %select_n3A_524, %or3A_527 : vector<32x1xi1>, vector<32x1xi32>
    %or3A_542 = arith.constant 1 : i32
    %or3A_543 = vector.broadcast %or3A_542 : i32 to vector<32x1xi32>
    %or3A_544 = arith.ori %select_n3A_541, %or3A_543 : vector<32x1xi32>
    %lt3A_545 = vector.broadcast %or3A_544 : vector<32x1xi32> to vector<32x2048xi32>
    %lt3A_546 = arith.cmpi slt, %select_n3A, %lt3A_545 : vector<32x2048xi32>
    %jit3A_547 = arith.constant 1 : i32
    %jit3A_548 = arith.constant 0 : i32
    %broadcast_in_dim3A_549 = vector.broadcast %jit3A_547 : i32 to vector<32x2048xi32>
    %broadcast_in_dim3A_550 = vector.broadcast %jit3A_548 : i32 to vector<32x2048xi32>
    %select_n3A_551 = arith.select %lt3A_546, %broadcast_in_dim3A_549, %broadcast_in_dim3A_550 : vector<32x2048xi1>, vector<32x2048xi32>
    %reduce_sum3A_552 = arith.constant dense<0> : vector<32xi32>
    %reduce_sum3A_553 = vector.multi_reduction <add>, %select_n3A_551, %reduce_sum3A_552 [1] : vector<32x2048xi32> to vector<32xi32>
    %broadcast_in_dim3A_554 = vector.shape_cast %reduce_sum3A_553 : vector<32xi32> to vector<32x1xi32>
    %ge3A_555 = arith.constant 64 : i32
    %ge3A_556 = vector.broadcast %ge3A_555 : i32 to vector<32x1xi32>
    %ge3A_557 = arith.cmpi sge, %broadcast_in_dim3A_554, %ge3A_556 : vector<32x1xi32>
    %select_n3A_558 = arith.select %ge3A_557, %select_n3A_541, %or3A_544 : vector<32x1xi1>, vector<32x1xi32>
    %lt3A_559 = vector.broadcast %select_n3A_558 : vector<32x1xi32> to vector<32x2048xi32>
    %lt3A_560 = arith.cmpi slt, %select_n3A, %lt3A_559 : vector<32x2048xi32>
    %jit3A_561 = arith.constant 1 : i32
    %jit3A_562 = arith.constant 0 : i32
    %broadcast_in_dim3A_563 = vector.broadcast %jit3A_561 : i32 to vector<32x2048xi32>
    %broadcast_in_dim3A_564 = vector.broadcast %jit3A_562 : i32 to vector<32x2048xi32>
    %select_n3A_565 = arith.select %lt3A_560, %broadcast_in_dim3A_563, %broadcast_in_dim3A_564 : vector<32x2048xi1>, vector<32x2048xi32>
    %reduce_sum3A_566 = arith.constant dense<0> : vector<32xi32>
    %reduce_sum3A_567 = vector.multi_reduction <add>, %select_n3A_565, %reduce_sum3A_566 [1] : vector<32x2048xi32> to vector<32xi32>
    %broadcast_in_dim3A_568 = vector.shape_cast %reduce_sum3A_567 : vector<32xi32> to vector<32x1xi32>
    %sub3A_569 = arith.constant 64 : i32
    %sub3A_570 = vector.broadcast %sub3A_569 : i32 to vector<32x1xi32>
    %sub3A_571 = arith.subi %sub3A_570, %broadcast_in_dim3A_568 : vector<32x1xi32>
    %eq3A = vector.broadcast %select_n3A_558 : vector<32x1xi32> to vector<32x2048xi32>
    %eq3A_572 = arith.cmpi eq, %select_n3A, %eq3A : vector<32x2048xi32>
    %lt3A_573 = arith.constant 2139095040 : i32
    %lt3A_574 = vector.broadcast %lt3A_573 : i32 to vector<32x1xi32>
    %lt3A_575 = arith.cmpi slt, %select_n3A_558, %lt3A_574 : vector<32x1xi32>
    %and3A_576 = vector.broadcast %lt3A_575 : vector<32x1xi1> to vector<32x2048xi1>
    %and3A_577 = arith.andi %eq3A_572, %and3A_576 : vector<32x2048xi1>
    %convert_element_type3A = arith.extui %and3A_577 : vector<32x2048xi1> to vector<32x2048xi32>
    %broadcast_in_dim3A_578 = arith.constant 0 : i32
    %broadcast_in_dim3A_579 = vector.broadcast %broadcast_in_dim3A_578 : i32 to vector<32x1xi32>
    %slice3A = vector.extract_strided_slice %convert_element_type3A {offsets = [0, 0], sizes = [32, 2047], strides = [1, 1]} : vector<32x2048xi32> to vector<32x2047xi32>
    %concatenate3A = tpu.concatenate %broadcast_in_dim3A_579, %slice3A in 1 : vector<32x1xi32>, vector<32x2047xi32> -> vector<32x2048xi32>
    %add3A_580 = arith.addi %convert_element_type3A, %concatenate3A : vector<32x2048xi32>
    %broadcast_in_dim3A_581 = arith.constant 0 : i32
    %broadcast_in_dim3A_582 = vector.broadcast %broadcast_in_dim3A_581 : i32 to vector<32x2xi32>
    %slice3A_583 = vector.extract_strided_slice %add3A_580 {offsets = [0, 0], sizes = [32, 2046], strides = [1, 1]} : vector<32x2048xi32> to vector<32x2046xi32>
    %concatenate3A_584 = tpu.concatenate %broadcast_in_dim3A_582, %slice3A_583 in 1 : vector<32x2xi32>, vector<32x2046xi32> -> vector<32x2048xi32>
    %add3A_585 = arith.addi %add3A_580, %concatenate3A_584 : vector<32x2048xi32>
    %broadcast_in_dim3A_586 = arith.constant 0 : i32
    %broadcast_in_dim3A_587 = vector.broadcast %broadcast_in_dim3A_586 : i32 to vector<32x4xi32>
    %slice3A_588 = vector.extract_strided_slice %add3A_585 {offsets = [0, 0], sizes = [32, 2044], strides = [1, 1]} : vector<32x2048xi32> to vector<32x2044xi32>
    %concatenate3A_589 = tpu.concatenate %broadcast_in_dim3A_587, %slice3A_588 in 1 : vector<32x4xi32>, vector<32x2044xi32> -> vector<32x2048xi32>
    %add3A_590 = arith.addi %add3A_585, %concatenate3A_589 : vector<32x2048xi32>
    %broadcast_in_dim3A_591 = arith.constant 0 : i32
    %broadcast_in_dim3A_592 = vector.broadcast %broadcast_in_dim3A_591 : i32 to vector<32x8xi32>
    %slice3A_593 = vector.extract_strided_slice %add3A_590 {offsets = [0, 0], sizes = [32, 2040], strides = [1, 1]} : vector<32x2048xi32> to vector<32x2040xi32>
    %concatenate3A_594 = tpu.concatenate %broadcast_in_dim3A_592, %slice3A_593 in 1 : vector<32x8xi32>, vector<32x2040xi32> -> vector<32x2048xi32>
    %add3A_595 = arith.addi %add3A_590, %concatenate3A_594 : vector<32x2048xi32>
    %broadcast_in_dim3A_596 = arith.constant 0 : i32
    %broadcast_in_dim3A_597 = vector.broadcast %broadcast_in_dim3A_596 : i32 to vector<32x16xi32>
    %slice3A_598 = vector.extract_strided_slice %add3A_595 {offsets = [0, 0], sizes = [32, 2032], strides = [1, 1]} : vector<32x2048xi32> to vector<32x2032xi32>
    %concatenate3A_599 = tpu.concatenate %broadcast_in_dim3A_597, %slice3A_598 in 1 : vector<32x16xi32>, vector<32x2032xi32> -> vector<32x2048xi32>
    %add3A_600 = arith.addi %add3A_595, %concatenate3A_599 : vector<32x2048xi32>
    %broadcast_in_dim3A_601 = arith.constant 0 : i32
    %broadcast_in_dim3A_602 = vector.broadcast %broadcast_in_dim3A_601 : i32 to vector<32x32xi32>
    %slice3A_603 = vector.extract_strided_slice %add3A_600 {offsets = [0, 0], sizes = [32, 2016], strides = [1, 1]} : vector<32x2048xi32> to vector<32x2016xi32>
    %concatenate3A_604 = tpu.concatenate %broadcast_in_dim3A_602, %slice3A_603 in 1 : vector<32x32xi32>, vector<32x2016xi32> -> vector<32x2048xi32>
    %add3A_605 = arith.addi %add3A_600, %concatenate3A_604 : vector<32x2048xi32>
    %broadcast_in_dim3A_606 = arith.constant 0 : i32
    %broadcast_in_dim3A_607 = vector.broadcast %broadcast_in_dim3A_606 : i32 to vector<32x64xi32>
    %slice3A_608 = vector.extract_strided_slice %add3A_605 {offsets = [0, 0], sizes = [32, 1984], strides = [1, 1]} : vector<32x2048xi32> to vector<32x1984xi32>
    %concatenate3A_609 = tpu.concatenate %broadcast_in_dim3A_607, %slice3A_608 in 1 : vector<32x64xi32>, vector<32x1984xi32> -> vector<32x2048xi32>
    %add3A_610 = arith.addi %add3A_605, %concatenate3A_609 : vector<32x2048xi32>
    %broadcast_in_dim3A_611 = arith.constant 0 : i32
    %broadcast_in_dim3A_612 = vector.broadcast %broadcast_in_dim3A_611 : i32 to vector<32x128xi32>
    %slice3A_613 = vector.extract_strided_slice %add3A_610 {offsets = [0, 0], sizes = [32, 1920], strides = [1, 1]} : vector<32x2048xi32> to vector<32x1920xi32>
    %concatenate3A_614 = tpu.concatenate %broadcast_in_dim3A_612, %slice3A_613 in 1 : vector<32x128xi32>, vector<32x1920xi32> -> vector<32x2048xi32>
    %add3A_615 = arith.addi %add3A_610, %concatenate3A_614 : vector<32x2048xi32>
    %broadcast_in_dim3A_616 = arith.constant 0 : i32
    %broadcast_in_dim3A_617 = vector.broadcast %broadcast_in_dim3A_616 : i32 to vector<32x256xi32>
    %slice3A_618 = vector.extract_strided_slice %add3A_615 {offsets = [0, 0], sizes = [32, 1792], strides = [1, 1]} : vector<32x2048xi32> to vector<32x1792xi32>
    %concatenate3A_619 = tpu.concatenate %broadcast_in_dim3A_617, %slice3A_618 in 1 : vector<32x256xi32>, vector<32x1792xi32> -> vector<32x2048xi32>
    %add3A_620 = arith.addi %add3A_615, %concatenate3A_619 : vector<32x2048xi32>
    %broadcast_in_dim3A_621 = arith.constant 0 : i32
    %broadcast_in_dim3A_622 = vector.broadcast %broadcast_in_dim3A_621 : i32 to vector<32x512xi32>
    %slice3A_623 = vector.extract_strided_slice %add3A_620 {offsets = [0, 0], sizes = [32, 1536], strides = [1, 1]} : vector<32x2048xi32> to vector<32x1536xi32>
    %concatenate3A_624 = tpu.concatenate %broadcast_in_dim3A_622, %slice3A_623 in 1 : vector<32x512xi32>, vector<32x1536xi32> -> vector<32x2048xi32>
    %add3A_625 = arith.addi %add3A_620, %concatenate3A_624 : vector<32x2048xi32>
    %broadcast_in_dim3A_626 = arith.constant 0 : i32
    %broadcast_in_dim3A_627 = vector.broadcast %broadcast_in_dim3A_626 : i32 to vector<32x1024xi32>
    %slice3A_628 = vector.extract_strided_slice %add3A_625 {offsets = [0, 0], sizes = [32, 1024], strides = [1, 1]} : vector<32x2048xi32> to vector<32x1024xi32>
    %concatenate3A_629 = tpu.concatenate %broadcast_in_dim3A_627, %slice3A_628 in 1 : vector<32x1024xi32>, vector<32x1024xi32> -> vector<32x2048xi32>
    %add3A_630 = arith.addi %add3A_625, %concatenate3A_629 : vector<32x2048xi32>
    %lt3A_631 = vector.broadcast %select_n3A_558 : vector<32x1xi32> to vector<32x2048xi32>
    %lt3A_632 = arith.cmpi slt, %select_n3A, %lt3A_631 : vector<32x2048xi32>
    %le3A_633 = vector.broadcast %sub3A_571 : vector<32x1xi32> to vector<32x2048xi32>
    %le3A_634 = arith.cmpi sle, %add3A_630, %le3A_633 : vector<32x2048xi32>
    %and3A_635 = arith.andi %and3A_577, %le3A_634 : vector<32x2048xi1>
    %or3A_636 = arith.ori %lt3A_632, %and3A_635 : vector<32x2048xi1>
    %convert_element_type3A_637 = arith.extui %or3A_636 : vector<32x2048xi1> to vector<32x2048xi32>
    %broadcast_in_dim3A_638 = arith.constant 0 : i32
    %broadcast_in_dim3A_639 = vector.broadcast %broadcast_in_dim3A_638 : i32 to vector<32x1xi32>
    %slice3A_640 = vector.extract_strided_slice %convert_element_type3A_637 {offsets = [0, 0], sizes = [32, 2047], strides = [1, 1]} : vector<32x2048xi32> to vector<32x2047xi32>
    %concatenate3A_641 = tpu.concatenate %broadcast_in_dim3A_639, %slice3A_640 in 1 : vector<32x1xi32>, vector<32x2047xi32> -> vector<32x2048xi32>
    %add3A_642 = arith.addi %convert_element_type3A_637, %concatenate3A_641 : vector<32x2048xi32>
    %broadcast_in_dim3A_643 = arith.constant 0 : i32
    %broadcast_in_dim3A_644 = vector.broadcast %broadcast_in_dim3A_643 : i32 to vector<32x2xi32>
    %slice3A_645 = vector.extract_strided_slice %add3A_642 {offsets = [0, 0], sizes = [32, 2046], strides = [1, 1]} : vector<32x2048xi32> to vector<32x2046xi32>
    %concatenate3A_646 = tpu.concatenate %broadcast_in_dim3A_644, %slice3A_645 in 1 : vector<32x2xi32>, vector<32x2046xi32> -> vector<32x2048xi32>
    %add3A_647 = arith.addi %add3A_642, %concatenate3A_646 : vector<32x2048xi32>
    %broadcast_in_dim3A_648 = arith.constant 0 : i32
    %broadcast_in_dim3A_649 = vector.broadcast %broadcast_in_dim3A_648 : i32 to vector<32x4xi32>
    %slice3A_650 = vector.extract_strided_slice %add3A_647 {offsets = [0, 0], sizes = [32, 2044], strides = [1, 1]} : vector<32x2048xi32> to vector<32x2044xi32>
    %concatenate3A_651 = tpu.concatenate %broadcast_in_dim3A_649, %slice3A_650 in 1 : vector<32x4xi32>, vector<32x2044xi32> -> vector<32x2048xi32>
    %add3A_652 = arith.addi %add3A_647, %concatenate3A_651 : vector<32x2048xi32>
    %broadcast_in_dim3A_653 = arith.constant 0 : i32
    %broadcast_in_dim3A_654 = vector.broadcast %broadcast_in_dim3A_653 : i32 to vector<32x8xi32>
    %slice3A_655 = vector.extract_strided_slice %add3A_652 {offsets = [0, 0], sizes = [32, 2040], strides = [1, 1]} : vector<32x2048xi32> to vector<32x2040xi32>
    %concatenate3A_656 = tpu.concatenate %broadcast_in_dim3A_654, %slice3A_655 in 1 : vector<32x8xi32>, vector<32x2040xi32> -> vector<32x2048xi32>
    %add3A_657 = arith.addi %add3A_652, %concatenate3A_656 : vector<32x2048xi32>
    %broadcast_in_dim3A_658 = arith.constant 0 : i32
    %broadcast_in_dim3A_659 = vector.broadcast %broadcast_in_dim3A_658 : i32 to vector<32x16xi32>
    %slice3A_660 = vector.extract_strided_slice %add3A_657 {offsets = [0, 0], sizes = [32, 2032], strides = [1, 1]} : vector<32x2048xi32> to vector<32x2032xi32>
    %concatenate3A_661 = tpu.concatenate %broadcast_in_dim3A_659, %slice3A_660 in 1 : vector<32x16xi32>, vector<32x2032xi32> -> vector<32x2048xi32>
    %add3A_662 = arith.addi %add3A_657, %concatenate3A_661 : vector<32x2048xi32>
    %broadcast_in_dim3A_663 = arith.constant 0 : i32
    %broadcast_in_dim3A_664 = vector.broadcast %broadcast_in_dim3A_663 : i32 to vector<32x32xi32>
    %slice3A_665 = vector.extract_strided_slice %add3A_662 {offsets = [0, 0], sizes = [32, 2016], strides = [1, 1]} : vector<32x2048xi32> to vector<32x2016xi32>
    %concatenate3A_666 = tpu.concatenate %broadcast_in_dim3A_664, %slice3A_665 in 1 : vector<32x32xi32>, vector<32x2016xi32> -> vector<32x2048xi32>
    %add3A_667 = arith.addi %add3A_662, %concatenate3A_666 : vector<32x2048xi32>
    %broadcast_in_dim3A_668 = arith.constant 0 : i32
    %broadcast_in_dim3A_669 = vector.broadcast %broadcast_in_dim3A_668 : i32 to vector<32x64xi32>
    %slice3A_670 = vector.extract_strided_slice %add3A_667 {offsets = [0, 0], sizes = [32, 1984], strides = [1, 1]} : vector<32x2048xi32> to vector<32x1984xi32>
    %concatenate3A_671 = tpu.concatenate %broadcast_in_dim3A_669, %slice3A_670 in 1 : vector<32x64xi32>, vector<32x1984xi32> -> vector<32x2048xi32>
    %add3A_672 = arith.addi %add3A_667, %concatenate3A_671 : vector<32x2048xi32>
    %broadcast_in_dim3A_673 = arith.constant 0 : i32
    %broadcast_in_dim3A_674 = vector.broadcast %broadcast_in_dim3A_673 : i32 to vector<32x128xi32>
    %slice3A_675 = vector.extract_strided_slice %add3A_672 {offsets = [0, 0], sizes = [32, 1920], strides = [1, 1]} : vector<32x2048xi32> to vector<32x1920xi32>
    %concatenate3A_676 = tpu.concatenate %broadcast_in_dim3A_674, %slice3A_675 in 1 : vector<32x128xi32>, vector<32x1920xi32> -> vector<32x2048xi32>
    %add3A_677 = arith.addi %add3A_672, %concatenate3A_676 : vector<32x2048xi32>
    %broadcast_in_dim3A_678 = arith.constant 0 : i32
    %broadcast_in_dim3A_679 = vector.broadcast %broadcast_in_dim3A_678 : i32 to vector<32x256xi32>
    %slice3A_680 = vector.extract_strided_slice %add3A_677 {offsets = [0, 0], sizes = [32, 1792], strides = [1, 1]} : vector<32x2048xi32> to vector<32x1792xi32>
    %concatenate3A_681 = tpu.concatenate %broadcast_in_dim3A_679, %slice3A_680 in 1 : vector<32x256xi32>, vector<32x1792xi32> -> vector<32x2048xi32>
    %add3A_682 = arith.addi %add3A_677, %concatenate3A_681 : vector<32x2048xi32>
    %broadcast_in_dim3A_683 = arith.constant 0 : i32
    %broadcast_in_dim3A_684 = vector.broadcast %broadcast_in_dim3A_683 : i32 to vector<32x512xi32>
    %slice3A_685 = vector.extract_strided_slice %add3A_682 {offsets = [0, 0], sizes = [32, 1536], strides = [1, 1]} : vector<32x2048xi32> to vector<32x1536xi32>
    %concatenate3A_686 = tpu.concatenate %broadcast_in_dim3A_684, %slice3A_685 in 1 : vector<32x512xi32>, vector<32x1536xi32> -> vector<32x2048xi32>
    %add3A_687 = arith.addi %add3A_682, %concatenate3A_686 : vector<32x2048xi32>
    %broadcast_in_dim3A_688 = arith.constant 0 : i32
    %broadcast_in_dim3A_689 = vector.broadcast %broadcast_in_dim3A_688 : i32 to vector<32x1024xi32>
    %slice3A_690 = vector.extract_strided_slice %add3A_687 {offsets = [0, 0], sizes = [32, 1024], strides = [1, 1]} : vector<32x2048xi32> to vector<32x1024xi32>
    %concatenate3A_691 = tpu.concatenate %broadcast_in_dim3A_689, %slice3A_690 in 1 : vector<32x1024xi32>, vector<32x1024xi32> -> vector<32x2048xi32>
    %add3A_692 = arith.addi %add3A_687, %concatenate3A_691 : vector<32x2048xi32>
    %sub3A_693 = arith.constant 1 : i32
    %sub3A_694 = vector.broadcast %sub3A_693 : i32 to vector<32x2048xi32>
    %sub3A_695 = arith.subi %add3A_692, %sub3A_694 : vector<32x2048xi32>
    %jit3A_696 = arith.constant -1 : i32
    %broadcast_in_dim3A_697 = vector.broadcast %jit3A_696 : i32 to vector<32x2048xi32>
    %select_n3A_698 = arith.select %or3A_636, %sub3A_695, %broadcast_in_dim3A_697 : vector<32x2048xi1>, vector<32x2048xi32>
    %swap3A = arith.constant 0 : index
    %swap3A_699 = arith.constant 0 : index
    %swap3A_700 = vector.load %arg5[%swap3A, %swap3A_699] : memref<32x2048xi32, #tpu.memory_space<vmem>>, vector<32x2048xi32>
    tpu.vector_store %arg5[%swap3A, %swap3A_699], %select_n3A_698 {strides = array<i32>} : memref<32x2048xi32, #tpu.memory_space<vmem>>, vector<32x2048xi32>,
    %slice3A_701 = vector.extract_strided_slice %add3A_692 {offsets = [0, 2047], sizes = [32, 1], strides = [1, 1]} : vector<32x2048xi32> to vector<32x1xi32>
    %broadcast_in_dim3A_702 = vector.shape_cast %slice3A_701 : vector<32x1xi32> to vector<32x1xi32>
    %broadcast_in_dim3A_703 = vector.broadcast %broadcast_in_dim3A_702 : vector<32x1xi32> to vector<32x128xi32>
    %swap3A_704 = arith.constant 0 : index
    %swap3A_705 = arith.constant 0 : index
    %swap3A_706 = vector.load %arg6[%swap3A_704, %swap3A_705] : memref<32x128xi32, #tpu.memory_space<vmem>>, vector<32x128xi32>
    tpu.vector_store %arg6[%swap3A_704, %swap3A_705], %broadcast_in_dim3A_703 {strides = array<i32>} : memref<32x128xi32, #tpu.memory_space<vmem>>, vector<32x128xi32>,
    return
  }
  func.func @transform_0(%arg0: i32) -> (i32, i32) {
    %c0_i32 = arith.constant 0 : i32
    %c0_i32_0 = arith.constant 0 : i32
    return %arg0, %c0_i32 : i32, i32
  }
  func.func @transform_1(%arg0: i32) -> (i32, i32) {
    %c0_i32 = arith.constant 0 : i32
    %c0_i32_0 = arith.constant 0 : i32
    %c0_i32_1 = arith.constant 0 : i32
    return %c0_i32, %c0_i32_0 : i32, i32
  }
  func.func @transform_2(%arg0: i32) -> (i32, i32) {
    %c0_i32 = arith.constant 0 : i32
    %c0_i32_0 = arith.constant 0 : i32
    %c0_i32_1 = arith.constant 0 : i32
    return %c0_i32, %c0_i32_0 : i32, i32
  }
  func.func @transform_3(%arg0: i32) -> (i32, i32) {
    %c0_i32 = arith.constant 0 : i32
    %c0_i32_0 = arith.constant 0 : i32
    %c0_i32_1 = arith.constant 0 : i32
    return %c0_i32, %c0_i32_0 : i32, i32
  }
  func.func @transform_4(%arg0: i32) -> (i32, i32) {
    %c0_i32 = arith.constant 0 : i32
    %c0_i32_0 = arith.constant 0 : i32
    return %arg0, %c0_i32 : i32, i32
  }
  func.func @transform_5(%arg0: i32) -> (i32, i32) {
    %c0_i32 = arith.constant 0 : i32
    %c0_i32_0 = arith.constant 0 : i32
    return %arg0, %c0_i32 : i32, i32
  }
}

module attributes {stable_mosaic.version = 14 : i64} {
  func.func @_pair_body(%arg0: i32, %arg1: memref<512x128xf32, #tpu.memory_space<vmem>>, %arg2: memref<8x128xf32, #tpu.memory_space<vmem>>, %arg3: memref<8x128xi32, #tpu.memory_space<vmem>>, %arg4: memref<1x128xf32, #tpu.memory_space<vmem>>, %arg5: memref<1x128xf32, #tpu.memory_space<vmem>>, %arg6: memref<128x128xf32, #tpu.memory_space<vmem>>, %arg7: memref<1x128xf32, #tpu.memory_space<vmem>>, %arg8: memref<1x128xf32, #tpu.memory_space<vmem>>, %arg9: memref<1x128xf32, #tpu.memory_space<vmem>>, %arg10: memref<128x256xf32, #tpu.memory_space<vmem>>, %arg11: memref<1x256xf32, #tpu.memory_space<vmem>>, %arg12: memref<8x256xf32, #tpu.memory_space<vmem>>) attributes {dimension_semantics = [#tpu.dimension_semantics<arbitrary>], iteration_bounds = array<i64: 208>, scalar_prefetch = 0 : i64, scratch_operands = 0 : i64, tpu.core_type = #tpu.core_type<tc>, window_params = [{transform_indices = @transform_0, window_bounds = array<i64: 512, 128>}, {transform_indices = @transform_1, window_bounds = array<i64: 8, 128>}, {transform_indices = @transform_2, window_bounds = array<i64: 8, 128>}, {pipeline_mode = #tpu.pipeline_mode<synchronous>, transform_indices = @transform_3, window_bounds = array<i64: 1, 128>}, {pipeline_mode = #tpu.pipeline_mode<synchronous>, transform_indices = @transform_4, window_bounds = array<i64: 1, 128>}, {pipeline_mode = #tpu.pipeline_mode<synchronous>, transform_indices = @transform_5, window_bounds = array<i64: 128, 128>}, {pipeline_mode = #tpu.pipeline_mode<synchronous>, transform_indices = @transform_6, window_bounds = array<i64: 1, 128>}, {pipeline_mode = #tpu.pipeline_mode<synchronous>, transform_indices = @transform_7, window_bounds = array<i64: 1, 128>}, {pipeline_mode = #tpu.pipeline_mode<synchronous>, transform_indices = @transform_8, window_bounds = array<i64: 1, 128>}, {pipeline_mode = #tpu.pipeline_mode<synchronous>, transform_indices = @transform_9, window_bounds = array<i64: 128, 256>}, {pipeline_mode = #tpu.pipeline_mode<synchronous>, transform_indices = @transform_10, window_bounds = array<i64: 1, 256>}, {transform_indices = @transform_11, window_bounds = array<i64: 8, 256>}]} {
    %get3A = arith.constant 0 : index
    %get3A_0 = arith.constant 0 : index
    %get3A_1 = vector.load %arg1[%get3A, %get3A_0] : memref<512x128xf32, #tpu.memory_space<vmem>>, vector<512x128xf32>
    %get3A_2 = arith.constant 0 : index
    %get3A_3 = arith.constant 0 : index
    %get3A_4 = vector.load %arg2[%get3A_2, %get3A_3] : memref<8x128xf32, #tpu.memory_space<vmem>>, vector<8x128xf32>
    %broadcast_in_dim3A = vector.shape_cast %get3A_4 : vector<8x128xf32> to vector<8x1x128xf32>
    %broadcast_in_dim3A_5 = vector.shape_cast %broadcast_in_dim3A : vector<8x1x128xf32> to vector<8x1x128xf32>
    %broadcast_in_dim3A_6 = vector.broadcast %broadcast_in_dim3A_5 : vector<8x1x128xf32> to vector<8x64x128xf32>
    %reshape3A = vector.shape_cast %broadcast_in_dim3A_6 : vector<8x64x128xf32> to vector<512x128xf32>
    %sub3A = arith.subf %get3A_1, %reshape3A : vector<512x128xf32>
    %get3A_7 = arith.constant 0 : index
    %get3A_8 = arith.constant 0 : index
    %get3A_9 = vector.load %arg4[%get3A_7, %get3A_8] : memref<1x128xf32, #tpu.memory_space<vmem>>, vector<1x128xf32>
    %mul3A = arith.constant 0.999994993 : f32
    %mul3A_10 = vector.broadcast %mul3A : f32 to vector<1x128xf32>
    %mul3A_11 = arith.mulf %get3A_9, %mul3A_10 : vector<1x128xf32>
    %mul3A_12 = vector.broadcast %mul3A_11 : vector<1x128xf32> to vector<512x128xf32>
    %mul3A_13 = arith.mulf %sub3A, %mul3A_12 : vector<512x128xf32>
    %get3A_14 = arith.constant 0 : index
    %get3A_15 = arith.constant 0 : index
    %get3A_16 = vector.load %arg5[%get3A_14, %get3A_15] : memref<1x128xf32, #tpu.memory_space<vmem>>, vector<1x128xf32>
    %add3A = vector.broadcast %get3A_16 : vector<1x128xf32> to vector<512x128xf32>
    %add3A_17 = arith.addf %mul3A_13, %add3A : vector<512x128xf32>
    %max3A = arith.constant 0.000000e+00 : f32
    %max3A_18 = vector.broadcast %max3A : f32 to vector<512x128xf32>
    %max3A_19 = arith.maximumf %add3A_17, %max3A_18 : vector<512x128xf32>
    %get3A_20 = arith.constant 0 : index
    %get3A_21 = arith.constant 0 : index
    %get3A_22 = vector.load %arg6[%get3A_20, %get3A_21] : memref<128x128xf32, #tpu.memory_space<vmem>>, vector<128x128xf32>
    %dot_general3A = arith.constant dense<0.000000e+00> : vector<512x128xf32>
    %dot_general3A_23 = tpu.matmul %max3A_19, %get3A_22, %dot_general3A {dimension_numbers = #tpu.dot_dimension_numbers<[1], [0], [0], [1], [0, 0, 1, 1], [], []>, transpose_lhs_hint = false} : vector<512x128xf32>, vector<128x128xf32>, vector<512x128xf32> -> vector<512x128xf32>
    %get3A_24 = arith.constant 0 : index
    %get3A_25 = arith.constant 0 : index
    %get3A_26 = vector.load %arg7[%get3A_24, %get3A_25] : memref<1x128xf32, #tpu.memory_space<vmem>>, vector<1x128xf32>
    %add3A_27 = vector.broadcast %get3A_26 : vector<1x128xf32> to vector<512x128xf32>
    %add3A_28 = arith.addf %dot_general3A_23, %add3A_27 : vector<512x128xf32>
    %get3A_29 = arith.constant 0 : index
    %get3A_30 = arith.constant 0 : index
    %get3A_31 = vector.load %arg8[%get3A_29, %get3A_30] : memref<1x128xf32, #tpu.memory_space<vmem>>, vector<1x128xf32>
    %mul3A_32 = arith.constant 0.999994993 : f32
    %mul3A_33 = vector.broadcast %mul3A_32 : f32 to vector<1x128xf32>
    %mul3A_34 = arith.mulf %get3A_31, %mul3A_33 : vector<1x128xf32>
    %mul3A_35 = vector.broadcast %mul3A_34 : vector<1x128xf32> to vector<512x128xf32>
    %mul3A_36 = arith.mulf %add3A_28, %mul3A_35 : vector<512x128xf32>
    %get3A_37 = arith.constant 0 : index
    %get3A_38 = arith.constant 0 : index
    %get3A_39 = vector.load %arg9[%get3A_37, %get3A_38] : memref<1x128xf32, #tpu.memory_space<vmem>>, vector<1x128xf32>
    %add3A_40 = vector.broadcast %get3A_39 : vector<1x128xf32> to vector<512x128xf32>
    %add3A_41 = arith.addf %mul3A_36, %add3A_40 : vector<512x128xf32>
    %max3A_42 = arith.constant 0.000000e+00 : f32
    %max3A_43 = vector.broadcast %max3A_42 : f32 to vector<512x128xf32>
    %max3A_44 = arith.maximumf %add3A_41, %max3A_43 : vector<512x128xf32>
    %get3A_45 = arith.constant 0 : index
    %get3A_46 = arith.constant 0 : index
    %get3A_47 = vector.load %arg10[%get3A_45, %get3A_46] : memref<128x256xf32, #tpu.memory_space<vmem>>, vector<128x256xf32>
    %dot_general3A_48 = arith.constant dense<0.000000e+00> : vector<512x256xf32>
    %dot_general3A_49 = tpu.matmul %max3A_44, %get3A_47, %dot_general3A_48 {dimension_numbers = #tpu.dot_dimension_numbers<[1], [0], [0], [1], [0, 0, 1, 1], [], []>, transpose_lhs_hint = false} : vector<512x128xf32>, vector<128x256xf32>, vector<512x256xf32> -> vector<512x256xf32>
    %get3A_50 = arith.constant 0 : index
    %get3A_51 = arith.constant 0 : index
    %get3A_52 = vector.load %arg11[%get3A_50, %get3A_51] : memref<1x256xf32, #tpu.memory_space<vmem>>, vector<1x256xf32>
    %add3A_53 = vector.broadcast %get3A_52 : vector<1x256xf32> to vector<512x256xf32>
    %add3A_54 = arith.addf %dot_general3A_49, %add3A_53 : vector<512x256xf32>
    %reshape3A_55 = vector.shape_cast %add3A_54 : vector<512x256xf32> to vector<8x64x256xf32>
    %iota3A = tpu.iota {dimensions = array<i32: 1>} : vector<8x64x1xi32>
    %get3A_56 = arith.constant 0 : index
    %get3A_57 = arith.constant 0 : index
    %get3A_58 = vector.load %arg3[%get3A_56, %get3A_57] : memref<8x128xi32, #tpu.memory_space<vmem>>, vector<8x1xi32>
    %reshape3A_59 = vector.shape_cast %get3A_58 : vector<8x1xi32> to vector<8x1x1xi32>
    %lt3A = vector.broadcast %reshape3A_59 : vector<8x1x1xi32> to vector<8x64x1xi32>
    %lt3A_60 = arith.cmpi slt, %iota3A, %lt3A : vector<8x64x1xi32>
    %jit3A = arith.constant 0xFF800000 : f32
    %broadcast_in_dim3A_61 = vector.shape_cast %lt3A_60 : vector<8x64x1xi1> to vector<8x64x1xi1>
    %broadcast_in_dim3A_62 = vector.broadcast %broadcast_in_dim3A_61 : vector<8x64x1xi1> to vector<8x64x256xi1>
    %broadcast_in_dim3A_63 = vector.broadcast %jit3A : f32 to vector<8x64x256xf32>
    %select_n3A = arith.select %broadcast_in_dim3A_62, %reshape3A_55, %broadcast_in_dim3A_63 : vector<8x64x256xi1>, vector<8x64x256xf32>
    %reduce_max3A = arith.constant dense<0xFF800000> : vector<8x256xf32>
    %reduce_max3A_64 = vector.multi_reduction <maximumf>, %select_n3A, %reduce_max3A [1] : vector<8x64x256xf32> to vector<8x256xf32>
    %eq3A = arith.constant 0xFF800000 : f32
    %eq3A_65 = vector.broadcast %eq3A : f32 to vector<8x256xf32>
    %eq3A_66 = arith.cmpf oeq, %reduce_max3A_64, %eq3A_65 : vector<8x256xf32>
    %jit3A_67 = arith.constant 0.000000e+00 : f32
    %broadcast_in_dim3A_68 = vector.broadcast %jit3A_67 : f32 to vector<8x256xf32>
    %select_n3A_69 = arith.select %eq3A_66, %broadcast_in_dim3A_68, %reduce_max3A_64 : vector<8x256xi1>, vector<8x256xf32>
    %swap3A = arith.constant 0 : index
    %swap3A_70 = arith.constant 0 : index
    %swap3A_71 = vector.load %arg12[%swap3A, %swap3A_70] : memref<8x256xf32, #tpu.memory_space<vmem>>, vector<8x256xf32>
    tpu.vector_store %arg12[%swap3A, %swap3A_70], %select_n3A_69 {strides = array<i32>} : memref<8x256xf32, #tpu.memory_space<vmem>>, vector<8x256xf32>,
    return
  }
  func.func @transform_0(%arg0: i32) -> (i32, i32) {
    %c0_i32 = arith.constant 0 : i32
    %c0_i32_0 = arith.constant 0 : i32
    return %arg0, %c0_i32 : i32, i32
  }
  func.func @transform_1(%arg0: i32) -> (i32, i32) {
    %c0_i32 = arith.constant 0 : i32
    %c0_i32_0 = arith.constant 0 : i32
    return %arg0, %c0_i32 : i32, i32
  }
  func.func @transform_2(%arg0: i32) -> (i32, i32) {
    %c0_i32 = arith.constant 0 : i32
    %c0_i32_0 = arith.constant 0 : i32
    return %arg0, %c0_i32 : i32, i32
  }
  func.func @transform_3(%arg0: i32) -> (i32, i32) {
    %c0_i32 = arith.constant 0 : i32
    %c0_i32_0 = arith.constant 0 : i32
    %c0_i32_1 = arith.constant 0 : i32
    return %c0_i32, %c0_i32_0 : i32, i32
  }
  func.func @transform_4(%arg0: i32) -> (i32, i32) {
    %c0_i32 = arith.constant 0 : i32
    %c0_i32_0 = arith.constant 0 : i32
    %c0_i32_1 = arith.constant 0 : i32
    return %c0_i32, %c0_i32_0 : i32, i32
  }
  func.func @transform_5(%arg0: i32) -> (i32, i32) {
    %c0_i32 = arith.constant 0 : i32
    %c0_i32_0 = arith.constant 0 : i32
    %c0_i32_1 = arith.constant 0 : i32
    return %c0_i32, %c0_i32_0 : i32, i32
  }
  func.func @transform_6(%arg0: i32) -> (i32, i32) {
    %c0_i32 = arith.constant 0 : i32
    %c0_i32_0 = arith.constant 0 : i32
    %c0_i32_1 = arith.constant 0 : i32
    return %c0_i32, %c0_i32_0 : i32, i32
  }
  func.func @transform_7(%arg0: i32) -> (i32, i32) {
    %c0_i32 = arith.constant 0 : i32
    %c0_i32_0 = arith.constant 0 : i32
    %c0_i32_1 = arith.constant 0 : i32
    return %c0_i32, %c0_i32_0 : i32, i32
  }
  func.func @transform_8(%arg0: i32) -> (i32, i32) {
    %c0_i32 = arith.constant 0 : i32
    %c0_i32_0 = arith.constant 0 : i32
    %c0_i32_1 = arith.constant 0 : i32
    return %c0_i32, %c0_i32_0 : i32, i32
  }
  func.func @transform_9(%arg0: i32) -> (i32, i32) {
    %c0_i32 = arith.constant 0 : i32
    %c0_i32_0 = arith.constant 0 : i32
    %c0_i32_1 = arith.constant 0 : i32
    return %c0_i32, %c0_i32_0 : i32, i32
  }
  func.func @transform_10(%arg0: i32) -> (i32, i32) {
    %c0_i32 = arith.constant 0 : i32
    %c0_i32_0 = arith.constant 0 : i32
    %c0_i32_1 = arith.constant 0 : i32
    return %c0_i32, %c0_i32_0 : i32, i32
  }
  func.func @transform_11(%arg0: i32) -> (i32, i32) {
    %c0_i32 = arith.constant 0 : i32
    %c0_i32_0 = arith.constant 0 : i32
    return %arg0, %c0_i32 : i32, i32
  }
}

module attributes {stable_mosaic.version = 14 : i64} {
  func.func @_a2_body(%arg0: memref<2048x256xf32, #tpu.memory_space<vmem>>, %arg1: memref<256x256xf32, #tpu.memory_space<vmem>>, %arg2: memref<1x256xf32, #tpu.memory_space<vmem>>, %arg3: memref<2048x128xf32, #tpu.memory_space<vmem>>, %arg4: memref<3x256xf32, #tpu.memory_space<vmem>>, %arg5: memref<416x128xf32, #tpu.memory_space<vmem>>, %arg6: memref<2048x256xf32, #tpu.memory_space<vmem>>, %arg7: memref<416x256xf32, #tpu.memory_space<vmem>>) attributes {dimension_semantics = [], scalar_prefetch = 0 : i64, scratch_operands = 0 : i64, tpu.core_type = #tpu.core_type<tc>} {
    %get3A = arith.constant 0 : index
    %get3A_0 = arith.constant 0 : index
    %get3A_1 = vector.load %arg0[%get3A, %get3A_0] : memref<2048x256xf32, #tpu.memory_space<vmem>>, vector<2048x256xf32>
    %get3A_2 = arith.constant 0 : index
    %get3A_3 = arith.constant 0 : index
    %get3A_4 = vector.load %arg1[%get3A_2, %get3A_3] : memref<256x256xf32, #tpu.memory_space<vmem>>, vector<256x256xf32>
    %dot_general3A = arith.constant dense<0.000000e+00> : vector<2048x256xf32>
    %dot_general3A_5 = tpu.matmul %get3A_1, %get3A_4, %dot_general3A {dimension_numbers = #tpu.dot_dimension_numbers<[1], [0], [0], [1], [0, 0, 1, 1], [], []>, transpose_lhs_hint = false} : vector<2048x256xf32>, vector<256x256xf32>, vector<2048x256xf32> -> vector<2048x256xf32>
    %get3A_6 = arith.constant 0 : index
    %get3A_7 = arith.constant 0 : index
    %get3A_8 = vector.load %arg3[%get3A_6, %get3A_7] : memref<2048x128xf32, #tpu.memory_space<vmem>>, vector<2048x1xf32>
    %get3A_9 = arith.constant 0 : index
    %get3A_10 = arith.constant 0 : index
    %get3A_11 = vector.load %arg4[%get3A_9, %get3A_10] : memref<3x256xf32, #tpu.memory_space<vmem>>, vector<1x256xf32>
    %mul3A = vector.broadcast %get3A_8 : vector<2048x1xf32> to vector<2048x256xf32>
    %mul3A_12 = vector.broadcast %get3A_11 : vector<1x256xf32> to vector<2048x256xf32>
    %mul3A_13 = arith.mulf %mul3A, %mul3A_12 : vector<2048x256xf32>
    %add3A = arith.addf %dot_general3A_5, %mul3A_13 : vector<2048x256xf32>
    %get3A_14 = arith.constant 0 : index
    %get3A_15 = arith.constant 1 : index
    %get3A_16 = vector.load %arg3[%get3A_14, %get3A_15] : memref<2048x128xf32, #tpu.memory_space<vmem>>, vector<2048x1xf32>
    %get3A_17 = arith.constant 1 : index
    %get3A_18 = arith.constant 0 : index
    %get3A_19 = vector.load %arg4[%get3A_17, %get3A_18] : memref<3x256xf32, #tpu.memory_space<vmem>>, vector<1x256xf32>
    %mul3A_20 = vector.broadcast %get3A_16 : vector<2048x1xf32> to vector<2048x256xf32>
    %mul3A_21 = vector.broadcast %get3A_19 : vector<1x256xf32> to vector<2048x256xf32>
    %mul3A_22 = arith.mulf %mul3A_20, %mul3A_21 : vector<2048x256xf32>
    %add3A_23 = arith.addf %add3A, %mul3A_22 : vector<2048x256xf32>
    %get3A_24 = arith.constant 0 : index
    %get3A_25 = arith.constant 2 : index
    %get3A_26 = vector.load %arg3[%get3A_24, %get3A_25] : memref<2048x128xf32, #tpu.memory_space<vmem>>, vector<2048x1xf32>
    %get3A_27 = arith.constant 2 : index
    %get3A_28 = arith.constant 0 : index
    %get3A_29 = vector.load %arg4[%get3A_27, %get3A_28] : memref<3x256xf32, #tpu.memory_space<vmem>>, vector<1x256xf32>
    %mul3A_30 = vector.broadcast %get3A_26 : vector<2048x1xf32> to vector<2048x256xf32>
    %mul3A_31 = vector.broadcast %get3A_29 : vector<1x256xf32> to vector<2048x256xf32>
    %mul3A_32 = arith.mulf %mul3A_30, %mul3A_31 : vector<2048x256xf32>
    %add3A_33 = arith.addf %add3A_23, %mul3A_32 : vector<2048x256xf32>
    %get3A_34 = arith.constant 0 : index
    %get3A_35 = arith.constant 0 : index
    %get3A_36 = vector.load %arg2[%get3A_34, %get3A_35] : memref<1x256xf32, #tpu.memory_space<vmem>>, vector<1x256xf32>
    %add3A_37 = vector.broadcast %get3A_36 : vector<1x256xf32> to vector<2048x256xf32>
    %add3A_38 = arith.addf %add3A_33, %add3A_37 : vector<2048x256xf32>
    %swap3A = arith.constant 0 : index
    %swap3A_39 = arith.constant 0 : index
    %swap3A_40 = vector.load %arg6[%swap3A, %swap3A_39] : memref<2048x256xf32, #tpu.memory_space<vmem>>, vector<2048x256xf32>
    tpu.vector_store %arg6[%swap3A, %swap3A_39], %add3A_38 {strides = array<i32>} : memref<2048x256xf32, #tpu.memory_space<vmem>>, vector<2048x256xf32>,
    %get3A_41 = arith.constant 0 : index
    %get3A_42 = arith.constant 0 : index
    %get3A_43 = vector.load %arg5[%get3A_41, %get3A_42] : memref<416x128xf32, #tpu.memory_space<vmem>>, vector<416x1xf32>
    %get3A_44 = arith.constant 0 : index
    %get3A_45 = arith.constant 0 : index
    %get3A_46 = vector.load %arg4[%get3A_44, %get3A_45] : memref<3x256xf32, #tpu.memory_space<vmem>>, vector<1x256xf32>
    %mul3A_47 = vector.broadcast %get3A_43 : vector<416x1xf32> to vector<416x256xf32>
    %mul3A_48 = vector.broadcast %get3A_46 : vector<1x256xf32> to vector<416x256xf32>
    %mul3A_49 = arith.mulf %mul3A_47, %mul3A_48 : vector<416x256xf32>
    %get3A_50 = arith.constant 0 : index
    %get3A_51 = arith.constant 1 : index
    %get3A_52 = vector.load %arg5[%get3A_50, %get3A_51] : memref<416x128xf32, #tpu.memory_space<vmem>>, vector<416x1xf32>
    %get3A_53 = arith.constant 1 : index
    %get3A_54 = arith.constant 0 : index
    %get3A_55 = vector.load %arg4[%get3A_53, %get3A_54] : memref<3x256xf32, #tpu.memory_space<vmem>>, vector<1x256xf32>
    %mul3A_56 = vector.broadcast %get3A_52 : vector<416x1xf32> to vector<416x256xf32>
    %mul3A_57 = vector.broadcast %get3A_55 : vector<1x256xf32> to vector<416x256xf32>
    %mul3A_58 = arith.mulf %mul3A_56, %mul3A_57 : vector<416x256xf32>
    %add3A_59 = arith.addf %mul3A_49, %mul3A_58 : vector<416x256xf32>
    %get3A_60 = arith.constant 0 : index
    %get3A_61 = arith.constant 2 : index
    %get3A_62 = vector.load %arg5[%get3A_60, %get3A_61] : memref<416x128xf32, #tpu.memory_space<vmem>>, vector<416x1xf32>
    %get3A_63 = arith.constant 2 : index
    %get3A_64 = arith.constant 0 : index
    %get3A_65 = vector.load %arg4[%get3A_63, %get3A_64] : memref<3x256xf32, #tpu.memory_space<vmem>>, vector<1x256xf32>
    %mul3A_66 = vector.broadcast %get3A_62 : vector<416x1xf32> to vector<416x256xf32>
    %mul3A_67 = vector.broadcast %get3A_65 : vector<1x256xf32> to vector<416x256xf32>
    %mul3A_68 = arith.mulf %mul3A_66, %mul3A_67 : vector<416x256xf32>
    %add3A_69 = arith.addf %add3A_59, %mul3A_68 : vector<416x256xf32>
    %swap3A_70 = arith.constant 0 : index
    %swap3A_71 = arith.constant 0 : index
    %swap3A_72 = vector.load %arg7[%swap3A_70, %swap3A_71] : memref<416x256xf32, #tpu.memory_space<vmem>>, vector<416x256xf32>
    tpu.vector_store %arg7[%swap3A_70, %swap3A_71], %add3A_69 {strides = array<i32>} : memref<416x256xf32, #tpu.memory_space<vmem>>, vector<416x256xf32>,
    return
  }
}

module attributes {stable_mosaic.version = 14 : i64} {
  func.func @_pair_body(%arg0: i32, %arg1: memref<512x256xf32, #tpu.memory_space<vmem>>, %arg2: memref<8x256xf32, #tpu.memory_space<vmem>>, %arg3: memref<8x128xi32, #tpu.memory_space<vmem>>, %arg4: memref<1x256xf32, #tpu.memory_space<vmem>>, %arg5: memref<1x256xf32, #tpu.memory_space<vmem>>, %arg6: memref<256x256xf32, #tpu.memory_space<vmem>>, %arg7: memref<1x256xf32, #tpu.memory_space<vmem>>, %arg8: memref<1x256xf32, #tpu.memory_space<vmem>>, %arg9: memref<1x256xf32, #tpu.memory_space<vmem>>, %arg10: memref<256x512xf32, #tpu.memory_space<vmem>>, %arg11: memref<1x512xf32, #tpu.memory_space<vmem>>, %arg12: memref<8x512xf32, #tpu.memory_space<vmem>>) attributes {dimension_semantics = [#tpu.dimension_semantics<arbitrary>], iteration_bounds = array<i64: 52>, scalar_prefetch = 0 : i64, scratch_operands = 0 : i64, tpu.core_type = #tpu.core_type<tc>, window_params = [{transform_indices = @transform_0, window_bounds = array<i64: 512, 256>}, {transform_indices = @transform_1, window_bounds = array<i64: 8, 256>}, {transform_indices = @transform_2, window_bounds = array<i64: 8, 128>}, {pipeline_mode = #tpu.pipeline_mode<synchronous>, transform_indices = @transform_3, window_bounds = array<i64: 1, 256>}, {pipeline_mode = #tpu.pipeline_mode<synchronous>, transform_indices = @transform_4, window_bounds = array<i64: 1, 256>}, {pipeline_mode = #tpu.pipeline_mode<synchronous>, transform_indices = @transform_5, window_bounds = array<i64: 256, 256>}, {pipeline_mode = #tpu.pipeline_mode<synchronous>, transform_indices = @transform_6, window_bounds = array<i64: 1, 256>}, {pipeline_mode = #tpu.pipeline_mode<synchronous>, transform_indices = @transform_7, window_bounds = array<i64: 1, 256>}, {pipeline_mode = #tpu.pipeline_mode<synchronous>, transform_indices = @transform_8, window_bounds = array<i64: 1, 256>}, {pipeline_mode = #tpu.pipeline_mode<synchronous>, transform_indices = @transform_9, window_bounds = array<i64: 256, 512>}, {pipeline_mode = #tpu.pipeline_mode<synchronous>, transform_indices = @transform_10, window_bounds = array<i64: 1, 512>}, {transform_indices = @transform_11, window_bounds = array<i64: 8, 512>}]} {
    %get3A = arith.constant 0 : index
    %get3A_0 = arith.constant 0 : index
    %get3A_1 = vector.load %arg1[%get3A, %get3A_0] : memref<512x256xf32, #tpu.memory_space<vmem>>, vector<512x256xf32>
    %get3A_2 = arith.constant 0 : index
    %get3A_3 = arith.constant 0 : index
    %get3A_4 = vector.load %arg2[%get3A_2, %get3A_3] : memref<8x256xf32, #tpu.memory_space<vmem>>, vector<8x256xf32>
    %broadcast_in_dim3A = vector.shape_cast %get3A_4 : vector<8x256xf32> to vector<8x1x256xf32>
    %broadcast_in_dim3A_5 = vector.shape_cast %broadcast_in_dim3A : vector<8x1x256xf32> to vector<8x1x256xf32>
    %broadcast_in_dim3A_6 = vector.broadcast %broadcast_in_dim3A_5 : vector<8x1x256xf32> to vector<8x64x256xf32>
    %reshape3A = vector.shape_cast %broadcast_in_dim3A_6 : vector<8x64x256xf32> to vector<512x256xf32>
    %sub3A = arith.subf %get3A_1, %reshape3A : vector<512x256xf32>
    %get3A_7 = arith.constant 0 : index
    %get3A_8 = arith.constant 0 : index
    %get3A_9 = vector.load %arg4[%get3A_7, %get3A_8] : memref<1x256xf32, #tpu.memory_space<vmem>>, vector<1x256xf32>
    %mul3A = arith.constant 0.999994993 : f32
    %mul3A_10 = vector.broadcast %mul3A : f32 to vector<1x256xf32>
    %mul3A_11 = arith.mulf %get3A_9, %mul3A_10 : vector<1x256xf32>
    %mul3A_12 = vector.broadcast %mul3A_11 : vector<1x256xf32> to vector<512x256xf32>
    %mul3A_13 = arith.mulf %sub3A, %mul3A_12 : vector<512x256xf32>
    %get3A_14 = arith.constant 0 : index
    %get3A_15 = arith.constant 0 : index
    %get3A_16 = vector.load %arg5[%get3A_14, %get3A_15] : memref<1x256xf32, #tpu.memory_space<vmem>>, vector<1x256xf32>
    %add3A = vector.broadcast %get3A_16 : vector<1x256xf32> to vector<512x256xf32>
    %add3A_17 = arith.addf %mul3A_13, %add3A : vector<512x256xf32>
    %max3A = arith.constant 0.000000e+00 : f32
    %max3A_18 = vector.broadcast %max3A : f32 to vector<512x256xf32>
    %max3A_19 = arith.maximumf %add3A_17, %max3A_18 : vector<512x256xf32>
    %get3A_20 = arith.constant 0 : index
    %get3A_21 = arith.constant 0 : index
    %get3A_22 = vector.load %arg6[%get3A_20, %get3A_21] : memref<256x256xf32, #tpu.memory_space<vmem>>, vector<256x256xf32>
    %dot_general3A = arith.constant dense<0.000000e+00> : vector<512x256xf32>
    %dot_general3A_23 = tpu.matmul %max3A_19, %get3A_22, %dot_general3A {dimension_numbers = #tpu.dot_dimension_numbers<[1], [0], [0], [1], [0, 0, 1, 1], [], []>, transpose_lhs_hint = false} : vector<512x256xf32>, vector<256x256xf32>, vector<512x256xf32> -> vector<512x256xf32>
    %get3A_24 = arith.constant 0 : index
    %get3A_25 = arith.constant 0 : index
    %get3A_26 = vector.load %arg7[%get3A_24, %get3A_25] : memref<1x256xf32, #tpu.memory_space<vmem>>, vector<1x256xf32>
    %add3A_27 = vector.broadcast %get3A_26 : vector<1x256xf32> to vector<512x256xf32>
    %add3A_28 = arith.addf %dot_general3A_23, %add3A_27 : vector<512x256xf32>
    %get3A_29 = arith.constant 0 : index
    %get3A_30 = arith.constant 0 : index
    %get3A_31 = vector.load %arg8[%get3A_29, %get3A_30] : memref<1x256xf32, #tpu.memory_space<vmem>>, vector<1x256xf32>
    %mul3A_32 = arith.constant 0.999994993 : f32
    %mul3A_33 = vector.broadcast %mul3A_32 : f32 to vector<1x256xf32>
    %mul3A_34 = arith.mulf %get3A_31, %mul3A_33 : vector<1x256xf32>
    %mul3A_35 = vector.broadcast %mul3A_34 : vector<1x256xf32> to vector<512x256xf32>
    %mul3A_36 = arith.mulf %add3A_28, %mul3A_35 : vector<512x256xf32>
    %get3A_37 = arith.constant 0 : index
    %get3A_38 = arith.constant 0 : index
    %get3A_39 = vector.load %arg9[%get3A_37, %get3A_38] : memref<1x256xf32, #tpu.memory_space<vmem>>, vector<1x256xf32>
    %add3A_40 = vector.broadcast %get3A_39 : vector<1x256xf32> to vector<512x256xf32>
    %add3A_41 = arith.addf %mul3A_36, %add3A_40 : vector<512x256xf32>
    %max3A_42 = arith.constant 0.000000e+00 : f32
    %max3A_43 = vector.broadcast %max3A_42 : f32 to vector<512x256xf32>
    %max3A_44 = arith.maximumf %add3A_41, %max3A_43 : vector<512x256xf32>
    %get3A_45 = arith.constant 0 : index
    %get3A_46 = arith.constant 0 : index
    %get3A_47 = vector.load %arg10[%get3A_45, %get3A_46] : memref<256x512xf32, #tpu.memory_space<vmem>>, vector<256x512xf32>
    %dot_general3A_48 = arith.constant dense<0.000000e+00> : vector<512x512xf32>
    %dot_general3A_49 = tpu.matmul %max3A_44, %get3A_47, %dot_general3A_48 {dimension_numbers = #tpu.dot_dimension_numbers<[1], [0], [0], [1], [0, 0, 1, 1], [], []>, transpose_lhs_hint = false} : vector<512x256xf32>, vector<256x512xf32>, vector<512x512xf32> -> vector<512x512xf32>
    %get3A_50 = arith.constant 0 : index
    %get3A_51 = arith.constant 0 : index
    %get3A_52 = vector.load %arg11[%get3A_50, %get3A_51] : memref<1x512xf32, #tpu.memory_space<vmem>>, vector<1x512xf32>
    %add3A_53 = vector.broadcast %get3A_52 : vector<1x512xf32> to vector<512x512xf32>
    %add3A_54 = arith.addf %dot_general3A_49, %add3A_53 : vector<512x512xf32>
    %reshape3A_55 = vector.shape_cast %add3A_54 : vector<512x512xf32> to vector<8x64x512xf32>
    %iota3A = tpu.iota {dimensions = array<i32: 1>} : vector<8x64x1xi32>
    %get3A_56 = arith.constant 0 : index
    %get3A_57 = arith.constant 0 : index
    %get3A_58 = vector.load %arg3[%get3A_56, %get3A_57] : memref<8x128xi32, #tpu.memory_space<vmem>>, vector<8x1xi32>
    %reshape3A_59 = vector.shape_cast %get3A_58 : vector<8x1xi32> to vector<8x1x1xi32>
    %lt3A = vector.broadcast %reshape3A_59 : vector<8x1x1xi32> to vector<8x64x1xi32>
    %lt3A_60 = arith.cmpi slt, %iota3A, %lt3A : vector<8x64x1xi32>
    %jit3A = arith.constant 0xFF800000 : f32
    %broadcast_in_dim3A_61 = vector.shape_cast %lt3A_60 : vector<8x64x1xi1> to vector<8x64x1xi1>
    %broadcast_in_dim3A_62 = vector.broadcast %broadcast_in_dim3A_61 : vector<8x64x1xi1> to vector<8x64x512xi1>
    %broadcast_in_dim3A_63 = vector.broadcast %jit3A : f32 to vector<8x64x512xf32>
    %select_n3A = arith.select %broadcast_in_dim3A_62, %reshape3A_55, %broadcast_in_dim3A_63 : vector<8x64x512xi1>, vector<8x64x512xf32>
    %reduce_max3A = arith.constant dense<0xFF800000> : vector<8x512xf32>
    %reduce_max3A_64 = vector.multi_reduction <maximumf>, %select_n3A, %reduce_max3A [1] : vector<8x64x512xf32> to vector<8x512xf32>
    %eq3A = arith.constant 0xFF800000 : f32
    %eq3A_65 = vector.broadcast %eq3A : f32 to vector<8x512xf32>
    %eq3A_66 = arith.cmpf oeq, %reduce_max3A_64, %eq3A_65 : vector<8x512xf32>
    %jit3A_67 = arith.constant 0.000000e+00 : f32
    %broadcast_in_dim3A_68 = vector.broadcast %jit3A_67 : f32 to vector<8x512xf32>
    %select_n3A_69 = arith.select %eq3A_66, %broadcast_in_dim3A_68, %reduce_max3A_64 : vector<8x512xi1>, vector<8x512xf32>
    %swap3A = arith.constant 0 : index
    %swap3A_70 = arith.constant 0 : index
    %swap3A_71 = vector.load %arg12[%swap3A, %swap3A_70] : memref<8x512xf32, #tpu.memory_space<vmem>>, vector<8x512xf32>
    tpu.vector_store %arg12[%swap3A, %swap3A_70], %select_n3A_69 {strides = array<i32>} : memref<8x512xf32, #tpu.memory_space<vmem>>, vector<8x512xf32>,
    return
  }
  func.func @transform_0(%arg0: i32) -> (i32, i32) {
    %c0_i32 = arith.constant 0 : i32
    %c0_i32_0 = arith.constant 0 : i32
    return %arg0, %c0_i32 : i32, i32
  }
  func.func @transform_1(%arg0: i32) -> (i32, i32) {
    %c0_i32 = arith.constant 0 : i32
    %c0_i32_0 = arith.constant 0 : i32
    return %arg0, %c0_i32 : i32, i32
  }
  func.func @transform_2(%arg0: i32) -> (i32, i32) {
    %c0_i32 = arith.constant 0 : i32
    %c0_i32_0 = arith.constant 0 : i32
    return %arg0, %c0_i32 : i32, i32
  }
  func.func @transform_3(%arg0: i32) -> (i32, i32) {
    %c0_i32 = arith.constant 0 : i32
    %c0_i32_0 = arith.constant 0 : i32
    %c0_i32_1 = arith.constant 0 : i32
    return %c0_i32, %c0_i32_0 : i32, i32
  }
  func.func @transform_4(%arg0: i32) -> (i32, i32) {
    %c0_i32 = arith.constant 0 : i32
    %c0_i32_0 = arith.constant 0 : i32
    %c0_i32_1 = arith.constant 0 : i32
    return %c0_i32, %c0_i32_0 : i32, i32
  }
  func.func @transform_5(%arg0: i32) -> (i32, i32) {
    %c0_i32 = arith.constant 0 : i32
    %c0_i32_0 = arith.constant 0 : i32
    %c0_i32_1 = arith.constant 0 : i32
    return %c0_i32, %c0_i32_0 : i32, i32
  }
  func.func @transform_6(%arg0: i32) -> (i32, i32) {
    %c0_i32 = arith.constant 0 : i32
    %c0_i32_0 = arith.constant 0 : i32
    %c0_i32_1 = arith.constant 0 : i32
    return %c0_i32, %c0_i32_0 : i32, i32
  }
  func.func @transform_7(%arg0: i32) -> (i32, i32) {
    %c0_i32 = arith.constant 0 : i32
    %c0_i32_0 = arith.constant 0 : i32
    %c0_i32_1 = arith.constant 0 : i32
    return %c0_i32, %c0_i32_0 : i32, i32
  }
  func.func @transform_8(%arg0: i32) -> (i32, i32) {
    %c0_i32 = arith.constant 0 : i32
    %c0_i32_0 = arith.constant 0 : i32
    %c0_i32_1 = arith.constant 0 : i32
    return %c0_i32, %c0_i32_0 : i32, i32
  }
  func.func @transform_9(%arg0: i32) -> (i32, i32) {
    %c0_i32 = arith.constant 0 : i32
    %c0_i32_0 = arith.constant 0 : i32
    %c0_i32_1 = arith.constant 0 : i32
    return %c0_i32, %c0_i32_0 : i32, i32
  }
  func.func @transform_10(%arg0: i32) -> (i32, i32) {
    %c0_i32 = arith.constant 0 : i32
    %c0_i32_0 = arith.constant 0 : i32
    %c0_i32_1 = arith.constant 0 : i32
    return %c0_i32, %c0_i32_0 : i32, i32
  }
  func.func @transform_11(%arg0: i32) -> (i32, i32) {
    %c0_i32 = arith.constant 0 : i32
    %c0_i32_0 = arith.constant 0 : i32
    return %arg0, %c0_i32 : i32, i32
  }
}

module attributes {stable_mosaic.version = 14 : i64} {
  func.func @_final_body(%arg0: memref<416x512xf32, #tpu.memory_space<vmem>>, %arg1: memref<416x128xf32, #tpu.memory_space<vmem>>, %arg2: memref<512x512xf32, #tpu.memory_space<vmem>>, %arg3: memref<3x512xf32, #tpu.memory_space<vmem>>, %arg4: memref<1x512xf32, #tpu.memory_space<vmem>>, %arg5: memref<1x512xf32, #tpu.memory_space<vmem>>, %arg6: memref<1x512xf32, #tpu.memory_space<vmem>>, %arg7: memref<512x512xf32, #tpu.memory_space<vmem>>, %arg8: memref<1x512xf32, #tpu.memory_space<vmem>>, %arg9: memref<1x512xf32, #tpu.memory_space<vmem>>, %arg10: memref<1x512xf32, #tpu.memory_space<vmem>>, %arg11: memref<512x1024xf32, #tpu.memory_space<vmem>>, %arg12: memref<1x1024xf32, #tpu.memory_space<vmem>>, %arg13: memref<1024x512xf32, #tpu.memory_space<vmem>>, %arg14: memref<1x512xf32, #tpu.memory_space<vmem>>, %arg15: memref<1x512xf32, #tpu.memory_space<vmem>>, %arg16: memref<1x512xf32, #tpu.memory_space<vmem>>, %arg17: memref<512x256xf32, #tpu.memory_space<vmem>>, %arg18: memref<1x256xf32, #tpu.memory_space<vmem>>, %arg19: memref<1x256xf32, #tpu.memory_space<vmem>>, %arg20: memref<1x256xf32, #tpu.memory_space<vmem>>, %arg21: memref<256x40xf32, #tpu.memory_space<vmem>>, %arg22: memref<1x40xf32, #tpu.memory_space<vmem>>, %arg23: memref<8x128xf32, #tpu.memory_space<vmem>>) attributes {dimension_semantics = [], scalar_prefetch = 0 : i64, scratch_operands = 0 : i64, tpu.core_type = #tpu.core_type<tc>} {
    %get3A = arith.constant 0 : index
    %get3A_0 = arith.constant 0 : index
    %get3A_1 = vector.load %arg0[%get3A, %get3A_0] : memref<416x512xf32, #tpu.memory_space<vmem>>, vector<416x512xf32>
    %get3A_2 = arith.constant 0 : index
    %get3A_3 = arith.constant 0 : index
    %get3A_4 = vector.load %arg1[%get3A_2, %get3A_3] : memref<416x128xf32, #tpu.memory_space<vmem>>, vector<416x1xf32>
    %get3A_5 = arith.constant 0 : index
    %get3A_6 = arith.constant 1 : index
    %get3A_7 = vector.load %arg1[%get3A_5, %get3A_6] : memref<416x128xf32, #tpu.memory_space<vmem>>, vector<416x1xf32>
    %get3A_8 = arith.constant 0 : index
    %get3A_9 = arith.constant 2 : index
    %get3A_10 = vector.load %arg1[%get3A_8, %get3A_9] : memref<416x128xf32, #tpu.memory_space<vmem>>, vector<416x1xf32>
    %get3A_11 = arith.constant 0 : index
    %get3A_12 = arith.constant 0 : index
    %get3A_13 = vector.load %arg2[%get3A_11, %get3A_12] : memref<512x512xf32, #tpu.memory_space<vmem>>, vector<512x512xf32>
    %dot_general3A = arith.constant dense<0.000000e+00> : vector<416x512xf32>
    %dot_general3A_14 = tpu.matmul %get3A_1, %get3A_13, %dot_general3A {dimension_numbers = #tpu.dot_dimension_numbers<[1], [0], [0], [1], [0, 0, 1, 1], [], []>, transpose_lhs_hint = false} : vector<416x512xf32>, vector<512x512xf32>, vector<416x512xf32> -> vector<416x512xf32>
    %get3A_15 = arith.constant 0 : index
    %get3A_16 = arith.constant 0 : index
    %get3A_17 = vector.load %arg3[%get3A_15, %get3A_16] : memref<3x512xf32, #tpu.memory_space<vmem>>, vector<1x512xf32>
    %mul3A = vector.broadcast %get3A_4 : vector<416x1xf32> to vector<416x512xf32>
    %mul3A_18 = vector.broadcast %get3A_17 : vector<1x512xf32> to vector<416x512xf32>
    %mul3A_19 = arith.mulf %mul3A, %mul3A_18 : vector<416x512xf32>
    %add3A = arith.addf %dot_general3A_14, %mul3A_19 : vector<416x512xf32>
    %get3A_20 = arith.constant 1 : index
    %get3A_21 = arith.constant 0 : index
    %get3A_22 = vector.load %arg3[%get3A_20, %get3A_21] : memref<3x512xf32, #tpu.memory_space<vmem>>, vector<1x512xf32>
    %mul3A_23 = vector.broadcast %get3A_7 : vector<416x1xf32> to vector<416x512xf32>
    %mul3A_24 = vector.broadcast %get3A_22 : vector<1x512xf32> to vector<416x512xf32>
    %mul3A_25 = arith.mulf %mul3A_23, %mul3A_24 : vector<416x512xf32>
    %add3A_26 = arith.addf %add3A, %mul3A_25 : vector<416x512xf32>
    %get3A_27 = arith.constant 2 : index
    %get3A_28 = arith.constant 0 : index
    %get3A_29 = vector.load %arg3[%get3A_27, %get3A_28] : memref<3x512xf32, #tpu.memory_space<vmem>>, vector<1x512xf32>
    %mul3A_30 = vector.broadcast %get3A_10 : vector<416x1xf32> to vector<416x512xf32>
    %mul3A_31 = vector.broadcast %get3A_29 : vector<1x512xf32> to vector<416x512xf32>
    %mul3A_32 = arith.mulf %mul3A_30, %mul3A_31 : vector<416x512xf32>
    %add3A_33 = arith.addf %add3A_26, %mul3A_32 : vector<416x512xf32>
    %get3A_34 = arith.constant 0 : index
    %get3A_35 = arith.constant 0 : index
    %get3A_36 = vector.load %arg4[%get3A_34, %get3A_35] : memref<1x512xf32, #tpu.memory_space<vmem>>, vector<1x512xf32>
    %add3A_37 = vector.broadcast %get3A_36 : vector<1x512xf32> to vector<416x512xf32>
    %add3A_38 = arith.addf %add3A_33, %add3A_37 : vector<416x512xf32>
    %get3A_39 = arith.constant 0 : index
    %get3A_40 = arith.constant 0 : index
    %get3A_41 = vector.load %arg5[%get3A_39, %get3A_40] : memref<1x512xf32, #tpu.memory_space<vmem>>, vector<1x512xf32>
    %mul3A_42 = arith.constant 0.999994993 : f32
    %mul3A_43 = vector.broadcast %mul3A_42 : f32 to vector<1x512xf32>
    %mul3A_44 = arith.mulf %get3A_41, %mul3A_43 : vector<1x512xf32>
    %mul3A_45 = vector.broadcast %mul3A_44 : vector<1x512xf32> to vector<416x512xf32>
    %mul3A_46 = arith.mulf %add3A_38, %mul3A_45 : vector<416x512xf32>
    %get3A_47 = arith.constant 0 : index
    %get3A_48 = arith.constant 0 : index
    %get3A_49 = vector.load %arg6[%get3A_47, %get3A_48] : memref<1x512xf32, #tpu.memory_space<vmem>>, vector<1x512xf32>
    %add3A_50 = vector.broadcast %get3A_49 : vector<1x512xf32> to vector<416x512xf32>
    %add3A_51 = arith.addf %mul3A_46, %add3A_50 : vector<416x512xf32>
    %max3A = arith.constant 0.000000e+00 : f32
    %max3A_52 = vector.broadcast %max3A : f32 to vector<416x512xf32>
    %max3A_53 = arith.maximumf %add3A_51, %max3A_52 : vector<416x512xf32>
    %get3A_54 = arith.constant 0 : index
    %get3A_55 = arith.constant 0 : index
    %get3A_56 = vector.load %arg7[%get3A_54, %get3A_55] : memref<512x512xf32, #tpu.memory_space<vmem>>, vector<512x512xf32>
    %dot_general3A_57 = arith.constant dense<0.000000e+00> : vector<416x512xf32>
    %dot_general3A_58 = tpu.matmul %max3A_53, %get3A_56, %dot_general3A_57 {dimension_numbers = #tpu.dot_dimension_numbers<[1], [0], [0], [1], [0, 0, 1, 1], [], []>, transpose_lhs_hint = false} : vector<416x512xf32>, vector<512x512xf32>, vector<416x512xf32> -> vector<416x512xf32>
    %get3A_59 = arith.constant 0 : index
    %get3A_60 = arith.constant 0 : index
    %get3A_61 = vector.load %arg8[%get3A_59, %get3A_60] : memref<1x512xf32, #tpu.memory_space<vmem>>, vector<1x512xf32>
    %add3A_62 = vector.broadcast %get3A_61 : vector<1x512xf32> to vector<416x512xf32>
    %add3A_63 = arith.addf %dot_general3A_58, %add3A_62 : vector<416x512xf32>
    %get3A_64 = arith.constant 0 : index
    %get3A_65 = arith.constant 0 : index
    %get3A_66 = vector.load %arg9[%get3A_64, %get3A_65] : memref<1x512xf32, #tpu.memory_space<vmem>>, vector<1x512xf32>
    %mul3A_67 = arith.constant 0.999994993 : f32
    %mul3A_68 = vector.broadcast %mul3A_67 : f32 to vector<1x512xf32>
    %mul3A_69 = arith.mulf %get3A_66, %mul3A_68 : vector<1x512xf32>
    %mul3A_70 = vector.broadcast %mul3A_69 : vector<1x512xf32> to vector<416x512xf32>
    %mul3A_71 = arith.mulf %add3A_63, %mul3A_70 : vector<416x512xf32>
    %get3A_72 = arith.constant 0 : index
    %get3A_73 = arith.constant 0 : index
    %get3A_74 = vector.load %arg10[%get3A_72, %get3A_73] : memref<1x512xf32, #tpu.memory_space<vmem>>, vector<1x512xf32>
    %add3A_75 = vector.broadcast %get3A_74 : vector<1x512xf32> to vector<416x512xf32>
    %add3A_76 = arith.addf %mul3A_71, %add3A_75 : vector<416x512xf32>
    %max3A_77 = arith.constant 0.000000e+00 : f32
    %max3A_78 = vector.broadcast %max3A_77 : f32 to vector<416x512xf32>
    %max3A_79 = arith.maximumf %add3A_76, %max3A_78 : vector<416x512xf32>
    %get3A_80 = arith.constant 0 : index
    %get3A_81 = arith.constant 0 : index
    %get3A_82 = vector.load %arg11[%get3A_80, %get3A_81] : memref<512x1024xf32, #tpu.memory_space<vmem>>, vector<512x1024xf32>
    %dot_general3A_83 = arith.constant dense<0.000000e+00> : vector<416x1024xf32>
    %dot_general3A_84 = tpu.matmul %max3A_79, %get3A_82, %dot_general3A_83 {dimension_numbers = #tpu.dot_dimension_numbers<[1], [0], [0], [1], [0, 0, 1, 1], [], []>, transpose_lhs_hint = false} : vector<416x512xf32>, vector<512x1024xf32>, vector<416x1024xf32> -> vector<416x1024xf32>
    %get3A_85 = arith.constant 0 : index
    %get3A_86 = arith.constant 0 : index
    %get3A_87 = vector.load %arg12[%get3A_85, %get3A_86] : memref<1x1024xf32, #tpu.memory_space<vmem>>, vector<1x1024xf32>
    %add3A_88 = vector.broadcast %get3A_87 : vector<1x1024xf32> to vector<416x1024xf32>
    %add3A_89 = arith.addf %dot_general3A_84, %add3A_88 : vector<416x1024xf32>
    %iota3A = tpu.iota {dimensions = array<i32: 0>} : vector<416x1024xi32>
    %lt3A = arith.constant 410 : i32
    %lt3A_90 = vector.broadcast %lt3A : i32 to vector<416x1024xi32>
    %lt3A_91 = arith.cmpi slt, %iota3A, %lt3A_90 : vector<416x1024xi32>
    %jit3A = arith.constant 0xFF800000 : f32
    %broadcast_in_dim3A = vector.broadcast %jit3A : f32 to vector<416x1024xf32>
    %select_n3A = arith.select %lt3A_91, %add3A_89, %broadcast_in_dim3A : vector<416x1024xi1>, vector<416x1024xf32>
    %reduce_max3A = arith.constant dense<0xFF800000> : vector<1024xf32>
    %reduce_max3A_92 = vector.multi_reduction <maximumf>, %select_n3A, %reduce_max3A [0] : vector<416x1024xf32> to vector<1024xf32>
    %broadcast_in_dim3A_93 = vector.shape_cast %reduce_max3A_92 : vector<1024xf32> to vector<1x1024xf32>
    %get3A_94 = arith.constant 0 : index
    %get3A_95 = arith.constant 0 : index
    %get3A_96 = vector.load %arg13[%get3A_94, %get3A_95] : memref<1024x512xf32, #tpu.memory_space<vmem>>, vector<1024x512xf32>
    %dot_general3A_97 = arith.constant dense<0.000000e+00> : vector<1x512xf32>
    %dot_general3A_98 = tpu.matmul %broadcast_in_dim3A_93, %get3A_96, %dot_general3A_97 {dimension_numbers = #tpu.dot_dimension_numbers<[1], [0], [0], [1], [0, 0, 1, 1], [], []>, transpose_lhs_hint = false} : vector<1x1024xf32>, vector<1024x512xf32>, vector<1x512xf32> -> vector<1x512xf32>
    %get3A_99 = arith.constant 0 : index
    %get3A_100 = arith.constant 0 : index
    %get3A_101 = vector.load %arg14[%get3A_99, %get3A_100] : memref<1x512xf32, #tpu.memory_space<vmem>>, vector<1x512xf32>
    %add3A_102 = arith.addf %dot_general3A_98, %get3A_101 : vector<1x512xf32>
    %get3A_103 = arith.constant 0 : index
    %get3A_104 = arith.constant 0 : index
    %get3A_105 = vector.load %arg15[%get3A_103, %get3A_104] : memref<1x512xf32, #tpu.memory_space<vmem>>, vector<1x512xf32>
    %mul3A_106 = arith.constant 0.999994993 : f32
    %mul3A_107 = vector.broadcast %mul3A_106 : f32 to vector<1x512xf32>
    %mul3A_108 = arith.mulf %get3A_105, %mul3A_107 : vector<1x512xf32>
    %mul3A_109 = arith.mulf %add3A_102, %mul3A_108 : vector<1x512xf32>
    %get3A_110 = arith.constant 0 : index
    %get3A_111 = arith.constant 0 : index
    %get3A_112 = vector.load %arg16[%get3A_110, %get3A_111] : memref<1x512xf32, #tpu.memory_space<vmem>>, vector<1x512xf32>
    %add3A_113 = arith.addf %mul3A_109, %get3A_112 : vector<1x512xf32>
    %max3A_114 = arith.constant 0.000000e+00 : f32
    %max3A_115 = vector.broadcast %max3A_114 : f32 to vector<1x512xf32>
    %max3A_116 = arith.maximumf %add3A_113, %max3A_115 : vector<1x512xf32>
    %get3A_117 = arith.constant 0 : index
    %get3A_118 = arith.constant 0 : index
    %get3A_119 = vector.load %arg17[%get3A_117, %get3A_118] : memref<512x256xf32, #tpu.memory_space<vmem>>, vector<512x256xf32>
    %dot_general3A_120 = arith.constant dense<0.000000e+00> : vector<1x256xf32>
    %dot_general3A_121 = tpu.matmul %max3A_116, %get3A_119, %dot_general3A_120 {dimension_numbers = #tpu.dot_dimension_numbers<[1], [0], [0], [1], [0, 0, 1, 1], [], []>, transpose_lhs_hint = false} : vector<1x512xf32>, vector<512x256xf32>, vector<1x256xf32> -> vector<1x256xf32>
    %get3A_122 = arith.constant 0 : index
    %get3A_123 = arith.constant 0 : index
    %get3A_124 = vector.load %arg18[%get3A_122, %get3A_123] : memref<1x256xf32, #tpu.memory_space<vmem>>, vector<1x256xf32>
    %add3A_125 = arith.addf %dot_general3A_121, %get3A_124 : vector<1x256xf32>
    %get3A_126 = arith.constant 0 : index
    %get3A_127 = arith.constant 0 : index
    %get3A_128 = vector.load %arg19[%get3A_126, %get3A_127] : memref<1x256xf32, #tpu.memory_space<vmem>>, vector<1x256xf32>
    %mul3A_129 = arith.constant 0.999994993 : f32
    %mul3A_130 = vector.broadcast %mul3A_129 : f32 to vector<1x256xf32>
    %mul3A_131 = arith.mulf %get3A_128, %mul3A_130 : vector<1x256xf32>
    %mul3A_132 = arith.mulf %add3A_125, %mul3A_131 : vector<1x256xf32>
    %get3A_133 = arith.constant 0 : index
    %get3A_134 = arith.constant 0 : index
    %get3A_135 = vector.load %arg20[%get3A_133, %get3A_134] : memref<1x256xf32, #tpu.memory_space<vmem>>, vector<1x256xf32>
    %add3A_136 = arith.addf %mul3A_132, %get3A_135 : vector<1x256xf32>
    %max3A_137 = arith.constant 0.000000e+00 : f32
    %max3A_138 = vector.broadcast %max3A_137 : f32 to vector<1x256xf32>
    %max3A_139 = arith.maximumf %add3A_136, %max3A_138 : vector<1x256xf32>
    %get3A_140 = arith.constant 0 : index
    %get3A_141 = arith.constant 0 : index
    %get3A_142 = vector.load %arg21[%get3A_140, %get3A_141] : memref<256x40xf32, #tpu.memory_space<vmem>>, vector<256x40xf32>
    %dot_general3A_143 = arith.constant dense<0.000000e+00> : vector<1x40xf32>
    %dot_general3A_144 = tpu.matmul %max3A_139, %get3A_142, %dot_general3A_143 {dimension_numbers = #tpu.dot_dimension_numbers<[1], [0], [0], [1], [0, 0, 1, 1], [], []>, transpose_lhs_hint = false} : vector<1x256xf32>, vector<256x40xf32>, vector<1x40xf32> -> vector<1x40xf32>
    %get3A_145 = arith.constant 0 : index
    %get3A_146 = arith.constant 0 : index
    %get3A_147 = vector.load %arg22[%get3A_145, %get3A_146] : memref<1x40xf32, #tpu.memory_space<vmem>>, vector<1x40xf32>
    %add3A_148 = arith.addf %dot_general3A_144, %get3A_147 : vector<1x40xf32>
    %reduce_max3A_149 = arith.constant dense<0xFF800000> : vector<1xf32>
    %reduce_max3A_150 = vector.multi_reduction <maximumf>, %add3A_148, %reduce_max3A_149 [1] : vector<1x40xf32> to vector<1xf32>
    %broadcast_in_dim3A_151 = vector.shape_cast %reduce_max3A_150 : vector<1xf32> to vector<1x1xf32>
    %sub3A = vector.broadcast %broadcast_in_dim3A_151 : vector<1x1xf32> to vector<1x40xf32>
    %sub3A_152 = arith.subf %add3A_148, %sub3A : vector<1x40xf32>
    %exp3A = math.exp %sub3A_152 : vector<1x40xf32>
    %reduce_sum3A = arith.constant dense<0.000000e+00> : vector<1xf32>
    %reduce_sum3A_153 = vector.multi_reduction <add>, %exp3A, %reduce_sum3A [1] : vector<1x40xf32> to vector<1xf32>
    %broadcast_in_dim3A_154 = vector.shape_cast %reduce_sum3A_153 : vector<1xf32> to vector<1x1xf32>
    %log3A = math.log %broadcast_in_dim3A_154 : vector<1x1xf32>
    %sub3A_155 = vector.broadcast %broadcast_in_dim3A_151 : vector<1x1xf32> to vector<1x40xf32>
    %sub3A_156 = arith.subf %add3A_148, %sub3A_155 : vector<1x40xf32>
    %sub3A_157 = vector.broadcast %log3A : vector<1x1xf32> to vector<1x40xf32>
    %sub3A_158 = arith.subf %sub3A_156, %sub3A_157 : vector<1x40xf32>
    %broadcast_in_dim3A_159 = arith.constant 0.000000e+00 : f32
    %broadcast_in_dim3A_160 = vector.broadcast %broadcast_in_dim3A_159 : f32 to vector<1x88xf32>
    %concatenate3A = tpu.concatenate %sub3A_158, %broadcast_in_dim3A_160 in 1 : vector<1x40xf32>, vector<1x88xf32> -> vector<1x128xf32>
    %broadcast_in_dim3A_161 = vector.shape_cast %concatenate3A : vector<1x128xf32> to vector<1x128xf32>
    %broadcast_in_dim3A_162 = vector.broadcast %broadcast_in_dim3A_161 : vector<1x128xf32> to vector<8x128xf32>
    %swap3A = arith.constant 0 : index
    %swap3A_163 = arith.constant 0 : index
    %swap3A_164 = vector.load %arg23[%swap3A, %swap3A_163] : memref<8x128xf32, #tpu.memory_space<vmem>>, vector<8x128xf32>
    tpu.vector_store %arg23[%swap3A, %swap3A_163], %broadcast_in_dim3A_162 {strides = array<i32>} : memref<8x128xf32, #tpu.memory_space<vmem>>, vector<8x128xf32>,
    return
  }
}

</mosaic_0001>

<sc_bundles>
// kernel: kernel.13.cloned.1.call-start
scs
__scs_entry_jumppad:
0x0: {  	(pc) =	sbr.rel $0x88, $3  }
0x1: {  	(tag) =	ssettag $0x0;
	lr =	simm.s32 $0x1  }
0x2: {  	[smem:$0x3F78] =	sst lr;
	_ =	strace $0xD0000000  }
0x3: {  	_ = 	snop  }
0x4: {  	_ = 	snop  }
0x5: {  	_ = 	snop  }
0x6: {  	_ = 	snop  }
0x7: {  	_ = 	snop  }
__scs_overlays_trampoline_lowered:
0x8: {  	[smem:$0x3F87] =	sst s0  }
0x9: {  	[smem:$0x3F88] =	sst s1  }
0xa: {  	[smem:$0x3F89] =	sst s2  }
0xb: {  	[smem:$0x3F8A] =	sst s3  }
0xc: {  	[smem:$0x3F8B] =	sst s4  }
0xd: {  	[smem:$0x3F8C] =	sst s5  }
0xe: {  	[smem:$0x3F8D] =	sst s6  }
0xf: {  	[smem:$0x3F8E] =	sst s7  }
0x10: {  	[smem:$0x3F8F] =	sst s8  }
0x11: {  	[smem:$0x3F90] =	sst s9;
	s0 =	simm.s32 @!p0 $0x0  }
0x12: {  	s1 =	sld [smem:$0x3F76];
	s0 =	simm.s32 @p0 $0x1  }
0x13: {  	[smem:$0x3F91] =	sst s0;
	s0 =	simm.s32 @!p1 $0x0  }
0x14: {  	s2 =	sld [smem:$0x3F75];
	s0 =	simm.s32 @p1 $0x1  }
0x15: {  	[smem:$0x3F92] =	sst s0;
	s0 =	simm.s32 @!p2 $0x0  }
0x16: {  	s3 =	sld [smem:$0x3FDB];
	s0 =	simm.s32 @p2 $0x1  }
0x17: {  	s4 =	simm.s32 $0x1BF5;
	[smem:$0x3F94] =	sst s0  }
0x18: {  	s0 =	sld [smem:$0x3F77];
	_ =	swait.ge [sflag:s4], $0x0  }
0x19: {  	s7 =	sld [smem:$0x3F78]  }
0x1a: {  	s8 =	sadd.s32 $0xFFFFE003, lr  }
0x1b: {  	s9 =	sadd.s32 $0xFFFFFEF7, lr;
	s5 =	simm.s32 $0xFFFFFFFF;
	p2 =	slt.u32 s8, $0xFFFFF086  }
0x1c: {  	p1 =	slt.u32 s9, $0xF7A;
	s5 =	simm.s32 @!p2 $0x0  }
0x1d: {  	s5 =	simm.s32 @p1 $0x1;
	p0 =	seq.s32 s7, s2  }
0x1e: {  	s7 =	smul.u32 @!p0 $0xF7A, s2;
	p2 =	seq.s32 @!p0 s5, $0x0  }
0x1f: {  	s9 =	smul.u32 $0xF7A, s1;
	s8 =	simm.s32 @!p0 $0x1BF5;
	p2 =	por !p2, p0  }
0x20: {  	[sflag:s8] =	ssyncset.s32 @!p0 $0xFFFFF086;
	s6 =	sadd.s32 @!p0 s3, s7;
	s7 =	simm.s32 @!p0 $0x108  }
0x21: {  	s3 =	sadd.s32 s3, s9;
	s6 =	sadd.s32 @!p0 $0x88, s6;
	s7 =	simm.s32 @p2 $0x1082  }
0x22: {  	[simem:s7], [sflag:s8] =	dma.local @!p0 [hbm:s6], $0xF7A  }
0x23: {  	s9 =	sor.u32 $0xD0000000, s2;
	s6 =	simm.s32 $0x108;
	_ =	swait.ge @!p0 [sflag:s8], $0x0  }
0x24: {  	s3 =	sadd.s32 $0x88, s3;
	s6 =	simm.s32 @!p1 $0x1082;
	[sflag:s4] =	ssyncset.s32 $0xFFFFF086  }
0x25: {  	[simem:s6], [sflag:s4] =	dma.local [hbm:s3], $0xF7A  }
0x26: {  	[smem:$0x3F78] =	sst s1;
	(tag) =	ssettag s2;
	_ =	strace s9  }
0x27: {  	s1 =	sld [smem:$0x3F88]  }
0x28: {  	s2 =	sld [smem:$0x3F89]  }
0x29: {  	s4 =	sld [smem:$0x3F8B]  }
0x2a: {  	p0 =	seq.s32 s5, $0x0;
	s5 =	sld [smem:$0x3F8C]  }
0x2b: {  	s6 =	sld [smem:$0x3F8D]  }
0x2c: {  	s7 =	sld [smem:$0x3F8E]  }
0x2d: {  	s3 =	simm.s32 $0x108;
	s8 =	sld [smem:$0x3F8F]  }
0x2e: {  	s3 =	simm.s32 @!p0 $0x1082;
	s9 =	sld [smem:$0x3F90]  }
0x2f: {  	lr =	sadd.s32 s0, s3;
	s0 =	sld [smem:$0x3F87]  }
0x30: {  	s3 =	sld [smem:$0x3F8A]  }
0x31: {  	[smem:$0x3F93] =	sst s10  }
0x32: {  	s10 =	sld [smem:$0x3F91];
	_ =	sdelay $0x3  }
0x33: {  	p0 =	seq.s32 s10, $0x1;
	s10 =	sld [smem:$0x3F93];
	_ =	sdelay $0x3  }
0x34: {  	[smem:$0x3F93] =	sst s10  }
0x35: {  	s10 =	sld [smem:$0x3F92];
	_ =	sdelay $0x3  }
0x36: {  	p1 =	seq.s32 s10, $0x1;
	s10 =	sld [smem:$0x3F93];
	_ =	sdelay $0x3  }
0x37: {  	[smem:$0x3F93] =	sst s10  }
0x38: {  	s10 =	sld [smem:$0x3F94]  }
0x39: {  	_ = 	snop;
	(pc) =	sbr.ind lr, $3  }
0x3a: {  	_ = 	snop  }
0x3b: {  	_ = 	snop  }
0x3c: {  	p2 =	seq.s32 s10, $0x1;
	s10 =	sld [smem:$0x3F93]  }
0x3d: {  	_ =	shalt  }
0x3e: {  	_ =	shalt  }
0x3f: {  	_ =	shalt  }
0x40: {  	_ =	shalt  }
0x41: {  	_ =	shalt  }
0x42: {  	_ =	shalt  }
0x43: {  	_ =	shalt  }
0x44: {  	_ =	shalt  }
0x45: {  	_ =	shalt  }
0x46: {  	_ =	shalt  }
0x47: {  	_ =	shalt  }
0x48: {  	_ =	shalt  }
0x49: {  	_ =	shalt  }
0x4a: {  	_ =	shalt  }
0x4b: {  	_ =	shalt  }
0x4c: {  	_ =	shalt  }
0x4d: {  	_ =	shalt  }
0x4e: {  	_ =	shalt  }
0x4f: {  	_ =	shalt  }
0x50: {  	_ =	shalt  }
0x51: {  	_ =	shalt  }
0x52: {  	_ =	shalt  }
0x53: {  	_ =	shalt  }
0x54: {  	_ =	shalt  }
0x55: {  	_ =	shalt  }
0x56: {  	_ =	shalt  }
0x57: {  	_ =	shalt  }
0x58: {  	_ =	shalt  }
0x59: {  	_ =	shalt  }
0x5a: {  	_ =	shalt  }
0x5b: {  	_ =	shalt  }
0x5c: {  	_ =	shalt  }
0x5d: {  	_ =	shalt  }
0x5e: {  	_ =	shalt  }
0x5f: {  	_ =	shalt  }
0x60: {  	_ =	shalt  }
0x61: {  	_ =	shalt  }
0x62: {  	_ =	shalt  }
0x63: {  	_ =	shalt  }
0x64: {  	_ =	shalt  }
0x65: {  	_ =	shalt  }
0x66: {  	_ =	shalt  }
0x67: {  	_ =	shalt  }
0x68: {  	_ =	shalt  }
0x69: {  	_ =	shalt  }
0x6a: {  	_ =	shalt  }
0x6b: {  	_ =	shalt  }
0x6c: {  	_ =	shalt  }
0x6d: {  	_ =	shalt  }
0x6e: {  	_ =	shalt  }
0x6f: {  	_ =	shalt  }
0x70: {  	_ =	shalt  }
0x71: {  	_ =	shalt  }
0x72: {  	_ =	shalt  }
0x73: {  	_ =	shalt  }
0x74: {  	_ =	shalt  }
0x75: {  	_ =	shalt  }
0x76: {  	_ =	shalt  }
0x77: {  	_ =	shalt  }
0x78: {  	_ =	shalt  }
0x79: {  	_ =	shalt  }
0x7a: {  	_ =	shalt  }
0x7b: {  	_ =	shalt  }
0x7c: {  	_ =	shalt  }
0x7d: {  	_ =	shalt  }
0x7e: {  	_ =	shalt  }
0x7f: {  	_ =	shalt  }
0x80: {  	_ =	shalt  }
0x81: {  	_ =	shalt  }
0x82: {  	_ =	shalt  }
0x83: {  	_ =	shalt  }
0x84: {  	_ =	shalt  }
0x85: {  	_ =	shalt  }
0x86: {  	_ =	shalt  }
0x87: {  	_ =	shalt  }
.Lfunc_end0:
.L_simem_size_0:
called_computation_lowered:
.L_overlay_start_0:
0x88: {  	s2 =	sld [smem:$0x3FD9]  }
0x89: {  	s3 =	sld [smem:$0x3FFE];
	_ =	sdelay $0x1  }
0x8a: {  	s1 =	srdreg.scid  }
0x8b: {  	s0 =	sand.u32 $0x1, s1  }
0x8c: {  	s16 =	sshll.u32 s0, $0xA;
	s2 =	sadd.s32 s3, s2  }
0x8d: {  	s2 =	sadd.s32 s2, s16  }
0x8e: {  	[smem:$0x3F9F] =	sst s2  }
0x8f: {  	_ = 	snop  }
0x90: {  	(tm) =	ssettm $0x1  }
0x91: {  	s17 =	sld [smem:$0x3FFB];
	_ =	sdelay $0x3  }
0x92: {  	_ =	strace s17  }
0x93: {  	s2 =	sld [smem:$0x3FFC];
	_ =	sdelay $0x3  }
0x94: {  	_ =	strace s2  }
0x95: {  	s2 =	sld [smem:$0x3FFD];
	_ =	sdelay $0x3  }
0x96: {  	_ =	strace s2  }
0x97: {  	_ =	strace $0x8FFFFFFF  }
0x98: {  	s18 =	sld [smem:$0x3FDB];
	_ =	sdelay $0x1  }
0x99: {  	s19 =	simm.s32 $_scs_section_size  }
0x9a: {  	s4 =	simm.s32 $_size__tile_overlayer_lowered;
	s5 =	simm.s32 $_tile_overlayer_lowered  }
0x9b: {  	s22 =	simm.s32 $0x1BFF;
	s21 =	sshll.u32 s5, $0x1;
	s2 =	sadd.s32 s19, s18  }
0x9c: {  	s6 =	simm.s32 $0x0;
	s20 =	sshll.u32 s4, $0x1;
	s4 =	sadd.s32 s21, s2  }
0x9d: {  	[timem:s6], [sflag:s22] =	dma.local [hbm:s4], s20  }
0x9e: {  	_ =	swait.ge [sflag:s22], s20  }
0x9f: {  	s3 =	ssub.s32 $0x0, s20;
	[sflag:s22] =	ssyncset.done $0x0  }
0xa0: {  	[sflag:s22] =	ssyncadd.s32 s3;
	_ =	sdelay $0x1  }
0xa1: {  	s23 =	simm.s32 $0x1B8B  }
0xa2: {  	_ =	swait.ge [sflag:s23], $0x1  }
0xa3: {  	[sflag:s23] =	ssyncset.done $0x0  }
0xa4: {  	s25 =	simm.s32 $0x1B8E;
	s24 =	sld [smem:$0x3FFE];
	[sflag:s23] =	ssyncadd.s32 $0xFFFFFFFF  }
0xa5: {  	s26 =	simm.s32 $execute0_lowered;
	[smem:$0x3FD2] =	sst s25  }
0xa6: {  	s4 =	sshll.u32 s26, $0x1;
	_ =	strace $0x80000046;
	[dreg:$0x1] =	wrdreg $0xFFFFFFFF  }
0xa7: {  	s28 =	simm.s32 $_size_execute0_lowered;
	s2 =	sadd.s32 s2, s4;
	[dreg:$0x0] =	wrdreg $0x0  }
0xa8: {  	s4 =	sshll.u32 s28, $0x1;
	[dreg:$0x2] =	wrdreg s2  }
0xa9: {  	[dreg:$0x3] =	wrdreg s4  }
0xaa: {  	[dreg:$0x4] =	wrdreg $0xC0  }
0xab: {  	_ =	task [dreg:s6], $0x5FFFF  }
0xac: {  	[dreg:$0x1] =	wrdreg $0xFFFFFFFF  }
0xad: {  	[dreg:$0x0] =	wrdreg $0x60  }
0xae: {  	[dreg:$0x2] =	wrdreg s24  }
0xaf: {  	[dreg:$0x3] =	wrdreg $0x9  }
0xb0: {  	_ =	task.clear_ibuf [dreg:s6], $0x4FFFF;
	_ =	strace $0x90000046  }
0xb1: {  	s29 =	simm.s32 $0x9;
	_ =	strace $0x80000048  }
0xb2: {  	_ =	swait.ge [sflag:s29], $0x1  }
0xb3: {  	[sflag:s29] =	ssyncadd.s32 $0xFFFFFFFF  }
0xb4: {  	_ =	strace $0x90000048  }
0xb5: {  	_ =	sfence  }
0xb6: {  	s30 =	sld [smem:$0x0];
	_ =	sdelay $0x2  }
0xb7: {  	s31 =	sshll.u32 s1, $0xD;
	s1 =	sshrl.u32 s1, $0x2  }
0xb8: {  	s3 =	sand.u32 $0x4000, s31;
	s1 =	sadd.s32 s1, s30  }
0xb9: {  	s0 =	sor.u32 s3, s0;
	s1 =	sshll.u32 s1, $0x11  }
0xba: {  	s0 =	sor.u32 s1, s0  }
0xbb: {  	s0 =	sadd.s32 $0x8F2B, s0  }
0xbc: {  	[sflag:s0] =	ssyncadd.remote.s32 $0x1  }
0xbd: {  	_ =	sfence.sel $0xFFFF  }
0xbe: {  	[dreg:$0x0] =	wrdreg $0xFFFFFFFF;
	(pc) =	sbr.abs _section_cstart, $3  }
0xbf: {  	[dreg:$0x1] =	wrdreg $0xFFFFFFFF  }
0xc0: {  	_ =	task.clear_ibuf [dreg:s6], $0x2FFFF;
	_ =	strace $0x9FFFFFFF  }
0xc1: {  	(tm) =	ssettm $0x7FFFFFFF  }
tec
execute0_lowered:
.L_overlay_start_1:
0x0: {  	(tag) =	ssettag $0x1  }
0x1: {  	s5 =	rddreg [dreg:$0x0]  }
0x2: {  	s0 =	rddreg [dreg:$0x1]  }
0x3: {  	s2 =	simm.s32 $0x0;
	s3 =	srdreg.scid;
	s1 =	stileid.u32  }
0x4: {  	s10 =	simm.s32 $0x2;
	s11 =	simm.s32 $0x2000;
	s12 =	simm.s32 $0x40  }
0x5: {  	s13 =	simm.s32 $0x2080;
	s14 =	simm.s32 $0x1;
	s15 =	simm.s32 $0x0  }
0x6: {  	[smem:$0x7FF] =	sst s2;
	s6 =	sand.u32 $0x1, s3;
	s3 =	sadd.s32 $0x7600, s5  }
0x7: {  	s8 =	sshll.u32 s1, $0x1;
	s4 =	sadd.s32 $0x1A7600, s5;
	s7 =	ssub.s32 $0x2, s6  }
0x8: {  	s5 =	sadd.s32 $0x1C7600, s5;
	_ =	strace $0x80000047;
	s9 =	sshrl.u32 s7, $0x1  }
0x9: {  	s6 =	sor.u32 s6, s8;
	s8 =	simm.s32 $0x80;
	s7 =	ssub.s32 s7, s9  }
0xa: {  	v0 =	vimm.s32 $0x0;
	v1 =	vlaneseq.u32;
	s6 =	smul.u32 $0x34, s6;
	s9 =	simm.s32 $0x400;
	s7 =	smax.u32 s7, $0x1  }
.LBB2_1:
0xb: {  	s16 =	simm.s32 $0x0  }
.LBB2_2:
0xc: {  	s17 =	sadd.s32 s6, s16  }
0xd: {  	s18 =	sshll.u32 s17, $0x4  }
0xe: {  	s17 =	sshll.u32 s17, $0xA;
	s18 =	sand.u32 $0x70, s18  }
0xf: {  	s19 =	sand.u32 $0xFFFE000, s17;
	s18 =	sadd.s32 s3, s18  }
0x10: {  	s19 =	sadd.s32 s19, s18;
	s18 =	simm.s32 $0x0  }
0x11: {  	[tilespmem:s18], [sflag:$0x2] =	stream.strided.gather [hbm4b:s19+s8], $0x2000, s9, s8, $0x38;
	[tilespmem:$0x4080] =	vst v63  }
0x12: {  	_ =	swait.ge [sflag:s10], $0x2000  }
0x13: {  	[sflag:s10] =	ssyncset.done $0x0  }
0x14: {  	[sflag:s10] =	ssyncadd.s32 $0xFFFFE000  }
0x15: {  	[tilespmem:$0x2000] =	vst v0  }
0x16: {  	[tilespmem:$0x2010] =	vst v0  }
0x17: {  	[tilespmem:$0x2020] =	vst v0  }
0x18: {  	[tilespmem:$0x2030] =	vst v0  }
0x19: {  	[tilespmem:$0x2040] =	vst v0  }
0x1a: {  	[tilespmem:$0x2050] =	vst v0  }
0x1b: {  	[tilespmem:$0x2060] =	vst v0  }
0x1c: {  	s20 =	simm.s32 $0x20;
	s19 =	simm.s32 $0xFFFFFFFC;
	[tilespmem:$0x2070] =	vst v0  }
.LBB2_3:
0x1d: {  	v2 =	vld [tilespmem:s20+$0xFFFFFFE0];
	_ =	sdelay $0x4  }
0x1e: {  	vm0 =	vgt.s32 v2, $0xFFFFFFFF;
	_ =	sdelay $0x4  }
0x1f: {  	v3 =	vor.u32 s18, v1  }
0x20: {  	[tilespmem:v2+s11+$0x0] =	vst.idx.msk vm0, v3  }
0x21: {  	v2 =	vld [tilespmem:s20+$0xFFFFFFF0];
	_ =	sdelay $0x4  }
0x22: {  	vm13 =	vgt.s32 v2, $0xFFFFFFFF;
	_ =	sdelay $0x3  }
0x23: {  	s21 =	sadd.s32 $0x10, s18  }
0x24: {  	v3 =	vor.u32 s21, v1  }
0x25: {  	[tilespmem:v2+s11+$0x0] =	vst.idx.msk vm13, v3  }
0x26: {  	v2 =	vld [tilespmem:s20+$0x0];
	_ =	sdelay $0x4  }
0x27: {  	vm14 =	vgt.s32 v2, $0xFFFFFFFF;
	_ =	sdelay $0x3  }
0x28: {  	s30 =	sadd.s32 $0x20, s18  }
0x29: {  	v3 =	vor.u32 s30, v1  }
0x2a: {  	[tilespmem:v2+s11+$0x0] =	vst.idx.msk vm14, v3  }
0x2b: {  	v2 =	vld [tilespmem:s20+$0x10];
	_ =	sdelay $0x4  }
0x2c: {  	s19 =	sadd.s32 $0x4, s19;
	vm15 =	vgt.s32 v2, $0xFFFFFFFF  }
0x2d: {  	p0 =	slt.u32 s19, $0x1FC  }
.Ltmp0:
0x2e: {  	_ = 	snop;
	(pc) =	sbr.rel @p0 .LBB2_3-.Ltmp0, $4  }
0x2f: {  	_ = 	snop  }
0x30: {  	s31 =	sadd.s32 $0x30, s18  }
0x31: {  	v3 =	vor.u32 s31, v1  }
0x32: {  	s18 =	sadd.s32 $0x40, s18;
	s20 =	sadd.s32 $0x40, s20;
	[tilespmem:v2+s11+$0x0] =	vst.idx.msk vm15, v3  }
0x33: {  	[tilespmem:s13], [sflag:$0x1] =	stream.indirect.gather [hbm4b:s4+s12], $0x80, s11, s12, $0xb8;
	[tilespmem:$0x4080] =	vst v63  }
0x34: {  	s16 =	sadd.s32 $0x1, s16;
	_ =	swait.ge [sflag:s14], $0x2000  }
0x35: {  	p0 =	sne.s32 s16, $0x34;
	[sflag:s14] =	ssyncset.done $0x0  }
.Ltmp1:
0x36: {  	s17 =	sadd.s32 s5, s17;
	[sflag:s14] =	ssyncadd.s32 $0xFFFFE000;
	(pc) =	sbr.rel @p0 .LBB2_2-.Ltmp1, $4  }
0x37: {  	[hbm4b:s17+s2] =	stream.linear.scatter [tilespmem:s13], [sflag:$0x2], $0x2000, $0x38;
	[tilespmem:$0x4080] =	vst v63  }
0x38: {  	_ =	swait.ge [sflag:s10], $0x2000  }
0x39: {  	[sflag:s10] =	ssyncset.done $0x0  }
0x3a: {  	[sflag:s10] =	ssyncadd.s32 $0xFFFFE000  }
0x3b: {  	s15 =	sadd.s32 $0x1, s15  }
0x3c: {  	p0 =	sne.s32 s15, s7  }
.Ltmp2:
0x3d: {  	_ = 	snop;
	(pc) =	sbr.rel @p0 .LBB2_1-.Ltmp2, $1  }
0x3e: {  	_ =	sdelay $0x3  }
0x3f: {  	_ =	sfence.sel $0x180000  }
0x40: {  	[bflag:$0x0] =	sbarrier.arrive $0xFFFF  }
0x41: {  	p0 =	sne.s32 s1, $0x0;
	_ =	strace $0x90000047  }
0x42: {  	s0 =	sadd.s32 @!p0 $0x100000, s0;
	[bflag:$0x2] =	sbarrier.arrive $0xFFFF  }
0x43: {  	[sflag:s0] =	ssyncadd.tile.s32 @!p0 $0x1;
	_ =	shalt  }
.Lfunc_end2:
_tile_overlayer_lowered:
.L_overlay_start_2:
0x44: {  	(tag) =	ssettag $0x2  }
0x45: {  	s0 =	rddreg [dreg:$0x0];
	s2 =	stileid.u32  }
0x46: {  	s1 =	rddreg [dreg:$0x1];
	p0 =	sne.s32 s2, $0x0  }
0x47: {  	s3 =	rddreg [dreg:$0x2];
	[bflag:$0x3] =	sbarrier.arrive $0xFFFF;
	s2 =	simm.s32 @!p0 $0x1C02  }
0x48: {  	[timem:s3], [sflag:s2] =	dma.local @!p0 [hbm:s0], s1  }
0x49: {  	s0 =	simm.s32 @!p0 $0x2  }
0x4a: {  	_ =	swait.ge @!p0 [sflag:s0], s1  }
0x4b: {  	s1 =	ssub.s32 @!p0 $0x0, s1;
	[sflag:s0] =	ssyncset.done @!p0 $0x0  }
0x4c: {  	[sflag:s0] =	ssyncadd.s32 @!p0 s1  }
0x4d: {  	[bflag:$0x3] =	sbarrier.arrive $0xFFFF  }
0x4e: {  	_ =	shalt  }

// kernel: kernel.16.cloned.1.call-start
scs
__scs_entry_jumppad:
0x0: {  	(pc) =	sbr.rel $0x88, $3  }
0x1: {  	(tag) =	ssettag $0x0;
	lr =	simm.s32 $0x1  }
0x2: {  	[smem:$0x3F78] =	sst lr;
	_ =	strace $0xD0000000  }
0x3: {  	_ = 	snop  }
0x4: {  	_ = 	snop  }
0x5: {  	_ = 	snop  }
0x6: {  	_ = 	snop  }
0x7: {  	_ = 	snop  }
__scs_overlays_trampoline_lowered:
0x8: {  	[smem:$0x3F87] =	sst s0  }
0x9: {  	[smem:$0x3F88] =	sst s1  }
0xa: {  	[smem:$0x3F89] =	sst s2  }
0xb: {  	[smem:$0x3F8A] =	sst s3  }
0xc: {  	[smem:$0x3F8B] =	sst s4  }
0xd: {  	[smem:$0x3F8C] =	sst s5  }
0xe: {  	[smem:$0x3F8D] =	sst s6  }
0xf: {  	[smem:$0x3F8E] =	sst s7  }
0x10: {  	[smem:$0x3F8F] =	sst s8  }
0x11: {  	[smem:$0x3F90] =	sst s9;
	s0 =	simm.s32 @!p0 $0x0  }
0x12: {  	s1 =	sld [smem:$0x3F76];
	s0 =	simm.s32 @p0 $0x1  }
0x13: {  	[smem:$0x3F91] =	sst s0;
	s0 =	simm.s32 @!p1 $0x0  }
0x14: {  	s2 =	sld [smem:$0x3F75];
	s0 =	simm.s32 @p1 $0x1  }
0x15: {  	[smem:$0x3F92] =	sst s0;
	s0 =	simm.s32 @!p2 $0x0  }
0x16: {  	s3 =	sld [smem:$0x3FDB];
	s0 =	simm.s32 @p2 $0x1  }
0x17: {  	s4 =	simm.s32 $0x1BF5;
	[smem:$0x3F94] =	sst s0  }
0x18: {  	s0 =	sld [smem:$0x3F77];
	_ =	swait.ge [sflag:s4], $0x0  }
0x19: {  	s7 =	sld [smem:$0x3F78]  }
0x1a: {  	s8 =	sadd.s32 $0xFFFFE003, lr  }
0x1b: {  	s9 =	sadd.s32 $0xFFFFFEF7, lr;
	s5 =	simm.s32 $0xFFFFFFFF;
	p2 =	slt.u32 s8, $0xFFFFF086  }
0x1c: {  	p1 =	slt.u32 s9, $0xF7A;
	s5 =	simm.s32 @!p2 $0x0  }
0x1d: {  	s5 =	simm.s32 @p1 $0x1;
	p0 =	seq.s32 s7, s2  }
0x1e: {  	s7 =	smul.u32 @!p0 $0xF7A, s2;
	p2 =	seq.s32 @!p0 s5, $0x0  }
0x1f: {  	s9 =	smul.u32 $0xF7A, s1;
	s8 =	simm.s32 @!p0 $0x1BF5;
	p2 =	por !p2, p0  }
0x20: {  	[sflag:s8] =	ssyncset.s32 @!p0 $0xFFFFF086;
	s6 =	sadd.s32 @!p0 s3, s7;
	s7 =	simm.s32 @!p0 $0x108  }
0x21: {  	s3 =	sadd.s32 s3, s9;
	s6 =	sadd.s32 @!p0 $0x88, s6;
	s7 =	simm.s32 @p2 $0x1082  }
0x22: {  	[simem:s7], [sflag:s8] =	dma.local @!p0 [hbm:s6], $0xF7A  }
0x23: {  	s9 =	sor.u32 $0xD0000000, s2;
	s6 =	simm.s32 $0x108;
	_ =	swait.ge @!p0 [sflag:s8], $0x0  }
0x24: {  	s3 =	sadd.s32 $0x88, s3;
	s6 =	simm.s32 @!p1 $0x1082;
	[sflag:s4] =	ssyncset.s32 $0xFFFFF086  }
0x25: {  	[simem:s6], [sflag:s4] =	dma.local [hbm:s3], $0xF7A  }
0x26: {  	[smem:$0x3F78] =	sst s1;
	(tag) =	ssettag s2;
	_ =	strace s9  }
0x27: {  	s1 =	sld [smem:$0x3F88]  }
0x28: {  	s2 =	sld [smem:$0x3F89]  }
0x29: {  	s4 =	sld [smem:$0x3F8B]  }
0x2a: {  	p0 =	seq.s32 s5, $0x0;
	s5 =	sld [smem:$0x3F8C]  }
0x2b: {  	s6 =	sld [smem:$0x3F8D]  }
0x2c: {  	s7 =	sld [smem:$0x3F8E]  }
0x2d: {  	s3 =	simm.s32 $0x108;
	s8 =	sld [smem:$0x3F8F]  }
0x2e: {  	s3 =	simm.s32 @!p0 $0x1082;
	s9 =	sld [smem:$0x3F90]  }
0x2f: {  	lr =	sadd.s32 s0, s3;
	s0 =	sld [smem:$0x3F87]  }
0x30: {  	s3 =	sld [smem:$0x3F8A]  }
0x31: {  	[smem:$0x3F93] =	sst s10  }
0x32: {  	s10 =	sld [smem:$0x3F91];
	_ =	sdelay $0x3  }
0x33: {  	p0 =	seq.s32 s10, $0x1;
	s10 =	sld [smem:$0x3F93];
	_ =	sdelay $0x3  }
0x34: {  	[smem:$0x3F93] =	sst s10  }
0x35: {  	s10 =	sld [smem:$0x3F92];
	_ =	sdelay $0x3  }
0x36: {  	p1 =	seq.s32 s10, $0x1;
	s10 =	sld [smem:$0x3F93];
	_ =	sdelay $0x3  }
0x37: {  	[smem:$0x3F93] =	sst s10  }
0x38: {  	s10 =	sld [smem:$0x3F94]  }
0x39: {  	_ = 	snop;
	(pc) =	sbr.ind lr, $3  }
0x3a: {  	_ = 	snop  }
0x3b: {  	_ = 	snop  }
0x3c: {  	p2 =	seq.s32 s10, $0x1;
	s10 =	sld [smem:$0x3F93]  }
0x3d: {  	_ =	shalt  }
0x3e: {  	_ =	shalt  }
0x3f: {  	_ =	shalt  }
0x40: {  	_ =	shalt  }
0x41: {  	_ =	shalt  }
0x42: {  	_ =	shalt  }
0x43: {  	_ =	shalt  }
0x44: {  	_ =	shalt  }
0x45: {  	_ =	shalt  }
0x46: {  	_ =	shalt  }
0x47: {  	_ =	shalt  }
0x48: {  	_ =	shalt  }
0x49: {  	_ =	shalt  }
0x4a: {  	_ =	shalt  }
0x4b: {  	_ =	shalt  }
0x4c: {  	_ =	shalt  }
0x4d: {  	_ =	shalt  }
0x4e: {  	_ =	shalt  }
0x4f: {  	_ =	shalt  }
0x50: {  	_ =	shalt  }
0x51: {  	_ =	shalt  }
0x52: {  	_ =	shalt  }
0x53: {  	_ =	shalt  }
0x54: {  	_ =	shalt  }
0x55: {  	_ =	shalt  }
0x56: {  	_ =	shalt  }
0x57: {  	_ =	shalt  }
0x58: {  	_ =	shalt  }
0x59: {  	_ =	shalt  }
0x5a: {  	_ =	shalt  }
0x5b: {  	_ =	shalt  }
0x5c: {  	_ =	shalt  }
0x5d: {  	_ =	shalt  }
0x5e: {  	_ =	shalt  }
0x5f: {  	_ =	shalt  }
0x60: {  	_ =	shalt  }
0x61: {  	_ =	shalt  }
0x62: {  	_ =	shalt  }
0x63: {  	_ =	shalt  }
0x64: {  	_ =	shalt  }
0x65: {  	_ =	shalt  }
0x66: {  	_ =	shalt  }
0x67: {  	_ =	shalt  }
0x68: {  	_ =	shalt  }
0x69: {  	_ =	shalt  }
0x6a: {  	_ =	shalt  }
0x6b: {  	_ =	shalt  }
0x6c: {  	_ =	shalt  }
0x6d: {  	_ =	shalt  }
0x6e: {  	_ =	shalt  }
0x6f: {  	_ =	shalt  }
0x70: {  	_ =	shalt  }
0x71: {  	_ =	shalt  }
0x72: {  	_ =	shalt  }
0x73: {  	_ =	shalt  }
0x74: {  	_ =	shalt  }
0x75: {  	_ =	shalt  }
0x76: {  	_ =	shalt  }
0x77: {  	_ =	shalt  }
0x78: {  	_ =	shalt  }
0x79: {  	_ =	shalt  }
0x7a: {  	_ =	shalt  }
0x7b: {  	_ =	shalt  }
0x7c: {  	_ =	shalt  }
0x7d: {  	_ =	shalt  }
0x7e: {  	_ =	shalt  }
0x7f: {  	_ =	shalt  }
0x80: {  	_ =	shalt  }
0x81: {  	_ =	shalt  }
0x82: {  	_ =	shalt  }
0x83: {  	_ =	shalt  }
0x84: {  	_ =	shalt  }
0x85: {  	_ =	shalt  }
0x86: {  	_ =	shalt  }
0x87: {  	_ =	shalt  }
.Lfunc_end0:
.L_simem_size_0:
called_computation.1_lowered:
.L_overlay_start_0:
0x88: {  	s2 =	sld [smem:$0x3FD9]  }
0x89: {  	s3 =	sld [smem:$0x3FFE];
	_ =	sdelay $0x1  }
0x8a: {  	s1 =	srdreg.scid  }
0x8b: {  	s0 =	sand.u32 $0x1, s1  }
0x8c: {  	s16 =	sshll.u32 s0, $0xA;
	s2 =	sadd.s32 s3, s2  }
0x8d: {  	s2 =	sadd.s32 s2, s16  }
0x8e: {  	[smem:$0x3F9F] =	sst s2  }
0x8f: {  	_ = 	snop  }
0x90: {  	(tm) =	ssettm $0x1  }
0x91: {  	s17 =	sld [smem:$0x3FFB];
	_ =	sdelay $0x3  }
0x92: {  	_ =	strace s17  }
0x93: {  	s2 =	sld [smem:$0x3FFC];
	_ =	sdelay $0x3  }
0x94: {  	_ =	strace s2  }
0x95: {  	s2 =	sld [smem:$0x3FFD];
	_ =	sdelay $0x3  }
0x96: {  	_ =	strace s2  }
0x97: {  	_ =	strace $0x8FFFFFFF  }
0x98: {  	s18 =	sld [smem:$0x3FDB];
	_ =	sdelay $0x1  }
0x99: {  	s19 =	simm.s32 $_scs_section_size  }
0x9a: {  	s4 =	simm.s32 $_size__tile_overlayer_lowered;
	s5 =	simm.s32 $_tile_overlayer_lowered  }
0x9b: {  	s22 =	simm.s32 $0x1BFF;
	s21 =	sshll.u32 s5, $0x1;
	s2 =	sadd.s32 s19, s18  }
0x9c: {  	s6 =	simm.s32 $0x0;
	s20 =	sshll.u32 s4, $0x1;
	s4 =	sadd.s32 s21, s2  }
0x9d: {  	[timem:s6], [sflag:s22] =	dma.local [hbm:s4], s20  }
0x9e: {  	_ =	swait.ge [sflag:s22], s20  }
0x9f: {  	s3 =	ssub.s32 $0x0, s20;
	[sflag:s22] =	ssyncset.done $0x0  }
0xa0: {  	[sflag:s22] =	ssyncadd.s32 s3;
	_ =	sdelay $0x1  }
0xa1: {  	s23 =	simm.s32 $0x1B8B  }
0xa2: {  	_ =	swait.ge [sflag:s23], $0x1  }
0xa3: {  	[sflag:s23] =	ssyncset.done $0x0  }
0xa4: {  	s25 =	simm.s32 $0x1B8E;
	s24 =	sld [smem:$0x3FFE];
	[sflag:s23] =	ssyncadd.s32 $0xFFFFFFFF  }
0xa5: {  	s26 =	simm.s32 $execute0_lowered;
	[smem:$0x3FD2] =	sst s25  }
0xa6: {  	s4 =	sshll.u32 s26, $0x1;
	_ =	strace $0x80000049;
	[dreg:$0x1] =	wrdreg $0xFFFFFFFF  }
0xa7: {  	s28 =	simm.s32 $_size_execute0_lowered;
	s2 =	sadd.s32 s2, s4;
	[dreg:$0x0] =	wrdreg $0x0  }
0xa8: {  	s4 =	sshll.u32 s28, $0x1;
	[dreg:$0x2] =	wrdreg s2  }
0xa9: {  	[dreg:$0x3] =	wrdreg s4  }
0xaa: {  	[dreg:$0x4] =	wrdreg $0xC0  }
0xab: {  	_ =	task [dreg:s6], $0x5FFFF  }
0xac: {  	[dreg:$0x1] =	wrdreg $0xFFFFFFFF  }
0xad: {  	[dreg:$0x0] =	wrdreg $0x60  }
0xae: {  	[dreg:$0x2] =	wrdreg s24  }
0xaf: {  	[dreg:$0x3] =	wrdreg $0x9  }
0xb0: {  	_ =	task.clear_ibuf [dreg:s6], $0x4FFFF;
	_ =	strace $0x90000049  }
0xb1: {  	s29 =	simm.s32 $0x9;
	_ =	strace $0x8000004B  }
0xb2: {  	_ =	swait.ge [sflag:s29], $0x1  }
0xb3: {  	[sflag:s29] =	ssyncadd.s32 $0xFFFFFFFF  }
0xb4: {  	_ =	strace $0x9000004B  }
0xb5: {  	_ =	sfence  }
0xb6: {  	s30 =	sld [smem:$0x0];
	_ =	sdelay $0x2  }
0xb7: {  	s31 =	sshll.u32 s1, $0xD;
	s1 =	sshrl.u32 s1, $0x2  }
0xb8: {  	s3 =	sand.u32 $0x4000, s31;
	s1 =	sadd.s32 s1, s30  }
0xb9: {  	s0 =	sor.u32 s3, s0;
	s1 =	sshll.u32 s1, $0x11  }
0xba: {  	s0 =	sor.u32 s1, s0  }
0xbb: {  	s0 =	sadd.s32 $0x8F2B, s0  }
0xbc: {  	[sflag:s0] =	ssyncadd.remote.s32 $0x1  }
0xbd: {  	_ =	sfence.sel $0xFFFF  }
0xbe: {  	[dreg:$0x0] =	wrdreg $0xFFFFFFFF;
	(pc) =	sbr.abs _section_cstart, $3  }
0xbf: {  	[dreg:$0x1] =	wrdreg $0xFFFFFFFF  }
0xc0: {  	_ =	task.clear_ibuf [dreg:s6], $0x2FFFF;
	_ =	strace $0x9FFFFFFF  }
0xc1: {  	(tm) =	ssettm $0x7FFFFFFF  }
tec
execute0_lowered:
.L_overlay_start_1:
0x0: {  	(tag) =	ssettag $0x1  }
0x1: {  	s5 =	rddreg [dreg:$0x0]  }
0x2: {  	s0 =	rddreg [dreg:$0x1]  }
0x3: {  	s2 =	simm.s32 $0x0;
	s3 =	srdreg.scid;
	s1 =	stileid.u32  }
0x4: {  	s10 =	simm.s32 $0x2;
	s11 =	simm.s32 $0x800;
	s12 =	simm.s32 $0x880  }
0x5: {  	s13 =	simm.s32 $0x1080;
	s14 =	simm.s32 $0x1880;
	s15 =	simm.s32 $0x2080  }
0x6: {  	s16 =	simm.s32 $0x2880;
	s17 =	simm.s32 $0x3080;
	s18 =	simm.s32 $0x3880  }
0x7: {  	s19 =	simm.s32 $0x4080;
	s20 =	simm.s32 $0x1;
	s21 =	simm.s32 $0x0  }
0x8: {  	[smem:$0x7FF] =	sst s2;
	s6 =	sand.u32 $0x1, s3;
	s3 =	sadd.s32 $0x367600, s5  }
0x9: {  	s8 =	sshll.u32 s1, $0x1;
	s4 =	sadd.s32 $0x7600, s5;
	s7 =	ssub.s32 $0x2, s6  }
0xa: {  	v0 =	vlaneseq.u32;
	s5 =	sadd.s32 $0x17600, s5;
	_ =	strace $0x8000004A;
	s9 =	sshrl.u32 s7, $0x1  }
0xb: {  	v1 =	vimm.s32 $0x0;
	vm0 =	vmmov $0xffff;
	v3 =	vshrl.u32 v0, $0x3;
	s6 =	sor.u32 s6, s8;
	s8 =	simm.s32 $0x80;
	s7 =	ssub.s32 s7, s9  }
0xc: {  	v2 =	vand.u32 $0x7, v0;
	v4 =	vor.u32 $0x8, v0;
	v3 =	vmul.u32 $0x8, v3;
	s6 =	smul.u32 $0xD, s6;
	s9 =	simm.s32 $0x400;
	s7 =	smax.u32 s7, $0x1  }
.LBB2_1:
0xd: {  	s22 =	simm.s32 $0x0  }
.LBB2_2:
0xe: {  	s23 =	sadd.s32 s6, s22  }
0xf: {  	s24 =	sshll.u32 s23, $0x4  }
0x10: {  	s25 =	sshll.u32 s23, $0x8;
	s24 =	sand.u32 $0x70, s24  }
0x11: {  	s25 =	sand.u32 $0xFFFF800, s25;
	s24 =	sadd.s32 s3, s24  }
0x12: {  	s25 =	sadd.s32 s25, s24;
	s24 =	simm.s32 $0x0  }
0x13: {  	[tilespmem:s24], [sflag:$0x2] =	stream.strided.gather [hbm4b:s25+s8], $0x800, s9, s8, $0x38;
	[tilespmem:$0x4880] =	vst v63  }
0x14: {  	_ =	swait.ge [sflag:s10], $0x800  }
0x15: {  	[sflag:s10] =	ssyncset.done $0x0  }
0x16: {  	[sflag:s10] =	ssyncadd.s32 $0xFFFFF800  }
0x17: {  	[tilespmem:$0x800] =	vst v1  }
0x18: {  	[tilespmem:$0x810] =	vst v1  }
0x19: {  	[tilespmem:$0x820] =	vst v1  }
0x1a: {  	[tilespmem:$0x830] =	vst v1  }
0x1b: {  	[tilespmem:$0x840] =	vst v1  }
0x1c: {  	[tilespmem:$0x850] =	vst v1  }
0x1d: {  	[tilespmem:$0x860] =	vst v1  }
0x1e: {  	s26 =	simm.s32 $0x20;
	s25 =	simm.s32 $0xFFFFFFFC;
	[tilespmem:$0x870] =	vst v1  }
.LBB2_3:
0x1f: {  	v5 =	vld [tilespmem:s26+$0xFFFFFFE0];
	_ =	sdelay $0x4  }
0x20: {  	vm1 =	vgt.s32 v5, $0xFFFFFFFF;
	_ =	sdelay $0x4  }
0x21: {  	v6 =	vor.u32 s24, v0  }
0x22: {  	[tilespmem:v5+s11+$0x0] =	vst.idx.msk vm1, v6  }
0x23: {  	v5 =	vld [tilespmem:s26+$0xFFFFFFF0];
	_ =	sdelay $0x4  }
0x24: {  	vm1 =	vgt.s32 v5, $0xFFFFFFFF;
	_ =	sdelay $0x3  }
0x25: {  	s28 =	sadd.s32 $0x10, s24  }
0x26: {  	v6 =	vor.u32 s28, v0  }
0x27: {  	[tilespmem:v5+s11+$0x0] =	vst.idx.msk vm1, v6  }
0x28: {  	v5 =	vld [tilespmem:s26+$0x0];
	_ =	sdelay $0x4  }
0x29: {  	vm1 =	vgt.s32 v5, $0xFFFFFFFF;
	_ =	sdelay $0x3  }
0x2a: {  	s30 =	sadd.s32 $0x20, s24  }
0x2b: {  	v6 =	vor.u32 s30, v0  }
0x2c: {  	[tilespmem:v5+s11+$0x0] =	vst.idx.msk vm1, v6  }
0x2d: {  	v5 =	vld [tilespmem:s26+$0x10];
	_ =	sdelay $0x4  }
0x2e: {  	s25 =	sadd.s32 $0x4, s25;
	vm1 =	vgt.s32 v5, $0xFFFFFFFF  }
0x2f: {  	p0 =	slt.u32 s25, $0x7C  }
.Ltmp0:
0x30: {  	_ = 	snop;
	(pc) =	sbr.rel @p0 .LBB2_3-.Ltmp0, $4  }
0x31: {  	_ = 	snop  }
0x32: {  	s31 =	sadd.s32 $0x30, s24  }
0x33: {  	v6 =	vor.u32 s31, v0  }
0x34: {  	s24 =	sadd.s32 $0x40, s24;
	s26 =	sadd.s32 $0x40, s26;
	[tilespmem:v5+s11+$0x0] =	vst.idx.msk vm1, v6  }
0x35: {  	v5 =	vld [tilespmem:$0x800];
	_ =	sdelay $0x4  }
0x36: {  	v6 =	vshll.u32 v5, $0x1  }
0x37: {  	v5 =	vand.u32 $0x7, v5;
	v6 =	vand.u32 $0xFFFFFFF0, v6  }
0x38: {  	v5 =	vor.u32 v5, v6  }
0x39: {  	v6 =	vperm.xlane v5, v2;
	_ =	sdelay $0x1  }
0x3a: {  	v5 =	vperm.xlane v5, v4;
	v6 =	vadd.s32 v3, v6;
	_ =	sdelay $0x1  }
0x3b: {  	v5 =	vadd.s32 v3, v5;
	_ =	sdelay $0x2  }
0x3c: {  	[tilespmem:s12], [sflag:$0x1] =	stream.indirect_vreg.gather [hbm4b:s4+s2], $0x80, v6, vm0, $0xb8;
	[tilespmem:$0x4880] =	vst v63  }
0x3d: {  	_ = 	snop  }
0x3e: {  	[tilespmem:s13], [sflag:$0x1] =	stream.indirect_vreg.gather [hbm4b:s4+s2], $0x80, v5, vm0, $0xb8;
	[tilespmem:$0x4880] =	vst v63  }
0x3f: {  	v5 =	vld [tilespmem:$0x810];
	_ =	sdelay $0x4  }
0x40: {  	v6 =	vshll.u32 v5, $0x1  }
0x41: {  	v5 =	vand.u32 $0x7, v5;
	v6 =	vand.u32 $0xFFFFFFF0, v6  }
0x42: {  	v5 =	vor.u32 v5, v6  }
0x43: {  	v6 =	vperm.xlane v5, v2;
	_ =	sdelay $0x1  }
0x44: {  	v5 =	vperm.xlane v5, v4;
	v6 =	vadd.s32 v3, v6;
	_ =	sdelay $0x1  }
0x45: {  	v5 =	vadd.s32 v3, v5;
	_ =	sdelay $0x2  }
0x46: {  	[tilespmem:s14], [sflag:$0x1] =	stream.indirect_vreg.gather [hbm4b:s4+s2], $0x80, v6, vm0, $0xb8;
	[tilespmem:$0x4880] =	vst v63  }
0x47: {  	_ = 	snop  }
0x48: {  	[tilespmem:s15], [sflag:$0x1] =	stream.indirect_vreg.gather [hbm4b:s4+s2], $0x80, v5, vm0, $0xb8;
	[tilespmem:$0x4880] =	vst v63  }
0x49: {  	v5 =	vld [tilespmem:$0x820];
	_ =	sdelay $0x4  }
0x4a: {  	v6 =	vshll.u32 v5, $0x1  }
0x4b: {  	v5 =	vand.u32 $0x7, v5;
	v6 =	vand.u32 $0xFFFFFFF0, v6  }
0x4c: {  	v5 =	vor.u32 v5, v6  }
0x4d: {  	v6 =	vperm.xlane v5, v2;
	_ =	sdelay $0x1  }
0x4e: {  	v5 =	vperm.xlane v5, v4;
	v6 =	vadd.s32 v3, v6;
	_ =	sdelay $0x1  }
0x4f: {  	v5 =	vadd.s32 v3, v5;
	_ =	sdelay $0x2  }
0x50: {  	[tilespmem:s16], [sflag:$0x1] =	stream.indirect_vreg.gather [hbm4b:s4+s2], $0x80, v6, vm0, $0xb8;
	[tilespmem:$0x4880] =	vst v63  }
0x51: {  	_ = 	snop  }
0x52: {  	[tilespmem:s17], [sflag:$0x1] =	stream.indirect_vreg.gather [hbm4b:s4+s2], $0x80, v5, vm0, $0xb8;
	[tilespmem:$0x4880] =	vst v63  }
0x53: {  	v5 =	vld [tilespmem:$0x830];
	_ =	sdelay $0x4  }
0x54: {  	v6 =	vshll.u32 v5, $0x1  }
0x55: {  	v5 =	vand.u32 $0x7, v5;
	v6 =	vand.u32 $0xFFFFFFF0, v6  }
0x56: {  	v5 =	vor.u32 v5, v6  }
0x57: {  	v6 =	vperm.xlane v5, v2;
	_ =	sdelay $0x1  }
0x58: {  	v5 =	vperm.xlane v5, v4;
	v6 =	vadd.s32 v3, v6;
	_ =	sdelay $0x1  }
0x59: {  	v5 =	vadd.s32 v3, v5;
	_ =	sdelay $0x2  }
0x5a: {  	[tilespmem:s18], [sflag:$0x1] =	stream.indirect_vreg.gather [hbm4b:s4+s2], $0x80, v6, vm0, $0xb8;
	[tilespmem:$0x4880] =	vst v63  }
0x5b: {  	_ = 	snop  }
0x5c: {  	[tilespmem:s19], [sflag:$0x1] =	stream.indirect_vreg.gather [hbm4b:s4+s2], $0x80, v5, vm0, $0xb8;
	[tilespmem:$0x4880] =	vst v63  }
0x5d: {  	s22 =	sadd.s32 $0x1, s22;
	_ =	swait.ge [sflag:s20], $0x4000  }
0x5e: {  	s23 =	sshll.u32 s23, $0xB;
	p0 =	sne.s32 s22, $0xD;
	[sflag:s20] =	ssyncset.done $0x0  }
.Ltmp1:
0x5f: {  	s23 =	sadd.s32 s5, s23;
	[sflag:s20] =	ssyncadd.s32 $0xFFFFC000;
	(pc) =	sbr.rel @p0 .LBB2_2-.Ltmp1, $4  }
0x60: {  	[hbm4b:s23+s2] =	stream.linear.scatter [tilespmem:s12], [sflag:$0x2], $0x4000, $0x38;
	[tilespmem:$0x4880] =	vst v63  }
0x61: {  	_ =	swait.ge [sflag:s10], $0x4000  }
0x62: {  	[sflag:s10] =	ssyncset.done $0x0  }
0x63: {  	[sflag:s10] =	ssyncadd.s32 $0xFFFFC000  }
0x64: {  	s21 =	sadd.s32 $0x1, s21  }
0x65: {  	p0 =	sne.s32 s21, s7  }
.Ltmp2:
0x66: {  	_ = 	snop;
	(pc) =	sbr.rel @p0 .LBB2_1-.Ltmp2, $1  }
0x67: {  	_ =	sdelay $0x3  }
0x68: {  	_ =	sfence.sel $0x180000  }
0x69: {  	[bflag:$0x0] =	sbarrier.arrive $0xFFFF  }
0x6a: {  	p0 =	sne.s32 s1, $0x0;
	_ =	strace $0x9000004A  }
0x6b: {  	s0 =	sadd.s32 @!p0 $0x100000, s0;
	[bflag:$0x2] =	sbarrier.arrive $0xFFFF  }
0x6c: {  	[sflag:s0] =	ssyncadd.tile.s32 @!p0 $0x1;
	_ =	shalt  }
.Lfunc_end2:
_tile_overlayer_lowered:
.L_overlay_start_2:
0x6d: {  	(tag) =	ssettag $0x2  }
0x6e: {  	s0 =	rddreg [dreg:$0x0];
	s2 =	stileid.u32  }
0x6f: {  	s1 =	rddreg [dreg:$0x1];
	p0 =	sne.s32 s2, $0x0  }
0x70: {  	s3 =	rddreg [dreg:$0x2];
	[bflag:$0x3] =	sbarrier.arrive $0xFFFF;
	s2 =	simm.s32 @!p0 $0x1C02  }
0x71: {  	[timem:s3], [sflag:s2] =	dma.local @!p0 [hbm:s0], s1  }
0x72: {  	s0 =	simm.s32 @!p0 $0x2  }
0x73: {  	_ =	swait.ge @!p0 [sflag:s0], s1  }
0x74: {  	s1 =	ssub.s32 @!p0 $0x0, s1;
	[sflag:s0] =	ssyncset.done @!p0 $0x0  }
0x75: {  	[sflag:s0] =	ssyncadd.s32 @!p0 s1  }
0x76: {  	[bflag:$0x3] =	sbarrier.arrive $0xFFFF  }
0x77: {  	_ =	shalt  }

</sc_bundles>
